<compile_context>
chip_gen: v7x
topology: tpu7x:2x2x1
jax: 0.10.2.dev20260603
libtpu: 0.0.44.dev20260713+nightly
codegen_flags: <defaults>
</compile_context>

<pallas_src>
import functools

import jax
import jax.numpy as jnp
from jax import lax
from jax.experimental import pallas as pl
from jax.experimental.pallas import tpu as pltpu
from jax.experimental.pallas import tpu_sc as plsc

N = 10000
E = 320000
D = 128

NC = 2
NS = 16
NW = NC * NS
EPT = E // NW
CH = 80
NITER = EPT // CH

STRIPE = 640
LAST = N - 15 * STRIPE
BM = 2000
GRID = N // BM

_MESH = plsc.VectorSubcoreMesh(
    core_axis_name="c", subcore_axis_name="s", num_cores=NC, num_subcores=NS
)


def _stripe_copy(do_copy):
    s = lax.axis_index("s")

    @pl.when(s < 15)
    def _():
        off = pl.multiple_of(s * STRIPE, 8)
        do_copy(off, STRIPE)

    @pl.when(s == 15)
    def _():
        do_copy(15 * STRIPE, LAST)


@functools.partial(
    pl.kernel,
    out_type=jax.ShapeDtypeStruct((2 * N,), jnp.float32),
    mesh=_MESH,
    scratch_types=[
        pltpu.VMEM((EPT,), jnp.int32),
        pltpu.VMEM((N,), jnp.float32),
        pltpu.VMEM((NS * STRIPE,), jnp.float32),
        pltpu.VMEM((STRIPE,), jnp.float32),
        pltpu.VMEM_SHARED((NS * N,), jnp.float32),
        pltpu.SemaphoreType.DMA,
    ],
    compiler_params=pltpu.CompilerParams(needs_layout_passes=False),
)
def _sc_hist(edge_hbm, hist_hbm, didx, hloc, tbuf, obuf, shared, isem):
    c = lax.axis_index("c")
    s = lax.axis_index("s")
    t = c * NS + s
    zero16 = jnp.zeros((16,), jnp.float32)
    ones16 = jnp.ones((16,), jnp.float32)

    base = pl.multiple_of(t * EPT, 8)
    idma = pltpu.async_copy(edge_hbm.at[pl.ds(E + base, EPT)], didx, isem)

    def z_body(i, carry):
        hloc[pl.ds(i * 16, 16)] = zero16
        return carry

    lax.fori_loop(0, N // 16, z_body, 0)
    idma.wait()

    def e_body(i, carry):
        idx = didx[pl.ds(i * 16, 16)]
        plsc.addupdate_scatter(hloc, [idx], ones16)
        return carry

    lax.fori_loop(0, EPT // 16, e_body, 0)
    pltpu.sync_copy(hloc, shared.at[pl.ds(pl.multiple_of(s * N, 8), N)])
    plsc.subcore_barrier()

    def reduce_stripe(off, size):
        for r in range(NS):
            pltpu.sync_copy(
                shared.at[pl.ds(r * N + off, size)],
                tbuf.at[pl.ds(r * STRIPE, size)],
            )

        def r_body(j, carry):
            acc = tbuf[pl.ds(j * 16, 16)]
            for r in range(1, NS):
                acc = acc + tbuf[pl.ds(r * STRIPE + j * 16, 16)]
            obuf[pl.ds(j * 16, 16)] = acc
            return carry

        lax.fori_loop(0, size // 16, r_body, 0)
        pltpu.sync_copy(
            obuf.at[pl.ds(0, size)], hist_hbm.at[pl.ds(c * N + off, size)]
        )

    _stripe_copy(reduce_stripe)


@functools.partial(
    pl.kernel,
    out_type=jax.ShapeDtypeStruct((2 * N, D), jnp.float32),
    mesh=_MESH,
    scratch_types=[
        pltpu.VMEM((EPT,), jnp.int32),
        pltpu.VMEM((EPT,), jnp.int32),
        pltpu.VMEM((CH, D), jnp.float32),
        pltpu.VMEM((CH, D), jnp.float32),
        pltpu.VMEM_SHARED((N, D), jnp.float32),
        pltpu.SemaphoreType.DMA,
        pltpu.SemaphoreType.DMA,
        pltpu.SemaphoreType.DMA,
    ],
)
def _sc_scatter(edge_hbm, z_hbm, zeros_hbm, out_hbm, sidx, didx,
                rows0, rows1, shared, gsem0, gsem1, isem):
    c = lax.axis_index("c")
    s = lax.axis_index("s")
    t = c * NS + s
    base = pl.multiple_of(t * EPT, 8)
    pltpu.async_copy(edge_hbm.at[pl.ds(base, EPT)], sidx, isem).wait()
    idma = pltpu.async_copy(edge_hbm.at[pl.ds(E + base, EPT)], didx, isem)
    _stripe_copy(
        lambda off, size: pltpu.sync_copy(
            zeros_hbm.at[pl.ds(0, size)], shared.at[pl.ds(off, size)]
        )
    )
    idma.wait()
    plsc.subcore_barrier()

    def gather(i, rows, gsem):
        off = pl.multiple_of(i * CH, 8)
        pltpu.async_copy(z_hbm.at[sidx.at[pl.ds(off, CH)]], rows, gsem)

    def gwait(rows, gsem):
        pltpu.make_async_copy(z_hbm.at[pl.ds(0, CH)], rows, gsem).wait()

    def scatter(i, rows):
        off = pl.multiple_of(i * CH, 8)
        pltpu.sync_copy(rows, shared.at[didx.at[pl.ds(off, CH)]], add=True)

    gather(0, rows0, gsem0)
    gather(1, rows1, gsem1)

    def body(k, carry):
        i0 = 2 * k
        gwait(rows0, gsem0)
        scatter(i0, rows0)
        gather(jnp.minimum(i0 + 2, NITER - 1), rows0, gsem0)
        gwait(rows1, gsem1)
        scatter(i0 + 1, rows1)
        gather(jnp.minimum(i0 + 3, NITER - 1), rows1, gsem1)
        return carry

    lax.fori_loop(0, (NITER - 1) // 2, body, 0)
    gwait(rows0, gsem0)
    scatter(NITER - 1, rows0)
    gwait(rows1, gsem1)
    plsc.subcore_barrier()
    _stripe_copy(
        lambda off, size: pltpu.sync_copy(
            shared.at[pl.ds(off, size)], out_hbm.at[pl.ds(c * N + off, size)]
        )
    )


def _dinv(h0, h1):
    deg = 1.0 + h0[...] + h1[...]
    return lax.rsqrt(deg).reshape(BM, 1)


def _tc_a_body(x_ref, w1_ref, h0_ref, h1_ref, z1_ref):
    dinv = _dinv(h0_ref, h1_ref)
    y = jnp.dot(x_ref[...], w1_ref[...], preferred_element_type=jnp.float32)
    z1_ref[...] = y * dinv


def _tc_b_body(p0_ref, p1_ref, z1_ref, h0_ref, h1_ref, w2_ref, b1_ref, z2_ref):
    dinv = _dinv(h0_ref, h1_ref)
    h = dinv * (p0_ref[...] + p1_ref[...] + z1_ref[...]) + b1_ref[...]
    h = jnp.maximum(h, 0.0)
    y = jnp.dot(h, w2_ref[...], preferred_element_type=jnp.float32)
    z2_ref[...] = y * dinv


def _tc_c_body(q0_ref, q1_ref, z2_ref, h0_ref, h1_ref, b2_ref, out_ref):
    dinv = _dinv(h0_ref, h1_ref)
    o = dinv * (q0_ref[...] + q1_ref[...] + z2_ref[...]) + b2_ref[...]
    m = jnp.max(o, axis=1, keepdims=True)
    ex = jnp.exp(o - m)
    lse = jnp.log(jnp.sum(ex, axis=1, keepdims=True)) + m
    out_ref[...] = o - lse


def _row_spec(shift=0, width=D):
    return pl.BlockSpec((BM, width), lambda i, s=shift: (i + s, 0))


def _h_spec(shift=0):
    return pl.BlockSpec((1, 1, BM), lambda i, s=shift: (i + s, 0, 0))


def _full_spec(shape):
    return pl.BlockSpec(shape, lambda i: (0, 0))


def kernel(x, edge_index, W1, b1, W2, b2):
    ei = edge_index.reshape(2 * E)
    zeros128 = jnp.zeros((STRIPE, D), jnp.float32)
    b1r = b1.reshape(1, D)
    b2r = b2.reshape(1, D)

    hist = _sc_hist(ei).reshape(2 * GRID, 1, BM)

    z1 = pl.pallas_call(
        _tc_a_body,
        grid=(GRID,),
        in_specs=[
            _row_spec(),
            _full_spec((D, D)),
            _h_spec(),
            _h_spec(shift=GRID),
        ],
        out_specs=_row_spec(),
        out_shape=jax.ShapeDtypeStruct((N, D), jnp.float32),
    )(x, W1, hist, hist)

    p = _sc_scatter(ei, z1, zeros128)

    z2 = pl.pallas_call(
        _tc_b_body,
        grid=(GRID,),
        in_specs=[
            _row_spec(),
            _row_spec(shift=GRID),
            _row_spec(),
            _h_spec(),
            _h_spec(shift=GRID),
            _full_spec((D, D)),
            _full_spec((1, D)),
        ],
        out_specs=_row_spec(),
        out_shape=jax.ShapeDtypeStruct((N, D), jnp.float32),
    )(p, p, z1, hist, hist, W2, b1r)

    q = _sc_scatter(ei, z2, zeros128)

    out = pl.pallas_call(
        _tc_c_body,
        grid=(GRID,),
        in_specs=[
            _row_spec(),
            _row_spec(shift=GRID),
            _row_spec(),
            _h_spec(),
            _h_spec(shift=GRID),
            _full_spec((1, D)),
        ],
        out_specs=_row_spec(),
        out_shape=jax.ShapeDtypeStruct((N, D), jnp.float32),
    )(q, q, z2, hist, hist, b2r)

    return out

# --- scband reference (transcript-rebuilt; emitter-appended) ---
"""Pipeline reference for scband-model-shallow-82592221102830 (READ-ONLY COPY).

The authoritative reference and input builder live on the scoring server;
editing this copy changes nothing except your own understanding.
"""

import jax, jax.numpy as jnp
import numpy as np

N = 10000
E = 320000
D_IN = 128
D_H = 128
D_OUT = 128


def gcn_conv(x, edge_index, W, b):
    num_nodes = x.shape[0]
    # linear transform first (as in PyG GCNConv)
    x = x @ W
    # add self-loops
    loop = jnp.arange(num_nodes, dtype=edge_index.dtype)
    src = jnp.concatenate([edge_index[0], loop])
    dst = jnp.concatenate([edge_index[1], loop])
    # symmetric normalization: deg^{-1/2} (A+I) deg^{-1/2}
    ones = jnp.ones(src.shape[0], dtype=x.dtype)
    deg = jax.ops.segment_sum(ones, dst, num_segments=num_nodes)
    dinv = jnp.where(deg > 0, jax.lax.rsqrt(deg), 0.0)
    norm = dinv[src] * dinv[dst]
    # gather messages, scale, scatter-add
    msg = jnp.take(x, src, axis=0) * norm[:, None]
    agg = jax.ops.segment_sum(msg, dst, num_segments=num_nodes)
    return agg + b


def setup_inputs(seed: int = 0) -> dict:
    key = jax.random.key(seed)
    k1, k2, k3, k4, k5, k6 = jax.random.split(key, 6)
    x = jax.random.normal(k1, (N, D_IN), dtype=jnp.float32)
    edge_index = jax.random.randint(k2, (2, E), 0, N, dtype=jnp.int32)
    W1 = jax.random.normal(k3, (D_IN, D_H), dtype=jnp.float32) * (1.0 / np.sqrt(D_IN))
    b1 = jnp.zeros((D_H,), dtype=jnp.float32)
    W2 = jax.random.normal(k4, (D_H, D_OUT), dtype=jnp.float32) * (1.0 / np.sqrt(D_H))
    b2 = jnp.zeros((D_OUT,), dtype=jnp.float32)
    return {"x": x, "edge_index": edge_index, "W1": W1, "b1": b1, "W2": W2, "b2": b2}


def reference(x, edge_index, W1, b1, W2, b2):
    h = jax.nn.relu(gcn_conv(x, edge_index, W1, b1))
    h = gcn_conv(h, edge_index, W2, b2)
    return jax.nn.log_softmax(h, axis=1)

if __name__ == "__main__":
    import jax
    _d = setup_inputs()
    print(jax.jit(kernel)(*tuple(_d.values())))

</pallas_src>

<mosaic_0001>
#map = affine_map<(d0, d1) -> (0)>
module attributes {stable_mosaic.version = 14 : i64} {
  func.func @_sc_hist(%arg0: i32, %arg1: i32, %arg2: memref<640000xi32, #tpu.memory_space<hbm>>, %arg3: memref<20000xf32, #tpu.memory_space<hbm>>, %arg4: memref<10000xi32, #tpu.memory_space<vmem>>, %arg5: memref<10000xf32, #tpu.memory_space<vmem>>, %arg6: memref<10240xf32, #tpu.memory_space<vmem>>, %arg7: memref<640xf32, #tpu.memory_space<vmem>>, %arg8: memref<160000xf32, #tpu.memory_space<vmem_shared>>, %arg9: memref<!tpu.dma_semaphore, #tpu.memory_space<semaphore_mem>>) attributes {dimension_semantics = [#tpu.dimension_semantics<core_parallel>, #tpu.dimension_semantics<subcore_parallel>], iteration_bounds = array<i64: 2, 16>, scalar_prefetch = 0 : i64, scratch_operands = 6 : i64, tpu.core_type = #tpu.core_type<sc_vector_subcore>, window_params = [{transform_indices = #map}, {transform_indices = #map}]} {
    %mul3A = arith.constant 16 : i32
    %mul3A_0 = arith.muli %arg0, %mul3A : i32
    %add3A = arith.addi %mul3A_0, %arg1 : i32
    %broadcast_in_dim3A = arith.constant 0.000000e+00 : f32
    %broadcast_in_dim3A_1 = vector.broadcast %broadcast_in_dim3A : f32 to vector<16xf32>
    %broadcast_in_dim3A_2 = arith.constant 1.000000e+00 : f32
    %broadcast_in_dim3A_3 = vector.broadcast %broadcast_in_dim3A_2 : f32 to vector<16xf32>
    %mul3A_4 = arith.constant 10000 : i32
    %mul3A_5 = arith.muli %add3A, %mul3A_4 : i32
    %multiple_of3A = tpu.assume_multiple %mul3A_5, 8 : i32
    %add3A_6 = arith.constant 320000 : i32
    %add3A_7 = arith.addi %add3A_6, %multiple_of3A : i32
    %dma_start3A = tpu.memref_slice %arg2[%add3A_7] : memref<640000xi32, #tpu.memory_space<hbm>> -> memref<10000xi32, #tpu.memory_space<hbm>>
    %dma_start3A_8 = tpu.memref_slice %arg2[%add3A_7] : memref<640000xi32, #tpu.memory_space<hbm>> -> memref<10000xi32, #tpu.memory_space<hbm>>
    tpu.enqueue_dma source(%dma_start3A_8 : memref<10000xi32, #tpu.memory_space<hbm>>) target(%arg4 : memref<10000xi32, #tpu.memory_space<vmem>>) target_semaphore(%arg9 : memref<!tpu.dma_semaphore, #tpu.memory_space<semaphore_mem>>)
    %scan3A = arith.constant 0 : i32
    %scan3A_9 = arith.constant 0 : i32
    %scan3A_10 = arith.constant 625 : i32
    %scan3A_11 = arith.addi %scan3A_9, %scan3A_10 : i32
    %scan3A_12 = arith.constant 1 : i32
    scf.for %scan3A_30 = %scan3A_9 to %scan3A_11 step %scan3A_12  : i32 {
      %mul3A_31 = arith.constant 16 : i32
      %mul3A_32 = arith.muli %scan3A_30, %mul3A_31 : i32
      %swap3A = arith.index_cast %mul3A_32 : i32 to index
      %swap3A_33 = tpu.vector_load %arg5[%swap3A] {strides = array<i32>} : memref<10000xf32, #tpu.memory_space<vmem>>, vector<16xf32>,
      tpu.vector_store %arg5[%swap3A], %broadcast_in_dim3A_1 {strides = array<i32>} : memref<10000xf32, #tpu.memory_space<vmem>>, vector<16xf32>,
    }
    %scan3A_13 = arith.constant 625 : i32
    %dma_wait3A = tpu.memref_slice %arg2[%add3A_7] : memref<640000xi32, #tpu.memory_space<hbm>> -> memref<10000xi32, #tpu.memory_space<hbm>>
    %dma_wait3A_14 = tpu.memref_slice %arg2[%add3A_7] : memref<640000xi32, #tpu.memory_space<hbm>> -> memref<10000xi32, #tpu.memory_space<hbm>>
    tpu.wait_dma2 semaphore(%arg9 : memref<!tpu.dma_semaphore, #tpu.memory_space<semaphore_mem>>) src(%dma_wait3A_14 : memref<10000xi32, #tpu.memory_space<hbm>>) dst(%arg4 : memref<10000xi32, #tpu.memory_space<vmem>>)
    %scan3A_15 = arith.constant 0 : i32
    %scan3A_16 = arith.constant 0 : i32
    %scan3A_17 = arith.constant 625 : i32
    %scan3A_18 = arith.addi %scan3A_16, %scan3A_17 : i32
    %scan3A_19 = arith.constant 1 : i32
    scf.for %scan3A_30 = %scan3A_16 to %scan3A_18 step %scan3A_19  : i32 {
      %mul3A_31 = arith.constant 16 : i32
      %mul3A_32 = arith.muli %scan3A_30, %mul3A_31 : i32
      %get3A = arith.index_cast %mul3A_32 : i32 to index
      %get3A_33 = tpu.vector_load %arg4[%get3A] {strides = array<i32>} : memref<10000xi32, #tpu.memory_space<vmem>>, vector<16xi32>,
      tpu.vector_store_idx %arg5[%get3A_33], %broadcast_in_dim3A_3 {add = true} : memref<10000xf32, #tpu.memory_space<vmem>>[vector<16xi32>], vector<16xf32>,
    }
    %scan3A_20 = arith.constant 625 : i32
    %mul3A_21 = arith.constant 10000 : i32
    %mul3A_22 = arith.muli %arg1, %mul3A_21 : i32
    %multiple_of3A_23 = tpu.assume_multiple %mul3A_22, 8 : i32
    "tpu.region"() ({
      %run_scoped3A = tpu.sem_alloc : memref<!tpu.dma_semaphore, #tpu.memory_space<semaphore_mem>>
      %dma_start3A_30 = tpu.memref_slice %arg8[%multiple_of3A_23] : memref<160000xf32, #tpu.memory_space<vmem_shared>> -> memref<10000xf32, #tpu.memory_space<vmem_shared>>
      %dma_start3A_31 = tpu.memref_slice %arg8[%multiple_of3A_23] : memref<160000xf32, #tpu.memory_space<vmem_shared>> -> memref<10000xf32, #tpu.memory_space<vmem_shared>>
      tpu.enqueue_dma source(%arg5 : memref<10000xf32, #tpu.memory_space<vmem>>) target(%dma_start3A_31 : memref<10000xf32, #tpu.memory_space<vmem_shared>>) target_semaphore(%run_scoped3A : memref<!tpu.dma_semaphore, #tpu.memory_space<semaphore_mem>>)
      %dma_wait3A_32 = tpu.memref_slice %arg8[%multiple_of3A_23] : memref<160000xf32, #tpu.memory_space<vmem_shared>> -> memref<10000xf32, #tpu.memory_space<vmem_shared>>
      %dma_wait3A_33 = tpu.memref_slice %arg8[%multiple_of3A_23] : memref<160000xf32, #tpu.memory_space<vmem_shared>> -> memref<10000xf32, #tpu.memory_space<vmem_shared>>
      tpu.wait_dma2 semaphore(%run_scoped3A : memref<!tpu.dma_semaphore, #tpu.memory_space<semaphore_mem>>) src(%arg5 : memref<10000xf32, #tpu.memory_space<vmem>>) dst(%dma_wait3A_33 : memref<10000xf32, #tpu.memory_space<vmem_shared>>)
      tpu.yield
    }) : () -> ()
    %barrier3A = arith.constant 0 : index
    tpu.barrier barrier_id(%barrier3A)
    %lt3A = arith.constant 15 : i32
    %lt3A_24 = arith.cmpi slt, %arg1, %lt3A : i32
    %convert_element_type3A = arith.extui %lt3A_24 : i1 to i32
    %cond3A = arith.constant 0 : i32
    %cond3A_25 = arith.cmpi ne, %convert_element_type3A, %cond3A : i32
    scf.if %cond3A_25 {
      %mul3A_30 = arith.constant 640 : i32
      %mul3A_31 = arith.muli %arg1, %mul3A_30 : i32
      %multiple_of3A_32 = tpu.assume_multiple %mul3A_31, 8 : i32
      %add3A_33 = arith.constant 0 : i32
      %add3A_34 = arith.addi %add3A_33, %multiple_of3A_32 : i32
      "tpu.region"() ({
        %run_scoped3A = tpu.sem_alloc : memref<!tpu.dma_semaphore, #tpu.memory_space<semaphore_mem>>
        %dma_start3A_74 = arith.constant 0 : i32
        %dma_start3A_75 = tpu.memref_slice %arg6[%dma_start3A_74] : memref<10240xf32, #tpu.memory_space<vmem>> -> memref<640xf32, #tpu.memory_space<vmem>>
        %dma_start3A_76 = tpu.memref_slice %arg8[%add3A_34] : memref<160000xf32, #tpu.memory_space<vmem_shared>> -> memref<640xf32, #tpu.memory_space<vmem_shared>>
        %dma_start3A_77 = arith.constant 0 : i32
        %dma_start3A_78 = tpu.memref_slice %arg6[%dma_start3A_77] : memref<10240xf32, #tpu.memory_space<vmem>> -> memref<640xf32, #tpu.memory_space<vmem>>
        %dma_start3A_79 = tpu.memref_slice %arg8[%add3A_34] : memref<160000xf32, #tpu.memory_space<vmem_shared>> -> memref<640xf32, #tpu.memory_space<vmem_shared>>
        tpu.enqueue_dma source(%dma_start3A_79 : memref<640xf32, #tpu.memory_space<vmem_shared>>) target(%dma_start3A_78 : memref<640xf32, #tpu.memory_space<vmem>>) target_semaphore(%run_scoped3A : memref<!tpu.dma_semaphore, #tpu.memory_space<semaphore_mem>>)
        %dma_wait3A_80 = arith.constant 0 : i32
        %dma_wait3A_81 = tpu.memref_slice %arg6[%dma_wait3A_80] : memref<10240xf32, #tpu.memory_space<vmem>> -> memref<640xf32, #tpu.memory_space<vmem>>
        %dma_wait3A_82 = tpu.memref_slice %arg8[%add3A_34] : memref<160000xf32, #tpu.memory_space<vmem_shared>> -> memref<640xf32, #tpu.memory_space<vmem_shared>>
        %dma_wait3A_83 = arith.constant 0 : i32
        %dma_wait3A_84 = tpu.memref_slice %arg6[%dma_wait3A_83] : memref<10240xf32, #tpu.memory_space<vmem>> -> memref<640xf32, #tpu.memory_space<vmem>>
        %dma_wait3A_85 = tpu.memref_slice %arg8[%add3A_34] : memref<160000xf32, #tpu.memory_space<vmem_shared>> -> memref<640xf32, #tpu.memory_space<vmem_shared>>
        tpu.wait_dma2 semaphore(%run_scoped3A : memref<!tpu.dma_semaphore, #tpu.memory_space<semaphore_mem>>) src(%dma_wait3A_85 : memref<640xf32, #tpu.memory_space<vmem_shared>>) dst(%dma_wait3A_84 : memref<640xf32, #tpu.memory_space<vmem>>)
        tpu.yield
      }) : () -> ()
      %add3A_35 = arith.constant 10000 : i32
      %add3A_36 = arith.addi %add3A_35, %multiple_of3A_32 : i32
      "tpu.region"() ({
        %run_scoped3A = tpu.sem_alloc : memref<!tpu.dma_semaphore, #tpu.memory_space<semaphore_mem>>
        %dma_start3A_74 = arith.constant 640 : i32
        %dma_start3A_75 = tpu.memref_slice %arg6[%dma_start3A_74] : memref<10240xf32, #tpu.memory_space<vmem>> -> memref<640xf32, #tpu.memory_space<vmem>>
        %dma_start3A_76 = tpu.memref_slice %arg8[%add3A_36] : memref<160000xf32, #tpu.memory_space<vmem_shared>> -> memref<640xf32, #tpu.memory_space<vmem_shared>>
        %dma_start3A_77 = arith.constant 640 : i32
        %dma_start3A_78 = tpu.memref_slice %arg6[%dma_start3A_77] : memref<10240xf32, #tpu.memory_space<vmem>> -> memref<640xf32, #tpu.memory_space<vmem>>
        %dma_start3A_79 = tpu.memref_slice %arg8[%add3A_36] : memref<160000xf32, #tpu.memory_space<vmem_shared>> -> memref<640xf32, #tpu.memory_space<vmem_shared>>
        tpu.enqueue_dma source(%dma_start3A_79 : memref<640xf32, #tpu.memory_space<vmem_shared>>) target(%dma_start3A_78 : memref<640xf32, #tpu.memory_space<vmem>>) target_semaphore(%run_scoped3A : memref<!tpu.dma_semaphore, #tpu.memory_space<semaphore_mem>>)
        %dma_wait3A_80 = arith.constant 640 : i32
        %dma_wait3A_81 = tpu.memref_slice %arg6[%dma_wait3A_80] : memref<10240xf32, #tpu.memory_space<vmem>> -> memref<640xf32, #tpu.memory_space<vmem>>
        %dma_wait3A_82 = tpu.memref_slice %arg8[%add3A_36] : memref<160000xf32, #tpu.memory_space<vmem_shared>> -> memref<640xf32, #tpu.memory_space<vmem_shared>>
        %dma_wait3A_83 = arith.constant 640 : i32
        %dma_wait3A_84 = tpu.memref_slice %arg6[%dma_wait3A_83] : memref<10240xf32, #tpu.memory_space<vmem>> -> memref<640xf32, #tpu.memory_space<vmem>>
        %dma_wait3A_85 = tpu.memref_slice %arg8[%add3A_36] : memref<160000xf32, #tpu.memory_space<vmem_shared>> -> memref<640xf32, #tpu.memory_space<vmem_shared>>
        tpu.wait_dma2 semaphore(%run_scoped3A : memref<!tpu.dma_semaphore, #tpu.memory_space<semaphore_mem>>) src(%dma_wait3A_85 : memref<640xf32, #tpu.memory_space<vmem_shared>>) dst(%dma_wait3A_84 : memref<640xf32, #tpu.memory_space<vmem>>)
        tpu.yield
      }) : () -> ()
      %add3A_37 = arith.constant 20000 : i32
      %add3A_38 = arith.addi %add3A_37, %multiple_of3A_32 : i32
      "tpu.region"() ({
        %run_scoped3A = tpu.sem_alloc : memref<!tpu.dma_semaphore, #tpu.memory_space<semaphore_mem>>
        %dma_start3A_74 = arith.constant 1280 : i32
        %dma_start3A_75 = tpu.memref_slice %arg6[%dma_start3A_74] : memref<10240xf32, #tpu.memory_space<vmem>> -> memref<640xf32, #tpu.memory_space<vmem>>
        %dma_start3A_76 = tpu.memref_slice %arg8[%add3A_38] : memref<160000xf32, #tpu.memory_space<vmem_shared>> -> memref<640xf32, #tpu.memory_space<vmem_shared>>
        %dma_start3A_77 = arith.constant 1280 : i32
        %dma_start3A_78 = tpu.memref_slice %arg6[%dma_start3A_77] : memref<10240xf32, #tpu.memory_space<vmem>> -> memref<640xf32, #tpu.memory_space<vmem>>
        %dma_start3A_79 = tpu.memref_slice %arg8[%add3A_38] : memref<160000xf32, #tpu.memory_space<vmem_shared>> -> memref<640xf32, #tpu.memory_space<vmem_shared>>
        tpu.enqueue_dma source(%dma_start3A_79 : memref<640xf32, #tpu.memory_space<vmem_shared>>) target(%dma_start3A_78 : memref<640xf32, #tpu.memory_space<vmem>>) target_semaphore(%run_scoped3A : memref<!tpu.dma_semaphore, #tpu.memory_space<semaphore_mem>>)
        %dma_wait3A_80 = arith.constant 1280 : i32
        %dma_wait3A_81 = tpu.memref_slice %arg6[%dma_wait3A_80] : memref<10240xf32, #tpu.memory_space<vmem>> -> memref<640xf32, #tpu.memory_space<vmem>>
        %dma_wait3A_82 = tpu.memref_slice %arg8[%add3A_38] : memref<160000xf32, #tpu.memory_space<vmem_shared>> -> memref<640xf32, #tpu.memory_space<vmem_shared>>
        %dma_wait3A_83 = arith.constant 1280 : i32
        %dma_wait3A_84 = tpu.memref_slice %arg6[%dma_wait3A_83] : memref<10240xf32, #tpu.memory_space<vmem>> -> memref<640xf32, #tpu.memory_space<vmem>>
        %dma_wait3A_85 = tpu.memref_slice %arg8[%add3A_38] : memref<160000xf32, #tpu.memory_space<vmem_shared>> -> memref<640xf32, #tpu.memory_space<vmem_shared>>
        tpu.wait_dma2 semaphore(%run_scoped3A : memref<!tpu.dma_semaphore, #tpu.memory_space<semaphore_mem>>) src(%dma_wait3A_85 : memref<640xf32, #tpu.memory_space<vmem_shared>>) dst(%dma_wait3A_84 : memref<640xf32, #tpu.memory_space<vmem>>)
        tpu.yield
      }) : () -> ()
      %add3A_39 = arith.constant 30000 : i32
      %add3A_40 = arith.addi %add3A_39, %multiple_of3A_32 : i32
      "tpu.region"() ({
        %run_scoped3A = tpu.sem_alloc : memref<!tpu.dma_semaphore, #tpu.memory_space<semaphore_mem>>
        %dma_start3A_74 = arith.constant 1920 : i32
        %dma_start3A_75 = tpu.memref_slice %arg6[%dma_start3A_74] : memref<10240xf32, #tpu.memory_space<vmem>> -> memref<640xf32, #tpu.memory_space<vmem>>
        %dma_start3A_76 = tpu.memref_slice %arg8[%add3A_40] : memref<160000xf32, #tpu.memory_space<vmem_shared>> -> memref<640xf32, #tpu.memory_space<vmem_shared>>
        %dma_start3A_77 = arith.constant 1920 : i32
        %dma_start3A_78 = tpu.memref_slice %arg6[%dma_start3A_77] : memref<10240xf32, #tpu.memory_space<vmem>> -> memref<640xf32, #tpu.memory_space<vmem>>
        %dma_start3A_79 = tpu.memref_slice %arg8[%add3A_40] : memref<160000xf32, #tpu.memory_space<vmem_shared>> -> memref<640xf32, #tpu.memory_space<vmem_shared>>
        tpu.enqueue_dma source(%dma_start3A_79 : memref<640xf32, #tpu.memory_space<vmem_shared>>) target(%dma_start3A_78 : memref<640xf32, #tpu.memory_space<vmem>>) target_semaphore(%run_scoped3A : memref<!tpu.dma_semaphore, #tpu.memory_space<semaphore_mem>>)
        %dma_wait3A_80 = arith.constant 1920 : i32
        %dma_wait3A_81 = tpu.memref_slice %arg6[%dma_wait3A_80] : memref<10240xf32, #tpu.memory_space<vmem>> -> memref<640xf32, #tpu.memory_space<vmem>>
        %dma_wait3A_82 = tpu.memref_slice %arg8[%add3A_40] : memref<160000xf32, #tpu.memory_space<vmem_shared>> -> memref<640xf32, #tpu.memory_space<vmem_shared>>
        %dma_wait3A_83 = arith.constant 1920 : i32
        %dma_wait3A_84 = tpu.memref_slice %arg6[%dma_wait3A_83] : memref<10240xf32, #tpu.memory_space<vmem>> -> memref<640xf32, #tpu.memory_space<vmem>>
        %dma_wait3A_85 = tpu.memref_slice %arg8[%add3A_40] : memref<160000xf32, #tpu.memory_space<vmem_shared>> -> memref<640xf32, #tpu.memory_space<vmem_shared>>
        tpu.wait_dma2 semaphore(%run_scoped3A : memref<!tpu.dma_semaphore, #tpu.memory_space<semaphore_mem>>) src(%dma_wait3A_85 : memref<640xf32, #tpu.memory_space<vmem_shared>>) dst(%dma_wait3A_84 : memref<640xf32, #tpu.memory_space<vmem>>)
        tpu.yield
      }) : () -> ()
      %add3A_41 = arith.constant 40000 : i32
      %add3A_42 = arith.addi %add3A_41, %multiple_of3A_32 : i32
      "tpu.region"() ({
        %run_scoped3A = tpu.sem_alloc : memref<!tpu.dma_semaphore, #tpu.memory_space<semaphore_mem>>
        %dma_start3A_74 = arith.constant 2560 : i32
        %dma_start3A_75 = tpu.memref_slice %arg6[%dma_start3A_74] : memref<10240xf32, #tpu.memory_space<vmem>> -> memref<640xf32, #tpu.memory_space<vmem>>
        %dma_start3A_76 = tpu.memref_slice %arg8[%add3A_42] : memref<160000xf32, #tpu.memory_space<vmem_shared>> -> memref<640xf32, #tpu.memory_space<vmem_shared>>
        %dma_start3A_77 = arith.constant 2560 : i32
        %dma_start3A_78 = tpu.memref_slice %arg6[%dma_start3A_77] : memref<10240xf32, #tpu.memory_space<vmem>> -> memref<640xf32, #tpu.memory_space<vmem>>
        %dma_start3A_79 = tpu.memref_slice %arg8[%add3A_42] : memref<160000xf32, #tpu.memory_space<vmem_shared>> -> memref<640xf32, #tpu.memory_space<vmem_shared>>
        tpu.enqueue_dma source(%dma_start3A_79 : memref<640xf32, #tpu.memory_space<vmem_shared>>) target(%dma_start3A_78 : memref<640xf32, #tpu.memory_space<vmem>>) target_semaphore(%run_scoped3A : memref<!tpu.dma_semaphore, #tpu.memory_space<semaphore_mem>>)
        %dma_wait3A_80 = arith.constant 2560 : i32
        %dma_wait3A_81 = tpu.memref_slice %arg6[%dma_wait3A_80] : memref<10240xf32, #tpu.memory_space<vmem>> -> memref<640xf32, #tpu.memory_space<vmem>>
        %dma_wait3A_82 = tpu.memref_slice %arg8[%add3A_42] : memref<160000xf32, #tpu.memory_space<vmem_shared>> -> memref<640xf32, #tpu.memory_space<vmem_shared>>
        %dma_wait3A_83 = arith.constant 2560 : i32
        %dma_wait3A_84 = tpu.memref_slice %arg6[%dma_wait3A_83] : memref<10240xf32, #tpu.memory_space<vmem>> -> memref<640xf32, #tpu.memory_space<vmem>>
        %dma_wait3A_85 = tpu.memref_slice %arg8[%add3A_42] : memref<160000xf32, #tpu.memory_space<vmem_shared>> -> memref<640xf32, #tpu.memory_space<vmem_shared>>
        tpu.wait_dma2 semaphore(%run_scoped3A : memref<!tpu.dma_semaphore, #tpu.memory_space<semaphore_mem>>) src(%dma_wait3A_85 : memref<640xf32, #tpu.memory_space<vmem_shared>>) dst(%dma_wait3A_84 : memref<640xf32, #tpu.memory_space<vmem>>)
        tpu.yield
      }) : () -> ()
      %add3A_43 = arith.constant 50000 : i32
      %add3A_44 = arith.addi %add3A_43, %multiple_of3A_32 : i32
      "tpu.region"() ({
        %run_scoped3A = tpu.sem_alloc : memref<!tpu.dma_semaphore, #tpu.memory_space<semaphore_mem>>
        %dma_start3A_74 = arith.constant 3200 : i32
        %dma_start3A_75 = tpu.memref_slice %arg6[%dma_start3A_74] : memref<10240xf32, #tpu.memory_space<vmem>> -> memref<640xf32, #tpu.memory_space<vmem>>
        %dma_start3A_76 = tpu.memref_slice %arg8[%add3A_44] : memref<160000xf32, #tpu.memory_space<vmem_shared>> -> memref<640xf32, #tpu.memory_space<vmem_shared>>
        %dma_start3A_77 = arith.constant 3200 : i32
        %dma_start3A_78 = tpu.memref_slice %arg6[%dma_start3A_77] : memref<10240xf32, #tpu.memory_space<vmem>> -> memref<640xf32, #tpu.memory_space<vmem>>
        %dma_start3A_79 = tpu.memref_slice %arg8[%add3A_44] : memref<160000xf32, #tpu.memory_space<vmem_shared>> -> memref<640xf32, #tpu.memory_space<vmem_shared>>
        tpu.enqueue_dma source(%dma_start3A_79 : memref<640xf32, #tpu.memory_space<vmem_shared>>) target(%dma_start3A_78 : memref<640xf32, #tpu.memory_space<vmem>>) target_semaphore(%run_scoped3A : memref<!tpu.dma_semaphore, #tpu.memory_space<semaphore_mem>>)
        %dma_wait3A_80 = arith.constant 3200 : i32
        %dma_wait3A_81 = tpu.memref_slice %arg6[%dma_wait3A_80] : memref<10240xf32, #tpu.memory_space<vmem>> -> memref<640xf32, #tpu.memory_space<vmem>>
        %dma_wait3A_82 = tpu.memref_slice %arg8[%add3A_44] : memref<160000xf32, #tpu.memory_space<vmem_shared>> -> memref<640xf32, #tpu.memory_space<vmem_shared>>
        %dma_wait3A_83 = arith.constant 3200 : i32
        %dma_wait3A_84 = tpu.memref_slice %arg6[%dma_wait3A_83] : memref<10240xf32, #tpu.memory_space<vmem>> -> memref<640xf32, #tpu.memory_space<vmem>>
        %dma_wait3A_85 = tpu.memref_slice %arg8[%add3A_44] : memref<160000xf32, #tpu.memory_space<vmem_shared>> -> memref<640xf32, #tpu.memory_space<vmem_shared>>
        tpu.wait_dma2 semaphore(%run_scoped3A : memref<!tpu.dma_semaphore, #tpu.memory_space<semaphore_mem>>) src(%dma_wait3A_85 : memref<640xf32, #tpu.memory_space<vmem_shared>>) dst(%dma_wait3A_84 : memref<640xf32, #tpu.memory_space<vmem>>)
        tpu.yield
      }) : () -> ()
      %add3A_45 = arith.constant 60000 : i32
      %add3A_46 = arith.addi %add3A_45, %multiple_of3A_32 : i32
      "tpu.region"() ({
        %run_scoped3A = tpu.sem_alloc : memref<!tpu.dma_semaphore, #tpu.memory_space<semaphore_mem>>
        %dma_start3A_74 = arith.constant 3840 : i32
        %dma_start3A_75 = tpu.memref_slice %arg6[%dma_start3A_74] : memref<10240xf32, #tpu.memory_space<vmem>> -> memref<640xf32, #tpu.memory_space<vmem>>
        %dma_start3A_76 = tpu.memref_slice %arg8[%add3A_46] : memref<160000xf32, #tpu.memory_space<vmem_shared>> -> memref<640xf32, #tpu.memory_space<vmem_shared>>
        %dma_start3A_77 = arith.constant 3840 : i32
        %dma_start3A_78 = tpu.memref_slice %arg6[%dma_start3A_77] : memref<10240xf32, #tpu.memory_space<vmem>> -> memref<640xf32, #tpu.memory_space<vmem>>
        %dma_start3A_79 = tpu.memref_slice %arg8[%add3A_46] : memref<160000xf32, #tpu.memory_space<vmem_shared>> -> memref<640xf32, #tpu.memory_space<vmem_shared>>
        tpu.enqueue_dma source(%dma_start3A_79 : memref<640xf32, #tpu.memory_space<vmem_shared>>) target(%dma_start3A_78 : memref<640xf32, #tpu.memory_space<vmem>>) target_semaphore(%run_scoped3A : memref<!tpu.dma_semaphore, #tpu.memory_space<semaphore_mem>>)
        %dma_wait3A_80 = arith.constant 3840 : i32
        %dma_wait3A_81 = tpu.memref_slice %arg6[%dma_wait3A_80] : memref<10240xf32, #tpu.memory_space<vmem>> -> memref<640xf32, #tpu.memory_space<vmem>>
        %dma_wait3A_82 = tpu.memref_slice %arg8[%add3A_46] : memref<160000xf32, #tpu.memory_space<vmem_shared>> -> memref<640xf32, #tpu.memory_space<vmem_shared>>
        %dma_wait3A_83 = arith.constant 3840 : i32
        %dma_wait3A_84 = tpu.memref_slice %arg6[%dma_wait3A_83] : memref<10240xf32, #tpu.memory_space<vmem>> -> memref<640xf32, #tpu.memory_space<vmem>>
        %dma_wait3A_85 = tpu.memref_slice %arg8[%add3A_46] : memref<160000xf32, #tpu.memory_space<vmem_shared>> -> memref<640xf32, #tpu.memory_space<vmem_shared>>
        tpu.wait_dma2 semaphore(%run_scoped3A : memref<!tpu.dma_semaphore, #tpu.memory_space<semaphore_mem>>) src(%dma_wait3A_85 : memref<640xf32, #tpu.memory_space<vmem_shared>>) dst(%dma_wait3A_84 : memref<640xf32, #tpu.memory_space<vmem>>)
        tpu.yield
      }) : () -> ()
      %add3A_47 = arith.constant 70000 : i32
      %add3A_48 = arith.addi %add3A_47, %multiple_of3A_32 : i32
      "tpu.region"() ({
        %run_scoped3A = tpu.sem_alloc : memref<!tpu.dma_semaphore, #tpu.memory_space<semaphore_mem>>
        %dma_start3A_74 = arith.constant 4480 : i32
        %dma_start3A_75 = tpu.memref_slice %arg6[%dma_start3A_74] : memref<10240xf32, #tpu.memory_space<vmem>> -> memref<640xf32, #tpu.memory_space<vmem>>
        %dma_start3A_76 = tpu.memref_slice %arg8[%add3A_48] : memref<160000xf32, #tpu.memory_space<vmem_shared>> -> memref<640xf32, #tpu.memory_space<vmem_shared>>
        %dma_start3A_77 = arith.constant 4480 : i32
        %dma_start3A_78 = tpu.memref_slice %arg6[%dma_start3A_77] : memref<10240xf32, #tpu.memory_space<vmem>> -> memref<640xf32, #tpu.memory_space<vmem>>
        %dma_start3A_79 = tpu.memref_slice %arg8[%add3A_48] : memref<160000xf32, #tpu.memory_space<vmem_shared>> -> memref<640xf32, #tpu.memory_space<vmem_shared>>
        tpu.enqueue_dma source(%dma_start3A_79 : memref<640xf32, #tpu.memory_space<vmem_shared>>) target(%dma_start3A_78 : memref<640xf32, #tpu.memory_space<vmem>>) target_semaphore(%run_scoped3A : memref<!tpu.dma_semaphore, #tpu.memory_space<semaphore_mem>>)
        %dma_wait3A_80 = arith.constant 4480 : i32
        %dma_wait3A_81 = tpu.memref_slice %arg6[%dma_wait3A_80] : memref<10240xf32, #tpu.memory_space<vmem>> -> memref<640xf32, #tpu.memory_space<vmem>>
        %dma_wait3A_82 = tpu.memref_slice %arg8[%add3A_48] : memref<160000xf32, #tpu.memory_space<vmem_shared>> -> memref<640xf32, #tpu.memory_space<vmem_shared>>
        %dma_wait3A_83 = arith.constant 4480 : i32
        %dma_wait3A_84 = tpu.memref_slice %arg6[%dma_wait3A_83] : memref<10240xf32, #tpu.memory_space<vmem>> -> memref<640xf32, #tpu.memory_space<vmem>>
        %dma_wait3A_85 = tpu.memref_slice %arg8[%add3A_48] : memref<160000xf32, #tpu.memory_space<vmem_shared>> -> memref<640xf32, #tpu.memory_space<vmem_shared>>
        tpu.wait_dma2 semaphore(%run_scoped3A : memref<!tpu.dma_semaphore, #tpu.memory_space<semaphore_mem>>) src(%dma_wait3A_85 : memref<640xf32, #tpu.memory_space<vmem_shared>>) dst(%dma_wait3A_84 : memref<640xf32, #tpu.memory_space<vmem>>)
        tpu.yield
      }) : () -> ()
      %add3A_49 = arith.constant 80000 : i32
      %add3A_50 = arith.addi %add3A_49, %multiple_of3A_32 : i32
      "tpu.region"() ({
        %run_scoped3A = tpu.sem_alloc : memref<!tpu.dma_semaphore, #tpu.memory_space<semaphore_mem>>
        %dma_start3A_74 = arith.constant 5120 : i32
        %dma_start3A_75 = tpu.memref_slice %arg6[%dma_start3A_74] : memref<10240xf32, #tpu.memory_space<vmem>> -> memref<640xf32, #tpu.memory_space<vmem>>
        %dma_start3A_76 = tpu.memref_slice %arg8[%add3A_50] : memref<160000xf32, #tpu.memory_space<vmem_shared>> -> memref<640xf32, #tpu.memory_space<vmem_shared>>
        %dma_start3A_77 = arith.constant 5120 : i32
        %dma_start3A_78 = tpu.memref_slice %arg6[%dma_start3A_77] : memref<10240xf32, #tpu.memory_space<vmem>> -> memref<640xf32, #tpu.memory_space<vmem>>
        %dma_start3A_79 = tpu.memref_slice %arg8[%add3A_50] : memref<160000xf32, #tpu.memory_space<vmem_shared>> -> memref<640xf32, #tpu.memory_space<vmem_shared>>
        tpu.enqueue_dma source(%dma_start3A_79 : memref<640xf32, #tpu.memory_space<vmem_shared>>) target(%dma_start3A_78 : memref<640xf32, #tpu.memory_space<vmem>>) target_semaphore(%run_scoped3A : memref<!tpu.dma_semaphore, #tpu.memory_space<semaphore_mem>>)
        %dma_wait3A_80 = arith.constant 5120 : i32
        %dma_wait3A_81 = tpu.memref_slice %arg6[%dma_wait3A_80] : memref<10240xf32, #tpu.memory_space<vmem>> -> memref<640xf32, #tpu.memory_space<vmem>>
        %dma_wait3A_82 = tpu.memref_slice %arg8[%add3A_50] : memref<160000xf32, #tpu.memory_space<vmem_shared>> -> memref<640xf32, #tpu.memory_space<vmem_shared>>
        %dma_wait3A_83 = arith.constant 5120 : i32
        %dma_wait3A_84 = tpu.memref_slice %arg6[%dma_wait3A_83] : memref<10240xf32, #tpu.memory_space<vmem>> -> memref<640xf32, #tpu.memory_space<vmem>>
        %dma_wait3A_85 = tpu.memref_slice %arg8[%add3A_50] : memref<160000xf32, #tpu.memory_space<vmem_shared>> -> memref<640xf32, #tpu.memory_space<vmem_shared>>
        tpu.wait_dma2 semaphore(%run_scoped3A : memref<!tpu.dma_semaphore, #tpu.memory_space<semaphore_mem>>) src(%dma_wait3A_85 : memref<640xf32, #tpu.memory_space<vmem_shared>>) dst(%dma_wait3A_84 : memref<640xf32, #tpu.memory_space<vmem>>)
        tpu.yield
      }) : () -> ()
      %add3A_51 = arith.constant 90000 : i32
      %add3A_52 = arith.addi %add3A_51, %multiple_of3A_32 : i32
      "tpu.region"() ({
        %run_scoped3A = tpu.sem_alloc : memref<!tpu.dma_semaphore, #tpu.memory_space<semaphore_mem>>
        %dma_start3A_74 = arith.constant 5760 : i32
        %dma_start3A_75 = tpu.memref_slice %arg6[%dma_start3A_74] : memref<10240xf32, #tpu.memory_space<vmem>> -> memref<640xf32, #tpu.memory_space<vmem>>
        %dma_start3A_76 = tpu.memref_slice %arg8[%add3A_52] : memref<160000xf32, #tpu.memory_space<vmem_shared>> -> memref<640xf32, #tpu.memory_space<vmem_shared>>
        %dma_start3A_77 = arith.constant 5760 : i32
        %dma_start3A_78 = tpu.memref_slice %arg6[%dma_start3A_77] : memref<10240xf32, #tpu.memory_space<vmem>> -> memref<640xf32, #tpu.memory_space<vmem>>
        %dma_start3A_79 = tpu.memref_slice %arg8[%add3A_52] : memref<160000xf32, #tpu.memory_space<vmem_shared>> -> memref<640xf32, #tpu.memory_space<vmem_shared>>
        tpu.enqueue_dma source(%dma_start3A_79 : memref<640xf32, #tpu.memory_space<vmem_shared>>) target(%dma_start3A_78 : memref<640xf32, #tpu.memory_space<vmem>>) target_semaphore(%run_scoped3A : memref<!tpu.dma_semaphore, #tpu.memory_space<semaphore_mem>>)
        %dma_wait3A_80 = arith.constant 5760 : i32
        %dma_wait3A_81 = tpu.memref_slice %arg6[%dma_wait3A_80] : memref<10240xf32, #tpu.memory_space<vmem>> -> memref<640xf32, #tpu.memory_space<vmem>>
        %dma_wait3A_82 = tpu.memref_slice %arg8[%add3A_52] : memref<160000xf32, #tpu.memory_space<vmem_shared>> -> memref<640xf32, #tpu.memory_space<vmem_shared>>
        %dma_wait3A_83 = arith.constant 5760 : i32
        %dma_wait3A_84 = tpu.memref_slice %arg6[%dma_wait3A_83] : memref<10240xf32, #tpu.memory_space<vmem>> -> memref<640xf32, #tpu.memory_space<vmem>>
        %dma_wait3A_85 = tpu.memref_slice %arg8[%add3A_52] : memref<160000xf32, #tpu.memory_space<vmem_shared>> -> memref<640xf32, #tpu.memory_space<vmem_shared>>
        tpu.wait_dma2 semaphore(%run_scoped3A : memref<!tpu.dma_semaphore, #tpu.memory_space<semaphore_mem>>) src(%dma_wait3A_85 : memref<640xf32, #tpu.memory_space<vmem_shared>>) dst(%dma_wait3A_84 : memref<640xf32, #tpu.memory_space<vmem>>)
        tpu.yield
      }) : () -> ()
      %add3A_53 = arith.constant 100000 : i32
      %add3A_54 = arith.addi %add3A_53, %multiple_of3A_32 : i32
      "tpu.region"() ({
        %run_scoped3A = tpu.sem_alloc : memref<!tpu.dma_semaphore, #tpu.memory_space<semaphore_mem>>
        %dma_start3A_74 = arith.constant 6400 : i32
        %dma_start3A_75 = tpu.memref_slice %arg6[%dma_start3A_74] : memref<10240xf32, #tpu.memory_space<vmem>> -> memref<640xf32, #tpu.memory_space<vmem>>
        %dma_start3A_76 = tpu.memref_slice %arg8[%add3A_54] : memref<160000xf32, #tpu.memory_space<vmem_shared>> -> memref<640xf32, #tpu.memory_space<vmem_shared>>
        %dma_start3A_77 = arith.constant 6400 : i32
        %dma_start3A_78 = tpu.memref_slice %arg6[%dma_start3A_77] : memref<10240xf32, #tpu.memory_space<vmem>> -> memref<640xf32, #tpu.memory_space<vmem>>
        %dma_start3A_79 = tpu.memref_slice %arg8[%add3A_54] : memref<160000xf32, #tpu.memory_space<vmem_shared>> -> memref<640xf32, #tpu.memory_space<vmem_shared>>
        tpu.enqueue_dma source(%dma_start3A_79 : memref<640xf32, #tpu.memory_space<vmem_shared>>) target(%dma_start3A_78 : memref<640xf32, #tpu.memory_space<vmem>>) target_semaphore(%run_scoped3A : memref<!tpu.dma_semaphore, #tpu.memory_space<semaphore_mem>>)
        %dma_wait3A_80 = arith.constant 6400 : i32
        %dma_wait3A_81 = tpu.memref_slice %arg6[%dma_wait3A_80] : memref<10240xf32, #tpu.memory_space<vmem>> -> memref<640xf32, #tpu.memory_space<vmem>>
        %dma_wait3A_82 = tpu.memref_slice %arg8[%add3A_54] : memref<160000xf32, #tpu.memory_space<vmem_shared>> -> memref<640xf32, #tpu.memory_space<vmem_shared>>
        %dma_wait3A_83 = arith.constant 6400 : i32
        %dma_wait3A_84 = tpu.memref_slice %arg6[%dma_wait3A_83] : memref<10240xf32, #tpu.memory_space<vmem>> -> memref<640xf32, #tpu.memory_space<vmem>>
        %dma_wait3A_85 = tpu.memref_slice %arg8[%add3A_54] : memref<160000xf32, #tpu.memory_space<vmem_shared>> -> memref<640xf32, #tpu.memory_space<vmem_shared>>
        tpu.wait_dma2 semaphore(%run_scoped3A : memref<!tpu.dma_semaphore, #tpu.memory_space<semaphore_mem>>) src(%dma_wait3A_85 : memref<640xf32, #tpu.memory_space<vmem_shared>>) dst(%dma_wait3A_84 : memref<640xf32, #tpu.memory_space<vmem>>)
        tpu.yield
      }) : () -> ()
      %add3A_55 = arith.constant 110000 : i32
      %add3A_56 = arith.addi %add3A_55, %multiple_of3A_32 : i32
      "tpu.region"() ({
        %run_scoped3A = tpu.sem_alloc : memref<!tpu.dma_semaphore, #tpu.memory_space<semaphore_mem>>
        %dma_start3A_74 = arith.constant 7040 : i32
        %dma_start3A_75 = tpu.memref_slice %arg6[%dma_start3A_74] : memref<10240xf32, #tpu.memory_space<vmem>> -> memref<640xf32, #tpu.memory_space<vmem>>
        %dma_start3A_76 = tpu.memref_slice %arg8[%add3A_56] : memref<160000xf32, #tpu.memory_space<vmem_shared>> -> memref<640xf32, #tpu.memory_space<vmem_shared>>
        %dma_start3A_77 = arith.constant 7040 : i32
        %dma_start3A_78 = tpu.memref_slice %arg6[%dma_start3A_77] : memref<10240xf32, #tpu.memory_space<vmem>> -> memref<640xf32, #tpu.memory_space<vmem>>
        %dma_start3A_79 = tpu.memref_slice %arg8[%add3A_56] : memref<160000xf32, #tpu.memory_space<vmem_shared>> -> memref<640xf32, #tpu.memory_space<vmem_shared>>
        tpu.enqueue_dma source(%dma_start3A_79 : memref<640xf32, #tpu.memory_space<vmem_shared>>) target(%dma_start3A_78 : memref<640xf32, #tpu.memory_space<vmem>>) target_semaphore(%run_scoped3A : memref<!tpu.dma_semaphore, #tpu.memory_space<semaphore_mem>>)
        %dma_wait3A_80 = arith.constant 7040 : i32
        %dma_wait3A_81 = tpu.memref_slice %arg6[%dma_wait3A_80] : memref<10240xf32, #tpu.memory_space<vmem>> -> memref<640xf32, #tpu.memory_space<vmem>>
        %dma_wait3A_82 = tpu.memref_slice %arg8[%add3A_56] : memref<160000xf32, #tpu.memory_space<vmem_shared>> -> memref<640xf32, #tpu.memory_space<vmem_shared>>
        %dma_wait3A_83 = arith.constant 7040 : i32
        %dma_wait3A_84 = tpu.memref_slice %arg6[%dma_wait3A_83] : memref<10240xf32, #tpu.memory_space<vmem>> -> memref<640xf32, #tpu.memory_space<vmem>>
        %dma_wait3A_85 = tpu.memref_slice %arg8[%add3A_56] : memref<160000xf32, #tpu.memory_space<vmem_shared>> -> memref<640xf32, #tpu.memory_space<vmem_shared>>
        tpu.wait_dma2 semaphore(%run_scoped3A : memref<!tpu.dma_semaphore, #tpu.memory_space<semaphore_mem>>) src(%dma_wait3A_85 : memref<640xf32, #tpu.memory_space<vmem_shared>>) dst(%dma_wait3A_84 : memref<640xf32, #tpu.memory_space<vmem>>)
        tpu.yield
      }) : () -> ()
      %add3A_57 = arith.constant 120000 : i32
      %add3A_58 = arith.addi %add3A_57, %multiple_of3A_32 : i32
      "tpu.region"() ({
        %run_scoped3A = tpu.sem_alloc : memref<!tpu.dma_semaphore, #tpu.memory_space<semaphore_mem>>
        %dma_start3A_74 = arith.constant 7680 : i32
        %dma_start3A_75 = tpu.memref_slice %arg6[%dma_start3A_74] : memref<10240xf32, #tpu.memory_space<vmem>> -> memref<640xf32, #tpu.memory_space<vmem>>
        %dma_start3A_76 = tpu.memref_slice %arg8[%add3A_58] : memref<160000xf32, #tpu.memory_space<vmem_shared>> -> memref<640xf32, #tpu.memory_space<vmem_shared>>
        %dma_start3A_77 = arith.constant 7680 : i32
        %dma_start3A_78 = tpu.memref_slice %arg6[%dma_start3A_77] : memref<10240xf32, #tpu.memory_space<vmem>> -> memref<640xf32, #tpu.memory_space<vmem>>
        %dma_start3A_79 = tpu.memref_slice %arg8[%add3A_58] : memref<160000xf32, #tpu.memory_space<vmem_shared>> -> memref<640xf32, #tpu.memory_space<vmem_shared>>
        tpu.enqueue_dma source(%dma_start3A_79 : memref<640xf32, #tpu.memory_space<vmem_shared>>) target(%dma_start3A_78 : memref<640xf32, #tpu.memory_space<vmem>>) target_semaphore(%run_scoped3A : memref<!tpu.dma_semaphore, #tpu.memory_space<semaphore_mem>>)
        %dma_wait3A_80 = arith.constant 7680 : i32
        %dma_wait3A_81 = tpu.memref_slice %arg6[%dma_wait3A_80] : memref<10240xf32, #tpu.memory_space<vmem>> -> memref<640xf32, #tpu.memory_space<vmem>>
        %dma_wait3A_82 = tpu.memref_slice %arg8[%add3A_58] : memref<160000xf32, #tpu.memory_space<vmem_shared>> -> memref<640xf32, #tpu.memory_space<vmem_shared>>
        %dma_wait3A_83 = arith.constant 7680 : i32
        %dma_wait3A_84 = tpu.memref_slice %arg6[%dma_wait3A_83] : memref<10240xf32, #tpu.memory_space<vmem>> -> memref<640xf32, #tpu.memory_space<vmem>>
        %dma_wait3A_85 = tpu.memref_slice %arg8[%add3A_58] : memref<160000xf32, #tpu.memory_space<vmem_shared>> -> memref<640xf32, #tpu.memory_space<vmem_shared>>
        tpu.wait_dma2 semaphore(%run_scoped3A : memref<!tpu.dma_semaphore, #tpu.memory_space<semaphore_mem>>) src(%dma_wait3A_85 : memref<640xf32, #tpu.memory_space<vmem_shared>>) dst(%dma_wait3A_84 : memref<640xf32, #tpu.memory_space<vmem>>)
        tpu.yield
      }) : () -> ()
      %add3A_59 = arith.constant 130000 : i32
      %add3A_60 = arith.addi %add3A_59, %multiple_of3A_32 : i32
      "tpu.region"() ({
        %run_scoped3A = tpu.sem_alloc : memref<!tpu.dma_semaphore, #tpu.memory_space<semaphore_mem>>
        %dma_start3A_74 = arith.constant 8320 : i32
        %dma_start3A_75 = tpu.memref_slice %arg6[%dma_start3A_74] : memref<10240xf32, #tpu.memory_space<vmem>> -> memref<640xf32, #tpu.memory_space<vmem>>
        %dma_start3A_76 = tpu.memref_slice %arg8[%add3A_60] : memref<160000xf32, #tpu.memory_space<vmem_shared>> -> memref<640xf32, #tpu.memory_space<vmem_shared>>
        %dma_start3A_77 = arith.constant 8320 : i32
        %dma_start3A_78 = tpu.memref_slice %arg6[%dma_start3A_77] : memref<10240xf32, #tpu.memory_space<vmem>> -> memref<640xf32, #tpu.memory_space<vmem>>
        %dma_start3A_79 = tpu.memref_slice %arg8[%add3A_60] : memref<160000xf32, #tpu.memory_space<vmem_shared>> -> memref<640xf32, #tpu.memory_space<vmem_shared>>
        tpu.enqueue_dma source(%dma_start3A_79 : memref<640xf32, #tpu.memory_space<vmem_shared>>) target(%dma_start3A_78 : memref<640xf32, #tpu.memory_space<vmem>>) target_semaphore(%run_scoped3A : memref<!tpu.dma_semaphore, #tpu.memory_space<semaphore_mem>>)
        %dma_wait3A_80 = arith.constant 8320 : i32
        %dma_wait3A_81 = tpu.memref_slice %arg6[%dma_wait3A_80] : memref<10240xf32, #tpu.memory_space<vmem>> -> memref<640xf32, #tpu.memory_space<vmem>>
        %dma_wait3A_82 = tpu.memref_slice %arg8[%add3A_60] : memref<160000xf32, #tpu.memory_space<vmem_shared>> -> memref<640xf32, #tpu.memory_space<vmem_shared>>
        %dma_wait3A_83 = arith.constant 8320 : i32
        %dma_wait3A_84 = tpu.memref_slice %arg6[%dma_wait3A_83] : memref<10240xf32, #tpu.memory_space<vmem>> -> memref<640xf32, #tpu.memory_space<vmem>>
        %dma_wait3A_85 = tpu.memref_slice %arg8[%add3A_60] : memref<160000xf32, #tpu.memory_space<vmem_shared>> -> memref<640xf32, #tpu.memory_space<vmem_shared>>
        tpu.wait_dma2 semaphore(%run_scoped3A : memref<!tpu.dma_semaphore, #tpu.memory_space<semaphore_mem>>) src(%dma_wait3A_85 : memref<640xf32, #tpu.memory_space<vmem_shared>>) dst(%dma_wait3A_84 : memref<640xf32, #tpu.memory_space<vmem>>)
        tpu.yield
      }) : () -> ()
      %add3A_61 = arith.constant 140000 : i32
      %add3A_62 = arith.addi %add3A_61, %multiple_of3A_32 : i32
      "tpu.region"() ({
        %run_scoped3A = tpu.sem_alloc : memref<!tpu.dma_semaphore, #tpu.memory_space<semaphore_mem>>
        %dma_start3A_74 = arith.constant 8960 : i32
        %dma_start3A_75 = tpu.memref_slice %arg6[%dma_start3A_74] : memref<10240xf32, #tpu.memory_space<vmem>> -> memref<640xf32, #tpu.memory_space<vmem>>
        %dma_start3A_76 = tpu.memref_slice %arg8[%add3A_62] : memref<160000xf32, #tpu.memory_space<vmem_shared>> -> memref<640xf32, #tpu.memory_space<vmem_shared>>
        %dma_start3A_77 = arith.constant 8960 : i32
        %dma_start3A_78 = tpu.memref_slice %arg6[%dma_start3A_77] : memref<10240xf32, #tpu.memory_space<vmem>> -> memref<640xf32, #tpu.memory_space<vmem>>
        %dma_start3A_79 = tpu.memref_slice %arg8[%add3A_62] : memref<160000xf32, #tpu.memory_space<vmem_shared>> -> memref<640xf32, #tpu.memory_space<vmem_shared>>
        tpu.enqueue_dma source(%dma_start3A_79 : memref<640xf32, #tpu.memory_space<vmem_shared>>) target(%dma_start3A_78 : memref<640xf32, #tpu.memory_space<vmem>>) target_semaphore(%run_scoped3A : memref<!tpu.dma_semaphore, #tpu.memory_space<semaphore_mem>>)
        %dma_wait3A_80 = arith.constant 8960 : i32
        %dma_wait3A_81 = tpu.memref_slice %arg6[%dma_wait3A_80] : memref<10240xf32, #tpu.memory_space<vmem>> -> memref<640xf32, #tpu.memory_space<vmem>>
        %dma_wait3A_82 = tpu.memref_slice %arg8[%add3A_62] : memref<160000xf32, #tpu.memory_space<vmem_shared>> -> memref<640xf32, #tpu.memory_space<vmem_shared>>
        %dma_wait3A_83 = arith.constant 8960 : i32
        %dma_wait3A_84 = tpu.memref_slice %arg6[%dma_wait3A_83] : memref<10240xf32, #tpu.memory_space<vmem>> -> memref<640xf32, #tpu.memory_space<vmem>>
        %dma_wait3A_85 = tpu.memref_slice %arg8[%add3A_62] : memref<160000xf32, #tpu.memory_space<vmem_shared>> -> memref<640xf32, #tpu.memory_space<vmem_shared>>
        tpu.wait_dma2 semaphore(%run_scoped3A : memref<!tpu.dma_semaphore, #tpu.memory_space<semaphore_mem>>) src(%dma_wait3A_85 : memref<640xf32, #tpu.memory_space<vmem_shared>>) dst(%dma_wait3A_84 : memref<640xf32, #tpu.memory_space<vmem>>)
        tpu.yield
      }) : () -> ()
      %add3A_63 = arith.constant 150000 : i32
      %add3A_64 = arith.addi %add3A_63, %multiple_of3A_32 : i32
      "tpu.region"() ({
        %run_scoped3A = tpu.sem_alloc : memref<!tpu.dma_semaphore, #tpu.memory_space<semaphore_mem>>
        %dma_start3A_74 = arith.constant 9600 : i32
        %dma_start3A_75 = tpu.memref_slice %arg6[%dma_start3A_74] : memref<10240xf32, #tpu.memory_space<vmem>> -> memref<640xf32, #tpu.memory_space<vmem>>
        %dma_start3A_76 = tpu.memref_slice %arg8[%add3A_64] : memref<160000xf32, #tpu.memory_space<vmem_shared>> -> memref<640xf32, #tpu.memory_space<vmem_shared>>
        %dma_start3A_77 = arith.constant 9600 : i32
        %dma_start3A_78 = tpu.memref_slice %arg6[%dma_start3A_77] : memref<10240xf32, #tpu.memory_space<vmem>> -> memref<640xf32, #tpu.memory_space<vmem>>
        %dma_start3A_79 = tpu.memref_slice %arg8[%add3A_64] : memref<160000xf32, #tpu.memory_space<vmem_shared>> -> memref<640xf32, #tpu.memory_space<vmem_shared>>
        tpu.enqueue_dma source(%dma_start3A_79 : memref<640xf32, #tpu.memory_space<vmem_shared>>) target(%dma_start3A_78 : memref<640xf32, #tpu.memory_space<vmem>>) target_semaphore(%run_scoped3A : memref<!tpu.dma_semaphore, #tpu.memory_space<semaphore_mem>>)
        %dma_wait3A_80 = arith.constant 9600 : i32
        %dma_wait3A_81 = tpu.memref_slice %arg6[%dma_wait3A_80] : memref<10240xf32, #tpu.memory_space<vmem>> -> memref<640xf32, #tpu.memory_space<vmem>>
        %dma_wait3A_82 = tpu.memref_slice %arg8[%add3A_64] : memref<160000xf32, #tpu.memory_space<vmem_shared>> -> memref<640xf32, #tpu.memory_space<vmem_shared>>
        %dma_wait3A_83 = arith.constant 9600 : i32
        %dma_wait3A_84 = tpu.memref_slice %arg6[%dma_wait3A_83] : memref<10240xf32, #tpu.memory_space<vmem>> -> memref<640xf32, #tpu.memory_space<vmem>>
        %dma_wait3A_85 = tpu.memref_slice %arg8[%add3A_64] : memref<160000xf32, #tpu.memory_space<vmem_shared>> -> memref<640xf32, #tpu.memory_space<vmem_shared>>
        tpu.wait_dma2 semaphore(%run_scoped3A : memref<!tpu.dma_semaphore, #tpu.memory_space<semaphore_mem>>) src(%dma_wait3A_85 : memref<640xf32, #tpu.memory_space<vmem_shared>>) dst(%dma_wait3A_84 : memref<640xf32, #tpu.memory_space<vmem>>)
        tpu.yield
      }) : () -> ()
      %scan3A_65 = arith.constant 0 : i32
      %scan3A_66 = arith.constant 0 : i32
      %scan3A_67 = arith.constant 40 : i32
      %scan3A_68 = arith.addi %scan3A_66, %scan3A_67 : i32
      %scan3A_69 = arith.constant 1 : i32
      scf.for %scan3A_74 = %scan3A_66 to %scan3A_68 step %scan3A_69  : i32 {
        %mul3A_75 = arith.constant 16 : i32
        %mul3A_76 = arith.muli %scan3A_74, %mul3A_75 : i32
        %get3A = arith.index_cast %mul3A_76 : i32 to index
        %get3A_77 = tpu.vector_load %arg6[%get3A] {strides = array<i32>} : memref<10240xf32, #tpu.memory_space<vmem>>, vector<16xf32>,
        %mul3A_78 = arith.constant 16 : i32
        %mul3A_79 = arith.muli %scan3A_74, %mul3A_78 : i32
        %add3A_80 = arith.constant 640 : i32
        %add3A_81 = arith.addi %add3A_80, %mul3A_79 : i32
        %get3A_82 = arith.index_cast %add3A_81 : i32 to index
        %get3A_83 = tpu.vector_load %arg6[%get3A_82] {strides = array<i32>} : memref<10240xf32, #tpu.memory_space<vmem>>, vector<16xf32>,
        %add3A_84 = arith.addf %get3A_77, %get3A_83 : vector<16xf32>
        %mul3A_85 = arith.constant 16 : i32
        %mul3A_86 = arith.muli %scan3A_74, %mul3A_85 : i32
        %add3A_87 = arith.constant 1280 : i32
        %add3A_88 = arith.addi %add3A_87, %mul3A_86 : i32
        %get3A_89 = arith.index_cast %add3A_88 : i32 to index
        %get3A_90 = tpu.vector_load %arg6[%get3A_89] {strides = array<i32>} : memref<10240xf32, #tpu.memory_space<vmem>>, vector<16xf32>,
        %add3A_91 = arith.addf %add3A_84, %get3A_90 : vector<16xf32>
        %mul3A_92 = arith.constant 16 : i32
        %mul3A_93 = arith.muli %scan3A_74, %mul3A_92 : i32
        %add3A_94 = arith.constant 1920 : i32
        %add3A_95 = arith.addi %add3A_94, %mul3A_93 : i32
        %get3A_96 = arith.index_cast %add3A_95 : i32 to index
        %get3A_97 = tpu.vector_load %arg6[%get3A_96] {strides = array<i32>} : memref<10240xf32, #tpu.memory_space<vmem>>, vector<16xf32>,
        %add3A_98 = arith.addf %add3A_91, %get3A_97 : vector<16xf32>
        %mul3A_99 = arith.constant 16 : i32
        %mul3A_100 = arith.muli %scan3A_74, %mul3A_99 : i32
        %add3A_101 = arith.constant 2560 : i32
        %add3A_102 = arith.addi %add3A_101, %mul3A_100 : i32
        %get3A_103 = arith.index_cast %add3A_102 : i32 to index
        %get3A_104 = tpu.vector_load %arg6[%get3A_103] {strides = array<i32>} : memref<10240xf32, #tpu.memory_space<vmem>>, vector<16xf32>,
        %add3A_105 = arith.addf %add3A_98, %get3A_104 : vector<16xf32>
        %mul3A_106 = arith.constant 16 : i32
        %mul3A_107 = arith.muli %scan3A_74, %mul3A_106 : i32
        %add3A_108 = arith.constant 3200 : i32
        %add3A_109 = arith.addi %add3A_108, %mul3A_107 : i32
        %get3A_110 = arith.index_cast %add3A_109 : i32 to index
        %get3A_111 = tpu.vector_load %arg6[%get3A_110] {strides = array<i32>} : memref<10240xf32, #tpu.memory_space<vmem>>, vector<16xf32>,
        %add3A_112 = arith.addf %add3A_105, %get3A_111 : vector<16xf32>
        %mul3A_113 = arith.constant 16 : i32
        %mul3A_114 = arith.muli %scan3A_74, %mul3A_113 : i32
        %add3A_115 = arith.constant 3840 : i32
        %add3A_116 = arith.addi %add3A_115, %mul3A_114 : i32
        %get3A_117 = arith.index_cast %add3A_116 : i32 to index
        %get3A_118 = tpu.vector_load %arg6[%get3A_117] {strides = array<i32>} : memref<10240xf32, #tpu.memory_space<vmem>>, vector<16xf32>,
        %add3A_119 = arith.addf %add3A_112, %get3A_118 : vector<16xf32>
        %mul3A_120 = arith.constant 16 : i32
        %mul3A_121 = arith.muli %scan3A_74, %mul3A_120 : i32
        %add3A_122 = arith.constant 4480 : i32
        %add3A_123 = arith.addi %add3A_122, %mul3A_121 : i32
        %get3A_124 = arith.index_cast %add3A_123 : i32 to index
        %get3A_125 = tpu.vector_load %arg6[%get3A_124] {strides = array<i32>} : memref<10240xf32, #tpu.memory_space<vmem>>, vector<16xf32>,
        %add3A_126 = arith.addf %add3A_119, %get3A_125 : vector<16xf32>
        %mul3A_127 = arith.constant 16 : i32
        %mul3A_128 = arith.muli %scan3A_74, %mul3A_127 : i32
        %add3A_129 = arith.constant 5120 : i32
        %add3A_130 = arith.addi %add3A_129, %mul3A_128 : i32
        %get3A_131 = arith.index_cast %add3A_130 : i32 to index
        %get3A_132 = tpu.vector_load %arg6[%get3A_131] {strides = array<i32>} : memref<10240xf32, #tpu.memory_space<vmem>>, vector<16xf32>,
        %add3A_133 = arith.addf %add3A_126, %get3A_132 : vector<16xf32>
        %mul3A_134 = arith.constant 16 : i32
        %mul3A_135 = arith.muli %scan3A_74, %mul3A_134 : i32
        %add3A_136 = arith.constant 5760 : i32
        %add3A_137 = arith.addi %add3A_136, %mul3A_135 : i32
        %get3A_138 = arith.index_cast %add3A_137 : i32 to index
        %get3A_139 = tpu.vector_load %arg6[%get3A_138] {strides = array<i32>} : memref<10240xf32, #tpu.memory_space<vmem>>, vector<16xf32>,
        %add3A_140 = arith.addf %add3A_133, %get3A_139 : vector<16xf32>
        %mul3A_141 = arith.constant 16 : i32
        %mul3A_142 = arith.muli %scan3A_74, %mul3A_141 : i32
        %add3A_143 = arith.constant 6400 : i32
        %add3A_144 = arith.addi %add3A_143, %mul3A_142 : i32
        %get3A_145 = arith.index_cast %add3A_144 : i32 to index
        %get3A_146 = tpu.vector_load %arg6[%get3A_145] {strides = array<i32>} : memref<10240xf32, #tpu.memory_space<vmem>>, vector<16xf32>,
        %add3A_147 = arith.addf %add3A_140, %get3A_146 : vector<16xf32>
        %mul3A_148 = arith.constant 16 : i32
        %mul3A_149 = arith.muli %scan3A_74, %mul3A_148 : i32
        %add3A_150 = arith.constant 7040 : i32
        %add3A_151 = arith.addi %add3A_150, %mul3A_149 : i32
        %get3A_152 = arith.index_cast %add3A_151 : i32 to index
        %get3A_153 = tpu.vector_load %arg6[%get3A_152] {strides = array<i32>} : memref<10240xf32, #tpu.memory_space<vmem>>, vector<16xf32>,
        %add3A_154 = arith.addf %add3A_147, %get3A_153 : vector<16xf32>
        %mul3A_155 = arith.constant 16 : i32
        %mul3A_156 = arith.muli %scan3A_74, %mul3A_155 : i32
        %add3A_157 = arith.constant 7680 : i32
        %add3A_158 = arith.addi %add3A_157, %mul3A_156 : i32
        %get3A_159 = arith.index_cast %add3A_158 : i32 to index
        %get3A_160 = tpu.vector_load %arg6[%get3A_159] {strides = array<i32>} : memref<10240xf32, #tpu.memory_space<vmem>>, vector<16xf32>,
        %add3A_161 = arith.addf %add3A_154, %get3A_160 : vector<16xf32>
        %mul3A_162 = arith.constant 16 : i32
        %mul3A_163 = arith.muli %scan3A_74, %mul3A_162 : i32
        %add3A_164 = arith.constant 8320 : i32
        %add3A_165 = arith.addi %add3A_164, %mul3A_163 : i32
        %get3A_166 = arith.index_cast %add3A_165 : i32 to index
        %get3A_167 = tpu.vector_load %arg6[%get3A_166] {strides = array<i32>} : memref<10240xf32, #tpu.memory_space<vmem>>, vector<16xf32>,
        %add3A_168 = arith.addf %add3A_161, %get3A_167 : vector<16xf32>
        %mul3A_169 = arith.constant 16 : i32
        %mul3A_170 = arith.muli %scan3A_74, %mul3A_169 : i32
        %add3A_171 = arith.constant 8960 : i32
        %add3A_172 = arith.addi %add3A_171, %mul3A_170 : i32
        %get3A_173 = arith.index_cast %add3A_172 : i32 to index
        %get3A_174 = tpu.vector_load %arg6[%get3A_173] {strides = array<i32>} : memref<10240xf32, #tpu.memory_space<vmem>>, vector<16xf32>,
        %add3A_175 = arith.addf %add3A_168, %get3A_174 : vector<16xf32>
        %mul3A_176 = arith.constant 16 : i32
        %mul3A_177 = arith.muli %scan3A_74, %mul3A_176 : i32
        %add3A_178 = arith.constant 9600 : i32
        %add3A_179 = arith.addi %add3A_178, %mul3A_177 : i32
        %get3A_180 = arith.index_cast %add3A_179 : i32 to index
        %get3A_181 = tpu.vector_load %arg6[%get3A_180] {strides = array<i32>} : memref<10240xf32, #tpu.memory_space<vmem>>, vector<16xf32>,
        %add3A_182 = arith.addf %add3A_175, %get3A_181 : vector<16xf32>
        %mul3A_183 = arith.constant 16 : i32
        %mul3A_184 = arith.muli %scan3A_74, %mul3A_183 : i32
        %swap3A = arith.index_cast %mul3A_184 : i32 to index
        %swap3A_185 = tpu.vector_load %arg7[%swap3A] {strides = array<i32>} : memref<640xf32, #tpu.memory_space<vmem>>, vector<16xf32>,
        tpu.vector_store %arg7[%swap3A], %add3A_182 {strides = array<i32>} : memref<640xf32, #tpu.memory_space<vmem>>, vector<16xf32>,
      }
      %scan3A_70 = arith.constant 40 : i32
      %mul3A_71 = arith.constant 10000 : i32
      %mul3A_72 = arith.muli %arg0, %mul3A_71 : i32
      %add3A_73 = arith.addi %mul3A_72, %multiple_of3A_32 : i32
      "tpu.region"() ({
        %run_scoped3A = tpu.sem_alloc : memref<!tpu.dma_semaphore, #tpu.memory_space<semaphore_mem>>
        %dma_start3A_74 = arith.constant 0 : i32
        %dma_start3A_75 = tpu.memref_slice %arg7[%dma_start3A_74] : memref<640xf32, #tpu.memory_space<vmem>> -> memref<640xf32, #tpu.memory_space<vmem>>
        %dma_start3A_76 = tpu.memref_slice %arg3[%add3A_73] : memref<20000xf32, #tpu.memory_space<hbm>> -> memref<640xf32, #tpu.memory_space<hbm>>
        %dma_start3A_77 = tpu.memref_slice %arg3[%add3A_73] : memref<20000xf32, #tpu.memory_space<hbm>> -> memref<640xf32, #tpu.memory_space<hbm>>
        %dma_start3A_78 = arith.constant 0 : i32
        %dma_start3A_79 = tpu.memref_slice %arg7[%dma_start3A_78] : memref<640xf32, #tpu.memory_space<vmem>> -> memref<640xf32, #tpu.memory_space<vmem>>
        tpu.enqueue_dma source(%dma_start3A_79 : memref<640xf32, #tpu.memory_space<vmem>>) target(%dma_start3A_77 : memref<640xf32, #tpu.memory_space<hbm>>) target_semaphore(%run_scoped3A : memref<!tpu.dma_semaphore, #tpu.memory_space<semaphore_mem>>)
        %dma_wait3A_80 = arith.constant 0 : i32
        %dma_wait3A_81 = tpu.memref_slice %arg7[%dma_wait3A_80] : memref<640xf32, #tpu.memory_space<vmem>> -> memref<640xf32, #tpu.memory_space<vmem>>
        %dma_wait3A_82 = tpu.memref_slice %arg3[%add3A_73] : memref<20000xf32, #tpu.memory_space<hbm>> -> memref<640xf32, #tpu.memory_space<hbm>>
        %dma_wait3A_83 = tpu.memref_slice %arg3[%add3A_73] : memref<20000xf32, #tpu.memory_space<hbm>> -> memref<640xf32, #tpu.memory_space<hbm>>
        %dma_wait3A_84 = arith.constant 0 : i32
        %dma_wait3A_85 = tpu.memref_slice %arg7[%dma_wait3A_84] : memref<640xf32, #tpu.memory_space<vmem>> -> memref<640xf32, #tpu.memory_space<vmem>>
        tpu.wait_dma2 semaphore(%run_scoped3A : memref<!tpu.dma_semaphore, #tpu.memory_space<semaphore_mem>>) src(%dma_wait3A_85 : memref<640xf32, #tpu.memory_space<vmem>>) dst(%dma_wait3A_83 : memref<640xf32, #tpu.memory_space<hbm>>)
        tpu.yield
      }) : () -> ()
    } else {
    }
    %eq3A = arith.constant 15 : i32
    %eq3A_26 = arith.cmpi eq, %arg1, %eq3A : i32
    %convert_element_type3A_27 = arith.extui %eq3A_26 : i1 to i32
    %cond3A_28 = arith.constant 0 : i32
    %cond3A_29 = arith.cmpi ne, %convert_element_type3A_27, %cond3A_28 : i32
    scf.if %cond3A_29 {
      "tpu.region"() ({
        %run_scoped3A = tpu.sem_alloc : memref<!tpu.dma_semaphore, #tpu.memory_space<semaphore_mem>>
        %dma_start3A_40 = arith.constant 0 : i32
        %dma_start3A_41 = tpu.memref_slice %arg6[%dma_start3A_40] : memref<10240xf32, #tpu.memory_space<vmem>> -> memref<400xf32, #tpu.memory_space<vmem>>
        %dma_start3A_42 = arith.constant 9600 : i32
        %dma_start3A_43 = tpu.memref_slice %arg8[%dma_start3A_42] : memref<160000xf32, #tpu.memory_space<vmem_shared>> -> memref<400xf32, #tpu.memory_space<vmem_shared>>
        %dma_start3A_44 = arith.constant 0 : i32
        %dma_start3A_45 = tpu.memref_slice %arg6[%dma_start3A_44] : memref<10240xf32, #tpu.memory_space<vmem>> -> memref<400xf32, #tpu.memory_space<vmem>>
        %dma_start3A_46 = arith.constant 9600 : i32
        %dma_start3A_47 = tpu.memref_slice %arg8[%dma_start3A_46] : memref<160000xf32, #tpu.memory_space<vmem_shared>> -> memref<400xf32, #tpu.memory_space<vmem_shared>>
        tpu.enqueue_dma source(%dma_start3A_47 : memref<400xf32, #tpu.memory_space<vmem_shared>>) target(%dma_start3A_45 : memref<400xf32, #tpu.memory_space<vmem>>) target_semaphore(%run_scoped3A : memref<!tpu.dma_semaphore, #tpu.memory_space<semaphore_mem>>)
        %dma_wait3A_48 = arith.constant 0 : i32
        %dma_wait3A_49 = tpu.memref_slice %arg6[%dma_wait3A_48] : memref<10240xf32, #tpu.memory_space<vmem>> -> memref<400xf32, #tpu.memory_space<vmem>>
        %dma_wait3A_50 = arith.constant 9600 : i32
        %dma_wait3A_51 = tpu.memref_slice %arg8[%dma_wait3A_50] : memref<160000xf32, #tpu.memory_space<vmem_shared>> -> memref<400xf32, #tpu.memory_space<vmem_shared>>
        %dma_wait3A_52 = arith.constant 0 : i32
        %dma_wait3A_53 = tpu.memref_slice %arg6[%dma_wait3A_52] : memref<10240xf32, #tpu.memory_space<vmem>> -> memref<400xf32, #tpu.memory_space<vmem>>
        %dma_wait3A_54 = arith.constant 9600 : i32
        %dma_wait3A_55 = tpu.memref_slice %arg8[%dma_wait3A_54] : memref<160000xf32, #tpu.memory_space<vmem_shared>> -> memref<400xf32, #tpu.memory_space<vmem_shared>>
        tpu.wait_dma2 semaphore(%run_scoped3A : memref<!tpu.dma_semaphore, #tpu.memory_space<semaphore_mem>>) src(%dma_wait3A_55 : memref<400xf32, #tpu.memory_space<vmem_shared>>) dst(%dma_wait3A_53 : memref<400xf32, #tpu.memory_space<vmem>>)
        tpu.yield
      }) : () -> ()
      "tpu.region"() ({
        %run_scoped3A = tpu.sem_alloc : memref<!tpu.dma_semaphore, #tpu.memory_space<semaphore_mem>>
        %dma_start3A_40 = arith.constant 640 : i32
        %dma_start3A_41 = tpu.memref_slice %arg6[%dma_start3A_40] : memref<10240xf32, #tpu.memory_space<vmem>> -> memref<400xf32, #tpu.memory_space<vmem>>
        %dma_start3A_42 = arith.constant 19600 : i32
        %dma_start3A_43 = tpu.memref_slice %arg8[%dma_start3A_42] : memref<160000xf32, #tpu.memory_space<vmem_shared>> -> memref<400xf32, #tpu.memory_space<vmem_shared>>
        %dma_start3A_44 = arith.constant 640 : i32
        %dma_start3A_45 = tpu.memref_slice %arg6[%dma_start3A_44] : memref<10240xf32, #tpu.memory_space<vmem>> -> memref<400xf32, #tpu.memory_space<vmem>>
        %dma_start3A_46 = arith.constant 19600 : i32
        %dma_start3A_47 = tpu.memref_slice %arg8[%dma_start3A_46] : memref<160000xf32, #tpu.memory_space<vmem_shared>> -> memref<400xf32, #tpu.memory_space<vmem_shared>>
        tpu.enqueue_dma source(%dma_start3A_47 : memref<400xf32, #tpu.memory_space<vmem_shared>>) target(%dma_start3A_45 : memref<400xf32, #tpu.memory_space<vmem>>) target_semaphore(%run_scoped3A : memref<!tpu.dma_semaphore, #tpu.memory_space<semaphore_mem>>)
        %dma_wait3A_48 = arith.constant 640 : i32
        %dma_wait3A_49 = tpu.memref_slice %arg6[%dma_wait3A_48] : memref<10240xf32, #tpu.memory_space<vmem>> -> memref<400xf32, #tpu.memory_space<vmem>>
        %dma_wait3A_50 = arith.constant 19600 : i32
        %dma_wait3A_51 = tpu.memref_slice %arg8[%dma_wait3A_50] : memref<160000xf32, #tpu.memory_space<vmem_shared>> -> memref<400xf32, #tpu.memory_space<vmem_shared>>
        %dma_wait3A_52 = arith.constant 640 : i32
        %dma_wait3A_53 = tpu.memref_slice %arg6[%dma_wait3A_52] : memref<10240xf32, #tpu.memory_space<vmem>> -> memref<400xf32, #tpu.memory_space<vmem>>
        %dma_wait3A_54 = arith.constant 19600 : i32
        %dma_wait3A_55 = tpu.memref_slice %arg8[%dma_wait3A_54] : memref<160000xf32, #tpu.memory_space<vmem_shared>> -> memref<400xf32, #tpu.memory_space<vmem_shared>>
        tpu.wait_dma2 semaphore(%run_scoped3A : memref<!tpu.dma_semaphore, #tpu.memory_space<semaphore_mem>>) src(%dma_wait3A_55 : memref<400xf32, #tpu.memory_space<vmem_shared>>) dst(%dma_wait3A_53 : memref<400xf32, #tpu.memory_space<vmem>>)
        tpu.yield
      }) : () -> ()
      "tpu.region"() ({
        %run_scoped3A = tpu.sem_alloc : memref<!tpu.dma_semaphore, #tpu.memory_space<semaphore_mem>>
        %dma_start3A_40 = arith.constant 1280 : i32
        %dma_start3A_41 = tpu.memref_slice %arg6[%dma_start3A_40] : memref<10240xf32, #tpu.memory_space<vmem>> -> memref<400xf32, #tpu.memory_space<vmem>>
        %dma_start3A_42 = arith.constant 29600 : i32
        %dma_start3A_43 = tpu.memref_slice %arg8[%dma_start3A_42] : memref<160000xf32, #tpu.memory_space<vmem_shared>> -> memref<400xf32, #tpu.memory_space<vmem_shared>>
        %dma_start3A_44 = arith.constant 1280 : i32
        %dma_start3A_45 = tpu.memref_slice %arg6[%dma_start3A_44] : memref<10240xf32, #tpu.memory_space<vmem>> -> memref<400xf32, #tpu.memory_space<vmem>>
        %dma_start3A_46 = arith.constant 29600 : i32
        %dma_start3A_47 = tpu.memref_slice %arg8[%dma_start3A_46] : memref<160000xf32, #tpu.memory_space<vmem_shared>> -> memref<400xf32, #tpu.memory_space<vmem_shared>>
        tpu.enqueue_dma source(%dma_start3A_47 : memref<400xf32, #tpu.memory_space<vmem_shared>>) target(%dma_start3A_45 : memref<400xf32, #tpu.memory_space<vmem>>) target_semaphore(%run_scoped3A : memref<!tpu.dma_semaphore, #tpu.memory_space<semaphore_mem>>)
        %dma_wait3A_48 = arith.constant 1280 : i32
        %dma_wait3A_49 = tpu.memref_slice %arg6[%dma_wait3A_48] : memref<10240xf32, #tpu.memory_space<vmem>> -> memref<400xf32, #tpu.memory_space<vmem>>
        %dma_wait3A_50 = arith.constant 29600 : i32
        %dma_wait3A_51 = tpu.memref_slice %arg8[%dma_wait3A_50] : memref<160000xf32, #tpu.memory_space<vmem_shared>> -> memref<400xf32, #tpu.memory_space<vmem_shared>>
        %dma_wait3A_52 = arith.constant 1280 : i32
        %dma_wait3A_53 = tpu.memref_slice %arg6[%dma_wait3A_52] : memref<10240xf32, #tpu.memory_space<vmem>> -> memref<400xf32, #tpu.memory_space<vmem>>
        %dma_wait3A_54 = arith.constant 29600 : i32
        %dma_wait3A_55 = tpu.memref_slice %arg8[%dma_wait3A_54] : memref<160000xf32, #tpu.memory_space<vmem_shared>> -> memref<400xf32, #tpu.memory_space<vmem_shared>>
        tpu.wait_dma2 semaphore(%run_scoped3A : memref<!tpu.dma_semaphore, #tpu.memory_space<semaphore_mem>>) src(%dma_wait3A_55 : memref<400xf32, #tpu.memory_space<vmem_shared>>) dst(%dma_wait3A_53 : memref<400xf32, #tpu.memory_space<vmem>>)
        tpu.yield
      }) : () -> ()
      "tpu.region"() ({
        %run_scoped3A = tpu.sem_alloc : memref<!tpu.dma_semaphore, #tpu.memory_space<semaphore_mem>>
        %dma_start3A_40 = arith.constant 1920 : i32
        %dma_start3A_41 = tpu.memref_slice %arg6[%dma_start3A_40] : memref<10240xf32, #tpu.memory_space<vmem>> -> memref<400xf32, #tpu.memory_space<vmem>>
        %dma_start3A_42 = arith.constant 39600 : i32
        %dma_start3A_43 = tpu.memref_slice %arg8[%dma_start3A_42] : memref<160000xf32, #tpu.memory_space<vmem_shared>> -> memref<400xf32, #tpu.memory_space<vmem_shared>>
        %dma_start3A_44 = arith.constant 1920 : i32
        %dma_start3A_45 = tpu.memref_slice %arg6[%dma_start3A_44] : memref<10240xf32, #tpu.memory_space<vmem>> -> memref<400xf32, #tpu.memory_space<vmem>>
        %dma_start3A_46 = arith.constant 39600 : i32
        %dma_start3A_47 = tpu.memref_slice %arg8[%dma_start3A_46] : memref<160000xf32, #tpu.memory_space<vmem_shared>> -> memref<400xf32, #tpu.memory_space<vmem_shared>>
        tpu.enqueue_dma source(%dma_start3A_47 : memref<400xf32, #tpu.memory_space<vmem_shared>>) target(%dma_start3A_45 : memref<400xf32, #tpu.memory_space<vmem>>) target_semaphore(%run_scoped3A : memref<!tpu.dma_semaphore, #tpu.memory_space<semaphore_mem>>)
        %dma_wait3A_48 = arith.constant 1920 : i32
        %dma_wait3A_49 = tpu.memref_slice %arg6[%dma_wait3A_48] : memref<10240xf32, #tpu.memory_space<vmem>> -> memref<400xf32, #tpu.memory_space<vmem>>
        %dma_wait3A_50 = arith.constant 39600 : i32
        %dma_wait3A_51 = tpu.memref_slice %arg8[%dma_wait3A_50] : memref<160000xf32, #tpu.memory_space<vmem_shared>> -> memref<400xf32, #tpu.memory_space<vmem_shared>>
        %dma_wait3A_52 = arith.constant 1920 : i32
        %dma_wait3A_53 = tpu.memref_slice %arg6[%dma_wait3A_52] : memref<10240xf32, #tpu.memory_space<vmem>> -> memref<400xf32, #tpu.memory_space<vmem>>
        %dma_wait3A_54 = arith.constant 39600 : i32
        %dma_wait3A_55 = tpu.memref_slice %arg8[%dma_wait3A_54] : memref<160000xf32, #tpu.memory_space<vmem_shared>> -> memref<400xf32, #tpu.memory_space<vmem_shared>>
        tpu.wait_dma2 semaphore(%run_scoped3A : memref<!tpu.dma_semaphore, #tpu.memory_space<semaphore_mem>>) src(%dma_wait3A_55 : memref<400xf32, #tpu.memory_space<vmem_shared>>) dst(%dma_wait3A_53 : memref<400xf32, #tpu.memory_space<vmem>>)
        tpu.yield
      }) : () -> ()
      "tpu.region"() ({
        %run_scoped3A = tpu.sem_alloc : memref<!tpu.dma_semaphore, #tpu.memory_space<semaphore_mem>>
        %dma_start3A_40 = arith.constant 2560 : i32
        %dma_start3A_41 = tpu.memref_slice %arg6[%dma_start3A_40] : memref<10240xf32, #tpu.memory_space<vmem>> -> memref<400xf32, #tpu.memory_space<vmem>>
        %dma_start3A_42 = arith.constant 49600 : i32
        %dma_start3A_43 = tpu.memref_slice %arg8[%dma_start3A_42] : memref<160000xf32, #tpu.memory_space<vmem_shared>> -> memref<400xf32, #tpu.memory_space<vmem_shared>>
        %dma_start3A_44 = arith.constant 2560 : i32
        %dma_start3A_45 = tpu.memref_slice %arg6[%dma_start3A_44] : memref<10240xf32, #tpu.memory_space<vmem>> -> memref<400xf32, #tpu.memory_space<vmem>>
        %dma_start3A_46 = arith.constant 49600 : i32
        %dma_start3A_47 = tpu.memref_slice %arg8[%dma_start3A_46] : memref<160000xf32, #tpu.memory_space<vmem_shared>> -> memref<400xf32, #tpu.memory_space<vmem_shared>>
        tpu.enqueue_dma source(%dma_start3A_47 : memref<400xf32, #tpu.memory_space<vmem_shared>>) target(%dma_start3A_45 : memref<400xf32, #tpu.memory_space<vmem>>) target_semaphore(%run_scoped3A : memref<!tpu.dma_semaphore, #tpu.memory_space<semaphore_mem>>)
        %dma_wait3A_48 = arith.constant 2560 : i32
        %dma_wait3A_49 = tpu.memref_slice %arg6[%dma_wait3A_48] : memref<10240xf32, #tpu.memory_space<vmem>> -> memref<400xf32, #tpu.memory_space<vmem>>
        %dma_wait3A_50 = arith.constant 49600 : i32
        %dma_wait3A_51 = tpu.memref_slice %arg8[%dma_wait3A_50] : memref<160000xf32, #tpu.memory_space<vmem_shared>> -> memref<400xf32, #tpu.memory_space<vmem_shared>>
        %dma_wait3A_52 = arith.constant 2560 : i32
        %dma_wait3A_53 = tpu.memref_slice %arg6[%dma_wait3A_52] : memref<10240xf32, #tpu.memory_space<vmem>> -> memref<400xf32, #tpu.memory_space<vmem>>
        %dma_wait3A_54 = arith.constant 49600 : i32
        %dma_wait3A_55 = tpu.memref_slice %arg8[%dma_wait3A_54] : memref<160000xf32, #tpu.memory_space<vmem_shared>> -> memref<400xf32, #tpu.memory_space<vmem_shared>>
        tpu.wait_dma2 semaphore(%run_scoped3A : memref<!tpu.dma_semaphore, #tpu.memory_space<semaphore_mem>>) src(%dma_wait3A_55 : memref<400xf32, #tpu.memory_space<vmem_shared>>) dst(%dma_wait3A_53 : memref<400xf32, #tpu.memory_space<vmem>>)
        tpu.yield
      }) : () -> ()
      "tpu.region"() ({
        %run_scoped3A = tpu.sem_alloc : memref<!tpu.dma_semaphore, #tpu.memory_space<semaphore_mem>>
        %dma_start3A_40 = arith.constant 3200 : i32
        %dma_start3A_41 = tpu.memref_slice %arg6[%dma_start3A_40] : memref<10240xf32, #tpu.memory_space<vmem>> -> memref<400xf32, #tpu.memory_space<vmem>>
        %dma_start3A_42 = arith.constant 59600 : i32
        %dma_start3A_43 = tpu.memref_slice %arg8[%dma_start3A_42] : memref<160000xf32, #tpu.memory_space<vmem_shared>> -> memref<400xf32, #tpu.memory_space<vmem_shared>>
        %dma_start3A_44 = arith.constant 3200 : i32
        %dma_start3A_45 = tpu.memref_slice %arg6[%dma_start3A_44] : memref<10240xf32, #tpu.memory_space<vmem>> -> memref<400xf32, #tpu.memory_space<vmem>>
        %dma_start3A_46 = arith.constant 59600 : i32
        %dma_start3A_47 = tpu.memref_slice %arg8[%dma_start3A_46] : memref<160000xf32, #tpu.memory_space<vmem_shared>> -> memref<400xf32, #tpu.memory_space<vmem_shared>>
        tpu.enqueue_dma source(%dma_start3A_47 : memref<400xf32, #tpu.memory_space<vmem_shared>>) target(%dma_start3A_45 : memref<400xf32, #tpu.memory_space<vmem>>) target_semaphore(%run_scoped3A : memref<!tpu.dma_semaphore, #tpu.memory_space<semaphore_mem>>)
        %dma_wait3A_48 = arith.constant 3200 : i32
        %dma_wait3A_49 = tpu.memref_slice %arg6[%dma_wait3A_48] : memref<10240xf32, #tpu.memory_space<vmem>> -> memref<400xf32, #tpu.memory_space<vmem>>
        %dma_wait3A_50 = arith.constant 59600 : i32
        %dma_wait3A_51 = tpu.memref_slice %arg8[%dma_wait3A_50] : memref<160000xf32, #tpu.memory_space<vmem_shared>> -> memref<400xf32, #tpu.memory_space<vmem_shared>>
        %dma_wait3A_52 = arith.constant 3200 : i32
        %dma_wait3A_53 = tpu.memref_slice %arg6[%dma_wait3A_52] : memref<10240xf32, #tpu.memory_space<vmem>> -> memref<400xf32, #tpu.memory_space<vmem>>
        %dma_wait3A_54 = arith.constant 59600 : i32
        %dma_wait3A_55 = tpu.memref_slice %arg8[%dma_wait3A_54] : memref<160000xf32, #tpu.memory_space<vmem_shared>> -> memref<400xf32, #tpu.memory_space<vmem_shared>>
        tpu.wait_dma2 semaphore(%run_scoped3A : memref<!tpu.dma_semaphore, #tpu.memory_space<semaphore_mem>>) src(%dma_wait3A_55 : memref<400xf32, #tpu.memory_space<vmem_shared>>) dst(%dma_wait3A_53 : memref<400xf32, #tpu.memory_space<vmem>>)
        tpu.yield
      }) : () -> ()
      "tpu.region"() ({
        %run_scoped3A = tpu.sem_alloc : memref<!tpu.dma_semaphore, #tpu.memory_space<semaphore_mem>>
        %dma_start3A_40 = arith.constant 3840 : i32
        %dma_start3A_41 = tpu.memref_slice %arg6[%dma_start3A_40] : memref<10240xf32, #tpu.memory_space<vmem>> -> memref<400xf32, #tpu.memory_space<vmem>>
        %dma_start3A_42 = arith.constant 69600 : i32
        %dma_start3A_43 = tpu.memref_slice %arg8[%dma_start3A_42] : memref<160000xf32, #tpu.memory_space<vmem_shared>> -> memref<400xf32, #tpu.memory_space<vmem_shared>>
        %dma_start3A_44 = arith.constant 3840 : i32
        %dma_start3A_45 = tpu.memref_slice %arg6[%dma_start3A_44] : memref<10240xf32, #tpu.memory_space<vmem>> -> memref<400xf32, #tpu.memory_space<vmem>>
        %dma_start3A_46 = arith.constant 69600 : i32
        %dma_start3A_47 = tpu.memref_slice %arg8[%dma_start3A_46] : memref<160000xf32, #tpu.memory_space<vmem_shared>> -> memref<400xf32, #tpu.memory_space<vmem_shared>>
        tpu.enqueue_dma source(%dma_start3A_47 : memref<400xf32, #tpu.memory_space<vmem_shared>>) target(%dma_start3A_45 : memref<400xf32, #tpu.memory_space<vmem>>) target_semaphore(%run_scoped3A : memref<!tpu.dma_semaphore, #tpu.memory_space<semaphore_mem>>)
        %dma_wait3A_48 = arith.constant 3840 : i32
        %dma_wait3A_49 = tpu.memref_slice %arg6[%dma_wait3A_48] : memref<10240xf32, #tpu.memory_space<vmem>> -> memref<400xf32, #tpu.memory_space<vmem>>
        %dma_wait3A_50 = arith.constant 69600 : i32
        %dma_wait3A_51 = tpu.memref_slice %arg8[%dma_wait3A_50] : memref<160000xf32, #tpu.memory_space<vmem_shared>> -> memref<400xf32, #tpu.memory_space<vmem_shared>>
        %dma_wait3A_52 = arith.constant 3840 : i32
        %dma_wait3A_53 = tpu.memref_slice %arg6[%dma_wait3A_52] : memref<10240xf32, #tpu.memory_space<vmem>> -> memref<400xf32, #tpu.memory_space<vmem>>
        %dma_wait3A_54 = arith.constant 69600 : i32
        %dma_wait3A_55 = tpu.memref_slice %arg8[%dma_wait3A_54] : memref<160000xf32, #tpu.memory_space<vmem_shared>> -> memref<400xf32, #tpu.memory_space<vmem_shared>>
        tpu.wait_dma2 semaphore(%run_scoped3A : memref<!tpu.dma_semaphore, #tpu.memory_space<semaphore_mem>>) src(%dma_wait3A_55 : memref<400xf32, #tpu.memory_space<vmem_shared>>) dst(%dma_wait3A_53 : memref<400xf32, #tpu.memory_space<vmem>>)
        tpu.yield
      }) : () -> ()
      "tpu.region"() ({
        %run_scoped3A = tpu.sem_alloc : memref<!tpu.dma_semaphore, #tpu.memory_space<semaphore_mem>>
        %dma_start3A_40 = arith.constant 4480 : i32
        %dma_start3A_41 = tpu.memref_slice %arg6[%dma_start3A_40] : memref<10240xf32, #tpu.memory_space<vmem>> -> memref<400xf32, #tpu.memory_space<vmem>>
        %dma_start3A_42 = arith.constant 79600 : i32
        %dma_start3A_43 = tpu.memref_slice %arg8[%dma_start3A_42] : memref<160000xf32, #tpu.memory_space<vmem_shared>> -> memref<400xf32, #tpu.memory_space<vmem_shared>>
        %dma_start3A_44 = arith.constant 4480 : i32
        %dma_start3A_45 = tpu.memref_slice %arg6[%dma_start3A_44] : memref<10240xf32, #tpu.memory_space<vmem>> -> memref<400xf32, #tpu.memory_space<vmem>>
        %dma_start3A_46 = arith.constant 79600 : i32
        %dma_start3A_47 = tpu.memref_slice %arg8[%dma_start3A_46] : memref<160000xf32, #tpu.memory_space<vmem_shared>> -> memref<400xf32, #tpu.memory_space<vmem_shared>>
        tpu.enqueue_dma source(%dma_start3A_47 : memref<400xf32, #tpu.memory_space<vmem_shared>>) target(%dma_start3A_45 : memref<400xf32, #tpu.memory_space<vmem>>) target_semaphore(%run_scoped3A : memref<!tpu.dma_semaphore, #tpu.memory_space<semaphore_mem>>)
        %dma_wait3A_48 = arith.constant 4480 : i32
        %dma_wait3A_49 = tpu.memref_slice %arg6[%dma_wait3A_48] : memref<10240xf32, #tpu.memory_space<vmem>> -> memref<400xf32, #tpu.memory_space<vmem>>
        %dma_wait3A_50 = arith.constant 79600 : i32
        %dma_wait3A_51 = tpu.memref_slice %arg8[%dma_wait3A_50] : memref<160000xf32, #tpu.memory_space<vmem_shared>> -> memref<400xf32, #tpu.memory_space<vmem_shared>>
        %dma_wait3A_52 = arith.constant 4480 : i32
        %dma_wait3A_53 = tpu.memref_slice %arg6[%dma_wait3A_52] : memref<10240xf32, #tpu.memory_space<vmem>> -> memref<400xf32, #tpu.memory_space<vmem>>
        %dma_wait3A_54 = arith.constant 79600 : i32
        %dma_wait3A_55 = tpu.memref_slice %arg8[%dma_wait3A_54] : memref<160000xf32, #tpu.memory_space<vmem_shared>> -> memref<400xf32, #tpu.memory_space<vmem_shared>>
        tpu.wait_dma2 semaphore(%run_scoped3A : memref<!tpu.dma_semaphore, #tpu.memory_space<semaphore_mem>>) src(%dma_wait3A_55 : memref<400xf32, #tpu.memory_space<vmem_shared>>) dst(%dma_wait3A_53 : memref<400xf32, #tpu.memory_space<vmem>>)
        tpu.yield
      }) : () -> ()
      "tpu.region"() ({
        %run_scoped3A = tpu.sem_alloc : memref<!tpu.dma_semaphore, #tpu.memory_space<semaphore_mem>>
        %dma_start3A_40 = arith.constant 5120 : i32
        %dma_start3A_41 = tpu.memref_slice %arg6[%dma_start3A_40] : memref<10240xf32, #tpu.memory_space<vmem>> -> memref<400xf32, #tpu.memory_space<vmem>>
        %dma_start3A_42 = arith.constant 89600 : i32
        %dma_start3A_43 = tpu.memref_slice %arg8[%dma_start3A_42] : memref<160000xf32, #tpu.memory_space<vmem_shared>> -> memref<400xf32, #tpu.memory_space<vmem_shared>>
        %dma_start3A_44 = arith.constant 5120 : i32
        %dma_start3A_45 = tpu.memref_slice %arg6[%dma_start3A_44] : memref<10240xf32, #tpu.memory_space<vmem>> -> memref<400xf32, #tpu.memory_space<vmem>>
        %dma_start3A_46 = arith.constant 89600 : i32
        %dma_start3A_47 = tpu.memref_slice %arg8[%dma_start3A_46] : memref<160000xf32, #tpu.memory_space<vmem_shared>> -> memref<400xf32, #tpu.memory_space<vmem_shared>>
        tpu.enqueue_dma source(%dma_start3A_47 : memref<400xf32, #tpu.memory_space<vmem_shared>>) target(%dma_start3A_45 : memref<400xf32, #tpu.memory_space<vmem>>) target_semaphore(%run_scoped3A : memref<!tpu.dma_semaphore, #tpu.memory_space<semaphore_mem>>)
        %dma_wait3A_48 = arith.constant 5120 : i32
        %dma_wait3A_49 = tpu.memref_slice %arg6[%dma_wait3A_48] : memref<10240xf32, #tpu.memory_space<vmem>> -> memref<400xf32, #tpu.memory_space<vmem>>
        %dma_wait3A_50 = arith.constant 89600 : i32
        %dma_wait3A_51 = tpu.memref_slice %arg8[%dma_wait3A_50] : memref<160000xf32, #tpu.memory_space<vmem_shared>> -> memref<400xf32, #tpu.memory_space<vmem_shared>>
        %dma_wait3A_52 = arith.constant 5120 : i32
        %dma_wait3A_53 = tpu.memref_slice %arg6[%dma_wait3A_52] : memref<10240xf32, #tpu.memory_space<vmem>> -> memref<400xf32, #tpu.memory_space<vmem>>
        %dma_wait3A_54 = arith.constant 89600 : i32
        %dma_wait3A_55 = tpu.memref_slice %arg8[%dma_wait3A_54] : memref<160000xf32, #tpu.memory_space<vmem_shared>> -> memref<400xf32, #tpu.memory_space<vmem_shared>>
        tpu.wait_dma2 semaphore(%run_scoped3A : memref<!tpu.dma_semaphore, #tpu.memory_space<semaphore_mem>>) src(%dma_wait3A_55 : memref<400xf32, #tpu.memory_space<vmem_shared>>) dst(%dma_wait3A_53 : memref<400xf32, #tpu.memory_space<vmem>>)
        tpu.yield
      }) : () -> ()
      "tpu.region"() ({
        %run_scoped3A = tpu.sem_alloc : memref<!tpu.dma_semaphore, #tpu.memory_space<semaphore_mem>>
        %dma_start3A_40 = arith.constant 5760 : i32
        %dma_start3A_41 = tpu.memref_slice %arg6[%dma_start3A_40] : memref<10240xf32, #tpu.memory_space<vmem>> -> memref<400xf32, #tpu.memory_space<vmem>>
        %dma_start3A_42 = arith.constant 99600 : i32
        %dma_start3A_43 = tpu.memref_slice %arg8[%dma_start3A_42] : memref<160000xf32, #tpu.memory_space<vmem_shared>> -> memref<400xf32, #tpu.memory_space<vmem_shared>>
        %dma_start3A_44 = arith.constant 5760 : i32
        %dma_start3A_45 = tpu.memref_slice %arg6[%dma_start3A_44] : memref<10240xf32, #tpu.memory_space<vmem>> -> memref<400xf32, #tpu.memory_space<vmem>>
        %dma_start3A_46 = arith.constant 99600 : i32
        %dma_start3A_47 = tpu.memref_slice %arg8[%dma_start3A_46] : memref<160000xf32, #tpu.memory_space<vmem_shared>> -> memref<400xf32, #tpu.memory_space<vmem_shared>>
        tpu.enqueue_dma source(%dma_start3A_47 : memref<400xf32, #tpu.memory_space<vmem_shared>>) target(%dma_start3A_45 : memref<400xf32, #tpu.memory_space<vmem>>) target_semaphore(%run_scoped3A : memref<!tpu.dma_semaphore, #tpu.memory_space<semaphore_mem>>)
        %dma_wait3A_48 = arith.constant 5760 : i32
        %dma_wait3A_49 = tpu.memref_slice %arg6[%dma_wait3A_48] : memref<10240xf32, #tpu.memory_space<vmem>> -> memref<400xf32, #tpu.memory_space<vmem>>
        %dma_wait3A_50 = arith.constant 99600 : i32
        %dma_wait3A_51 = tpu.memref_slice %arg8[%dma_wait3A_50] : memref<160000xf32, #tpu.memory_space<vmem_shared>> -> memref<400xf32, #tpu.memory_space<vmem_shared>>
        %dma_wait3A_52 = arith.constant 5760 : i32
        %dma_wait3A_53 = tpu.memref_slice %arg6[%dma_wait3A_52] : memref<10240xf32, #tpu.memory_space<vmem>> -> memref<400xf32, #tpu.memory_space<vmem>>
        %dma_wait3A_54 = arith.constant 99600 : i32
        %dma_wait3A_55 = tpu.memref_slice %arg8[%dma_wait3A_54] : memref<160000xf32, #tpu.memory_space<vmem_shared>> -> memref<400xf32, #tpu.memory_space<vmem_shared>>
        tpu.wait_dma2 semaphore(%run_scoped3A : memref<!tpu.dma_semaphore, #tpu.memory_space<semaphore_mem>>) src(%dma_wait3A_55 : memref<400xf32, #tpu.memory_space<vmem_shared>>) dst(%dma_wait3A_53 : memref<400xf32, #tpu.memory_space<vmem>>)
        tpu.yield
      }) : () -> ()
      "tpu.region"() ({
        %run_scoped3A = tpu.sem_alloc : memref<!tpu.dma_semaphore, #tpu.memory_space<semaphore_mem>>
        %dma_start3A_40 = arith.constant 6400 : i32
        %dma_start3A_41 = tpu.memref_slice %arg6[%dma_start3A_40] : memref<10240xf32, #tpu.memory_space<vmem>> -> memref<400xf32, #tpu.memory_space<vmem>>
        %dma_start3A_42 = arith.constant 109600 : i32
        %dma_start3A_43 = tpu.memref_slice %arg8[%dma_start3A_42] : memref<160000xf32, #tpu.memory_space<vmem_shared>> -> memref<400xf32, #tpu.memory_space<vmem_shared>>
        %dma_start3A_44 = arith.constant 6400 : i32
        %dma_start3A_45 = tpu.memref_slice %arg6[%dma_start3A_44] : memref<10240xf32, #tpu.memory_space<vmem>> -> memref<400xf32, #tpu.memory_space<vmem>>
        %dma_start3A_46 = arith.constant 109600 : i32
        %dma_start3A_47 = tpu.memref_slice %arg8[%dma_start3A_46] : memref<160000xf32, #tpu.memory_space<vmem_shared>> -> memref<400xf32, #tpu.memory_space<vmem_shared>>
        tpu.enqueue_dma source(%dma_start3A_47 : memref<400xf32, #tpu.memory_space<vmem_shared>>) target(%dma_start3A_45 : memref<400xf32, #tpu.memory_space<vmem>>) target_semaphore(%run_scoped3A : memref<!tpu.dma_semaphore, #tpu.memory_space<semaphore_mem>>)
        %dma_wait3A_48 = arith.constant 6400 : i32
        %dma_wait3A_49 = tpu.memref_slice %arg6[%dma_wait3A_48] : memref<10240xf32, #tpu.memory_space<vmem>> -> memref<400xf32, #tpu.memory_space<vmem>>
        %dma_wait3A_50 = arith.constant 109600 : i32
        %dma_wait3A_51 = tpu.memref_slice %arg8[%dma_wait3A_50] : memref<160000xf32, #tpu.memory_space<vmem_shared>> -> memref<400xf32, #tpu.memory_space<vmem_shared>>
        %dma_wait3A_52 = arith.constant 6400 : i32
        %dma_wait3A_53 = tpu.memref_slice %arg6[%dma_wait3A_52] : memref<10240xf32, #tpu.memory_space<vmem>> -> memref<400xf32, #tpu.memory_space<vmem>>
        %dma_wait3A_54 = arith.constant 109600 : i32
        %dma_wait3A_55 = tpu.memref_slice %arg8[%dma_wait3A_54] : memref<160000xf32, #tpu.memory_space<vmem_shared>> -> memref<400xf32, #tpu.memory_space<vmem_shared>>
        tpu.wait_dma2 semaphore(%run_scoped3A : memref<!tpu.dma_semaphore, #tpu.memory_space<semaphore_mem>>) src(%dma_wait3A_55 : memref<400xf32, #tpu.memory_space<vmem_shared>>) dst(%dma_wait3A_53 : memref<400xf32, #tpu.memory_space<vmem>>)
        tpu.yield
      }) : () -> ()
      "tpu.region"() ({
        %run_scoped3A = tpu.sem_alloc : memref<!tpu.dma_semaphore, #tpu.memory_space<semaphore_mem>>
        %dma_start3A_40 = arith.constant 7040 : i32
        %dma_start3A_41 = tpu.memref_slice %arg6[%dma_start3A_40] : memref<10240xf32, #tpu.memory_space<vmem>> -> memref<400xf32, #tpu.memory_space<vmem>>
        %dma_start3A_42 = arith.constant 119600 : i32
        %dma_start3A_43 = tpu.memref_slice %arg8[%dma_start3A_42] : memref<160000xf32, #tpu.memory_space<vmem_shared>> -> memref<400xf32, #tpu.memory_space<vmem_shared>>
        %dma_start3A_44 = arith.constant 7040 : i32
        %dma_start3A_45 = tpu.memref_slice %arg6[%dma_start3A_44] : memref<10240xf32, #tpu.memory_space<vmem>> -> memref<400xf32, #tpu.memory_space<vmem>>
        %dma_start3A_46 = arith.constant 119600 : i32
        %dma_start3A_47 = tpu.memref_slice %arg8[%dma_start3A_46] : memref<160000xf32, #tpu.memory_space<vmem_shared>> -> memref<400xf32, #tpu.memory_space<vmem_shared>>
        tpu.enqueue_dma source(%dma_start3A_47 : memref<400xf32, #tpu.memory_space<vmem_shared>>) target(%dma_start3A_45 : memref<400xf32, #tpu.memory_space<vmem>>) target_semaphore(%run_scoped3A : memref<!tpu.dma_semaphore, #tpu.memory_space<semaphore_mem>>)
        %dma_wait3A_48 = arith.constant 7040 : i32
        %dma_wait3A_49 = tpu.memref_slice %arg6[%dma_wait3A_48] : memref<10240xf32, #tpu.memory_space<vmem>> -> memref<400xf32, #tpu.memory_space<vmem>>
        %dma_wait3A_50 = arith.constant 119600 : i32
        %dma_wait3A_51 = tpu.memref_slice %arg8[%dma_wait3A_50] : memref<160000xf32, #tpu.memory_space<vmem_shared>> -> memref<400xf32, #tpu.memory_space<vmem_shared>>
        %dma_wait3A_52 = arith.constant 7040 : i32
        %dma_wait3A_53 = tpu.memref_slice %arg6[%dma_wait3A_52] : memref<10240xf32, #tpu.memory_space<vmem>> -> memref<400xf32, #tpu.memory_space<vmem>>
        %dma_wait3A_54 = arith.constant 119600 : i32
        %dma_wait3A_55 = tpu.memref_slice %arg8[%dma_wait3A_54] : memref<160000xf32, #tpu.memory_space<vmem_shared>> -> memref<400xf32, #tpu.memory_space<vmem_shared>>
        tpu.wait_dma2 semaphore(%run_scoped3A : memref<!tpu.dma_semaphore, #tpu.memory_space<semaphore_mem>>) src(%dma_wait3A_55 : memref<400xf32, #tpu.memory_space<vmem_shared>>) dst(%dma_wait3A_53 : memref<400xf32, #tpu.memory_space<vmem>>)
        tpu.yield
      }) : () -> ()
      "tpu.region"() ({
        %run_scoped3A = tpu.sem_alloc : memref<!tpu.dma_semaphore, #tpu.memory_space<semaphore_mem>>
        %dma_start3A_40 = arith.constant 7680 : i32
        %dma_start3A_41 = tpu.memref_slice %arg6[%dma_start3A_40] : memref<10240xf32, #tpu.memory_space<vmem>> -> memref<400xf32, #tpu.memory_space<vmem>>
        %dma_start3A_42 = arith.constant 129600 : i32
        %dma_start3A_43 = tpu.memref_slice %arg8[%dma_start3A_42] : memref<160000xf32, #tpu.memory_space<vmem_shared>> -> memref<400xf32, #tpu.memory_space<vmem_shared>>
        %dma_start3A_44 = arith.constant 7680 : i32
        %dma_start3A_45 = tpu.memref_slice %arg6[%dma_start3A_44] : memref<10240xf32, #tpu.memory_space<vmem>> -> memref<400xf32, #tpu.memory_space<vmem>>
        %dma_start3A_46 = arith.constant 129600 : i32
        %dma_start3A_47 = tpu.memref_slice %arg8[%dma_start3A_46] : memref<160000xf32, #tpu.memory_space<vmem_shared>> -> memref<400xf32, #tpu.memory_space<vmem_shared>>
        tpu.enqueue_dma source(%dma_start3A_47 : memref<400xf32, #tpu.memory_space<vmem_shared>>) target(%dma_start3A_45 : memref<400xf32, #tpu.memory_space<vmem>>) target_semaphore(%run_scoped3A : memref<!tpu.dma_semaphore, #tpu.memory_space<semaphore_mem>>)
        %dma_wait3A_48 = arith.constant 7680 : i32
        %dma_wait3A_49 = tpu.memref_slice %arg6[%dma_wait3A_48] : memref<10240xf32, #tpu.memory_space<vmem>> -> memref<400xf32, #tpu.memory_space<vmem>>
        %dma_wait3A_50 = arith.constant 129600 : i32
        %dma_wait3A_51 = tpu.memref_slice %arg8[%dma_wait3A_50] : memref<160000xf32, #tpu.memory_space<vmem_shared>> -> memref<400xf32, #tpu.memory_space<vmem_shared>>
        %dma_wait3A_52 = arith.constant 7680 : i32
        %dma_wait3A_53 = tpu.memref_slice %arg6[%dma_wait3A_52] : memref<10240xf32, #tpu.memory_space<vmem>> -> memref<400xf32, #tpu.memory_space<vmem>>
        %dma_wait3A_54 = arith.constant 129600 : i32
        %dma_wait3A_55 = tpu.memref_slice %arg8[%dma_wait3A_54] : memref<160000xf32, #tpu.memory_space<vmem_shared>> -> memref<400xf32, #tpu.memory_space<vmem_shared>>
        tpu.wait_dma2 semaphore(%run_scoped3A : memref<!tpu.dma_semaphore, #tpu.memory_space<semaphore_mem>>) src(%dma_wait3A_55 : memref<400xf32, #tpu.memory_space<vmem_shared>>) dst(%dma_wait3A_53 : memref<400xf32, #tpu.memory_space<vmem>>)
        tpu.yield
      }) : () -> ()
      "tpu.region"() ({
        %run_scoped3A = tpu.sem_alloc : memref<!tpu.dma_semaphore, #tpu.memory_space<semaphore_mem>>
        %dma_start3A_40 = arith.constant 8320 : i32
        %dma_start3A_41 = tpu.memref_slice %arg6[%dma_start3A_40] : memref<10240xf32, #tpu.memory_space<vmem>> -> memref<400xf32, #tpu.memory_space<vmem>>
        %dma_start3A_42 = arith.constant 139600 : i32
        %dma_start3A_43 = tpu.memref_slice %arg8[%dma_start3A_42] : memref<160000xf32, #tpu.memory_space<vmem_shared>> -> memref<400xf32, #tpu.memory_space<vmem_shared>>
        %dma_start3A_44 = arith.constant 8320 : i32
        %dma_start3A_45 = tpu.memref_slice %arg6[%dma_start3A_44] : memref<10240xf32, #tpu.memory_space<vmem>> -> memref<400xf32, #tpu.memory_space<vmem>>
        %dma_start3A_46 = arith.constant 139600 : i32
        %dma_start3A_47 = tpu.memref_slice %arg8[%dma_start3A_46] : memref<160000xf32, #tpu.memory_space<vmem_shared>> -> memref<400xf32, #tpu.memory_space<vmem_shared>>
        tpu.enqueue_dma source(%dma_start3A_47 : memref<400xf32, #tpu.memory_space<vmem_shared>>) target(%dma_start3A_45 : memref<400xf32, #tpu.memory_space<vmem>>) target_semaphore(%run_scoped3A : memref<!tpu.dma_semaphore, #tpu.memory_space<semaphore_mem>>)
        %dma_wait3A_48 = arith.constant 8320 : i32
        %dma_wait3A_49 = tpu.memref_slice %arg6[%dma_wait3A_48] : memref<10240xf32, #tpu.memory_space<vmem>> -> memref<400xf32, #tpu.memory_space<vmem>>
        %dma_wait3A_50 = arith.constant 139600 : i32
        %dma_wait3A_51 = tpu.memref_slice %arg8[%dma_wait3A_50] : memref<160000xf32, #tpu.memory_space<vmem_shared>> -> memref<400xf32, #tpu.memory_space<vmem_shared>>
        %dma_wait3A_52 = arith.constant 8320 : i32
        %dma_wait3A_53 = tpu.memref_slice %arg6[%dma_wait3A_52] : memref<10240xf32, #tpu.memory_space<vmem>> -> memref<400xf32, #tpu.memory_space<vmem>>
        %dma_wait3A_54 = arith.constant 139600 : i32
        %dma_wait3A_55 = tpu.memref_slice %arg8[%dma_wait3A_54] : memref<160000xf32, #tpu.memory_space<vmem_shared>> -> memref<400xf32, #tpu.memory_space<vmem_shared>>
        tpu.wait_dma2 semaphore(%run_scoped3A : memref<!tpu.dma_semaphore, #tpu.memory_space<semaphore_mem>>) src(%dma_wait3A_55 : memref<400xf32, #tpu.memory_space<vmem_shared>>) dst(%dma_wait3A_53 : memref<400xf32, #tpu.memory_space<vmem>>)
        tpu.yield
      }) : () -> ()
      "tpu.region"() ({
        %run_scoped3A = tpu.sem_alloc : memref<!tpu.dma_semaphore, #tpu.memory_space<semaphore_mem>>
        %dma_start3A_40 = arith.constant 8960 : i32
        %dma_start3A_41 = tpu.memref_slice %arg6[%dma_start3A_40] : memref<10240xf32, #tpu.memory_space<vmem>> -> memref<400xf32, #tpu.memory_space<vmem>>
        %dma_start3A_42 = arith.constant 149600 : i32
        %dma_start3A_43 = tpu.memref_slice %arg8[%dma_start3A_42] : memref<160000xf32, #tpu.memory_space<vmem_shared>> -> memref<400xf32, #tpu.memory_space<vmem_shared>>
        %dma_start3A_44 = arith.constant 8960 : i32
        %dma_start3A_45 = tpu.memref_slice %arg6[%dma_start3A_44] : memref<10240xf32, #tpu.memory_space<vmem>> -> memref<400xf32, #tpu.memory_space<vmem>>
        %dma_start3A_46 = arith.constant 149600 : i32
        %dma_start3A_47 = tpu.memref_slice %arg8[%dma_start3A_46] : memref<160000xf32, #tpu.memory_space<vmem_shared>> -> memref<400xf32, #tpu.memory_space<vmem_shared>>
        tpu.enqueue_dma source(%dma_start3A_47 : memref<400xf32, #tpu.memory_space<vmem_shared>>) target(%dma_start3A_45 : memref<400xf32, #tpu.memory_space<vmem>>) target_semaphore(%run_scoped3A : memref<!tpu.dma_semaphore, #tpu.memory_space<semaphore_mem>>)
        %dma_wait3A_48 = arith.constant 8960 : i32
        %dma_wait3A_49 = tpu.memref_slice %arg6[%dma_wait3A_48] : memref<10240xf32, #tpu.memory_space<vmem>> -> memref<400xf32, #tpu.memory_space<vmem>>
        %dma_wait3A_50 = arith.constant 149600 : i32
        %dma_wait3A_51 = tpu.memref_slice %arg8[%dma_wait3A_50] : memref<160000xf32, #tpu.memory_space<vmem_shared>> -> memref<400xf32, #tpu.memory_space<vmem_shared>>
        %dma_wait3A_52 = arith.constant 8960 : i32
        %dma_wait3A_53 = tpu.memref_slice %arg6[%dma_wait3A_52] : memref<10240xf32, #tpu.memory_space<vmem>> -> memref<400xf32, #tpu.memory_space<vmem>>
        %dma_wait3A_54 = arith.constant 149600 : i32
        %dma_wait3A_55 = tpu.memref_slice %arg8[%dma_wait3A_54] : memref<160000xf32, #tpu.memory_space<vmem_shared>> -> memref<400xf32, #tpu.memory_space<vmem_shared>>
        tpu.wait_dma2 semaphore(%run_scoped3A : memref<!tpu.dma_semaphore, #tpu.memory_space<semaphore_mem>>) src(%dma_wait3A_55 : memref<400xf32, #tpu.memory_space<vmem_shared>>) dst(%dma_wait3A_53 : memref<400xf32, #tpu.memory_space<vmem>>)
        tpu.yield
      }) : () -> ()
      "tpu.region"() ({
        %run_scoped3A = tpu.sem_alloc : memref<!tpu.dma_semaphore, #tpu.memory_space<semaphore_mem>>
        %dma_start3A_40 = arith.constant 9600 : i32
        %dma_start3A_41 = tpu.memref_slice %arg6[%dma_start3A_40] : memref<10240xf32, #tpu.memory_space<vmem>> -> memref<400xf32, #tpu.memory_space<vmem>>
        %dma_start3A_42 = arith.constant 159600 : i32
        %dma_start3A_43 = tpu.memref_slice %arg8[%dma_start3A_42] : memref<160000xf32, #tpu.memory_space<vmem_shared>> -> memref<400xf32, #tpu.memory_space<vmem_shared>>
        %dma_start3A_44 = arith.constant 9600 : i32
        %dma_start3A_45 = tpu.memref_slice %arg6[%dma_start3A_44] : memref<10240xf32, #tpu.memory_space<vmem>> -> memref<400xf32, #tpu.memory_space<vmem>>
        %dma_start3A_46 = arith.constant 159600 : i32
        %dma_start3A_47 = tpu.memref_slice %arg8[%dma_start3A_46] : memref<160000xf32, #tpu.memory_space<vmem_shared>> -> memref<400xf32, #tpu.memory_space<vmem_shared>>
        tpu.enqueue_dma source(%dma_start3A_47 : memref<400xf32, #tpu.memory_space<vmem_shared>>) target(%dma_start3A_45 : memref<400xf32, #tpu.memory_space<vmem>>) target_semaphore(%run_scoped3A : memref<!tpu.dma_semaphore, #tpu.memory_space<semaphore_mem>>)
        %dma_wait3A_48 = arith.constant 9600 : i32
        %dma_wait3A_49 = tpu.memref_slice %arg6[%dma_wait3A_48] : memref<10240xf32, #tpu.memory_space<vmem>> -> memref<400xf32, #tpu.memory_space<vmem>>
        %dma_wait3A_50 = arith.constant 159600 : i32
        %dma_wait3A_51 = tpu.memref_slice %arg8[%dma_wait3A_50] : memref<160000xf32, #tpu.memory_space<vmem_shared>> -> memref<400xf32, #tpu.memory_space<vmem_shared>>
        %dma_wait3A_52 = arith.constant 9600 : i32
        %dma_wait3A_53 = tpu.memref_slice %arg6[%dma_wait3A_52] : memref<10240xf32, #tpu.memory_space<vmem>> -> memref<400xf32, #tpu.memory_space<vmem>>
        %dma_wait3A_54 = arith.constant 159600 : i32
        %dma_wait3A_55 = tpu.memref_slice %arg8[%dma_wait3A_54] : memref<160000xf32, #tpu.memory_space<vmem_shared>> -> memref<400xf32, #tpu.memory_space<vmem_shared>>
        tpu.wait_dma2 semaphore(%run_scoped3A : memref<!tpu.dma_semaphore, #tpu.memory_space<semaphore_mem>>) src(%dma_wait3A_55 : memref<400xf32, #tpu.memory_space<vmem_shared>>) dst(%dma_wait3A_53 : memref<400xf32, #tpu.memory_space<vmem>>)
        tpu.yield
      }) : () -> ()
      %scan3A_30 = arith.constant 0 : i32
      %scan3A_31 = arith.constant 0 : i32
      %scan3A_32 = arith.constant 25 : i32
      %scan3A_33 = arith.addi %scan3A_31, %scan3A_32 : i32
      %scan3A_34 = arith.constant 1 : i32
      scf.for %scan3A_40 = %scan3A_31 to %scan3A_33 step %scan3A_34  : i32 {
        %mul3A_41 = arith.constant 16 : i32
        %mul3A_42 = arith.muli %scan3A_40, %mul3A_41 : i32
        %get3A = arith.index_cast %mul3A_42 : i32 to index
        %get3A_43 = tpu.vector_load %arg6[%get3A] {strides = array<i32>} : memref<10240xf32, #tpu.memory_space<vmem>>, vector<16xf32>,
        %mul3A_44 = arith.constant 16 : i32
        %mul3A_45 = arith.muli %scan3A_40, %mul3A_44 : i32
        %add3A_46 = arith.constant 640 : i32
        %add3A_47 = arith.addi %add3A_46, %mul3A_45 : i32
        %get3A_48 = arith.index_cast %add3A_47 : i32 to index
        %get3A_49 = tpu.vector_load %arg6[%get3A_48] {strides = array<i32>} : memref<10240xf32, #tpu.memory_space<vmem>>, vector<16xf32>,
        %add3A_50 = arith.addf %get3A_43, %get3A_49 : vector<16xf32>
        %mul3A_51 = arith.constant 16 : i32
        %mul3A_52 = arith.muli %scan3A_40, %mul3A_51 : i32
        %add3A_53 = arith.constant 1280 : i32
        %add3A_54 = arith.addi %add3A_53, %mul3A_52 : i32
        %get3A_55 = arith.index_cast %add3A_54 : i32 to index
        %get3A_56 = tpu.vector_load %arg6[%get3A_55] {strides = array<i32>} : memref<10240xf32, #tpu.memory_space<vmem>>, vector<16xf32>,
        %add3A_57 = arith.addf %add3A_50, %get3A_56 : vector<16xf32>
        %mul3A_58 = arith.constant 16 : i32
        %mul3A_59 = arith.muli %scan3A_40, %mul3A_58 : i32
        %add3A_60 = arith.constant 1920 : i32
        %add3A_61 = arith.addi %add3A_60, %mul3A_59 : i32
        %get3A_62 = arith.index_cast %add3A_61 : i32 to index
        %get3A_63 = tpu.vector_load %arg6[%get3A_62] {strides = array<i32>} : memref<10240xf32, #tpu.memory_space<vmem>>, vector<16xf32>,
        %add3A_64 = arith.addf %add3A_57, %get3A_63 : vector<16xf32>
        %mul3A_65 = arith.constant 16 : i32
        %mul3A_66 = arith.muli %scan3A_40, %mul3A_65 : i32
        %add3A_67 = arith.constant 2560 : i32
        %add3A_68 = arith.addi %add3A_67, %mul3A_66 : i32
        %get3A_69 = arith.index_cast %add3A_68 : i32 to index
        %get3A_70 = tpu.vector_load %arg6[%get3A_69] {strides = array<i32>} : memref<10240xf32, #tpu.memory_space<vmem>>, vector<16xf32>,
        %add3A_71 = arith.addf %add3A_64, %get3A_70 : vector<16xf32>
        %mul3A_72 = arith.constant 16 : i32
        %mul3A_73 = arith.muli %scan3A_40, %mul3A_72 : i32
        %add3A_74 = arith.constant 3200 : i32
        %add3A_75 = arith.addi %add3A_74, %mul3A_73 : i32
        %get3A_76 = arith.index_cast %add3A_75 : i32 to index
        %get3A_77 = tpu.vector_load %arg6[%get3A_76] {strides = array<i32>} : memref<10240xf32, #tpu.memory_space<vmem>>, vector<16xf32>,
        %add3A_78 = arith.addf %add3A_71, %get3A_77 : vector<16xf32>
        %mul3A_79 = arith.constant 16 : i32
        %mul3A_80 = arith.muli %scan3A_40, %mul3A_79 : i32
        %add3A_81 = arith.constant 3840 : i32
        %add3A_82 = arith.addi %add3A_81, %mul3A_80 : i32
        %get3A_83 = arith.index_cast %add3A_82 : i32 to index
        %get3A_84 = tpu.vector_load %arg6[%get3A_83] {strides = array<i32>} : memref<10240xf32, #tpu.memory_space<vmem>>, vector<16xf32>,
        %add3A_85 = arith.addf %add3A_78, %get3A_84 : vector<16xf32>
        %mul3A_86 = arith.constant 16 : i32
        %mul3A_87 = arith.muli %scan3A_40, %mul3A_86 : i32
        %add3A_88 = arith.constant 4480 : i32
        %add3A_89 = arith.addi %add3A_88, %mul3A_87 : i32
        %get3A_90 = arith.index_cast %add3A_89 : i32 to index
        %get3A_91 = tpu.vector_load %arg6[%get3A_90] {strides = array<i32>} : memref<10240xf32, #tpu.memory_space<vmem>>, vector<16xf32>,
        %add3A_92 = arith.addf %add3A_85, %get3A_91 : vector<16xf32>
        %mul3A_93 = arith.constant 16 : i32
        %mul3A_94 = arith.muli %scan3A_40, %mul3A_93 : i32
        %add3A_95 = arith.constant 5120 : i32
        %add3A_96 = arith.addi %add3A_95, %mul3A_94 : i32
        %get3A_97 = arith.index_cast %add3A_96 : i32 to index
        %get3A_98 = tpu.vector_load %arg6[%get3A_97] {strides = array<i32>} : memref<10240xf32, #tpu.memory_space<vmem>>, vector<16xf32>,
        %add3A_99 = arith.addf %add3A_92, %get3A_98 : vector<16xf32>
        %mul3A_100 = arith.constant 16 : i32
        %mul3A_101 = arith.muli %scan3A_40, %mul3A_100 : i32
        %add3A_102 = arith.constant 5760 : i32
        %add3A_103 = arith.addi %add3A_102, %mul3A_101 : i32
        %get3A_104 = arith.index_cast %add3A_103 : i32 to index
        %get3A_105 = tpu.vector_load %arg6[%get3A_104] {strides = array<i32>} : memref<10240xf32, #tpu.memory_space<vmem>>, vector<16xf32>,
        %add3A_106 = arith.addf %add3A_99, %get3A_105 : vector<16xf32>
        %mul3A_107 = arith.constant 16 : i32
        %mul3A_108 = arith.muli %scan3A_40, %mul3A_107 : i32
        %add3A_109 = arith.constant 6400 : i32
        %add3A_110 = arith.addi %add3A_109, %mul3A_108 : i32
        %get3A_111 = arith.index_cast %add3A_110 : i32 to index
        %get3A_112 = tpu.vector_load %arg6[%get3A_111] {strides = array<i32>} : memref<10240xf32, #tpu.memory_space<vmem>>, vector<16xf32>,
        %add3A_113 = arith.addf %add3A_106, %get3A_112 : vector<16xf32>
        %mul3A_114 = arith.constant 16 : i32
        %mul3A_115 = arith.muli %scan3A_40, %mul3A_114 : i32
        %add3A_116 = arith.constant 7040 : i32
        %add3A_117 = arith.addi %add3A_116, %mul3A_115 : i32
        %get3A_118 = arith.index_cast %add3A_117 : i32 to index
        %get3A_119 = tpu.vector_load %arg6[%get3A_118] {strides = array<i32>} : memref<10240xf32, #tpu.memory_space<vmem>>, vector<16xf32>,
        %add3A_120 = arith.addf %add3A_113, %get3A_119 : vector<16xf32>
        %mul3A_121 = arith.constant 16 : i32
        %mul3A_122 = arith.muli %scan3A_40, %mul3A_121 : i32
        %add3A_123 = arith.constant 7680 : i32
        %add3A_124 = arith.addi %add3A_123, %mul3A_122 : i32
        %get3A_125 = arith.index_cast %add3A_124 : i32 to index
        %get3A_126 = tpu.vector_load %arg6[%get3A_125] {strides = array<i32>} : memref<10240xf32, #tpu.memory_space<vmem>>, vector<16xf32>,
        %add3A_127 = arith.addf %add3A_120, %get3A_126 : vector<16xf32>
        %mul3A_128 = arith.constant 16 : i32
        %mul3A_129 = arith.muli %scan3A_40, %mul3A_128 : i32
        %add3A_130 = arith.constant 8320 : i32
        %add3A_131 = arith.addi %add3A_130, %mul3A_129 : i32
        %get3A_132 = arith.index_cast %add3A_131 : i32 to index
        %get3A_133 = tpu.vector_load %arg6[%get3A_132] {strides = array<i32>} : memref<10240xf32, #tpu.memory_space<vmem>>, vector<16xf32>,
        %add3A_134 = arith.addf %add3A_127, %get3A_133 : vector<16xf32>
        %mul3A_135 = arith.constant 16 : i32
        %mul3A_136 = arith.muli %scan3A_40, %mul3A_135 : i32
        %add3A_137 = arith.constant 8960 : i32
        %add3A_138 = arith.addi %add3A_137, %mul3A_136 : i32
        %get3A_139 = arith.index_cast %add3A_138 : i32 to index
        %get3A_140 = tpu.vector_load %arg6[%get3A_139] {strides = array<i32>} : memref<10240xf32, #tpu.memory_space<vmem>>, vector<16xf32>,
        %add3A_141 = arith.addf %add3A_134, %get3A_140 : vector<16xf32>
        %mul3A_142 = arith.constant 16 : i32
        %mul3A_143 = arith.muli %scan3A_40, %mul3A_142 : i32
        %add3A_144 = arith.constant 9600 : i32
        %add3A_145 = arith.addi %add3A_144, %mul3A_143 : i32
        %get3A_146 = arith.index_cast %add3A_145 : i32 to index
        %get3A_147 = tpu.vector_load %arg6[%get3A_146] {strides = array<i32>} : memref<10240xf32, #tpu.memory_space<vmem>>, vector<16xf32>,
        %add3A_148 = arith.addf %add3A_141, %get3A_147 : vector<16xf32>
        %mul3A_149 = arith.constant 16 : i32
        %mul3A_150 = arith.muli %scan3A_40, %mul3A_149 : i32
        %swap3A = arith.index_cast %mul3A_150 : i32 to index
        %swap3A_151 = tpu.vector_load %arg7[%swap3A] {strides = array<i32>} : memref<640xf32, #tpu.memory_space<vmem>>, vector<16xf32>,
        tpu.vector_store %arg7[%swap3A], %add3A_148 {strides = array<i32>} : memref<640xf32, #tpu.memory_space<vmem>>, vector<16xf32>,
      }
      %scan3A_35 = arith.constant 25 : i32
      %mul3A_36 = arith.constant 10000 : i32
      %mul3A_37 = arith.muli %arg0, %mul3A_36 : i32
      %add3A_38 = arith.constant 9600 : i32
      %add3A_39 = arith.addi %mul3A_37, %add3A_38 : i32
      "tpu.region"() ({
        %run_scoped3A = tpu.sem_alloc : memref<!tpu.dma_semaphore, #tpu.memory_space<semaphore_mem>>
        %dma_start3A_40 = arith.constant 0 : i32
        %dma_start3A_41 = tpu.memref_slice %arg7[%dma_start3A_40] : memref<640xf32, #tpu.memory_space<vmem>> -> memref<400xf32, #tpu.memory_space<vmem>>
        %dma_start3A_42 = tpu.memref_slice %arg3[%add3A_39] : memref<20000xf32, #tpu.memory_space<hbm>> -> memref<400xf32, #tpu.memory_space<hbm>>
        %dma_start3A_43 = tpu.memref_slice %arg3[%add3A_39] : memref<20000xf32, #tpu.memory_space<hbm>> -> memref<400xf32, #tpu.memory_space<hbm>>
        %dma_start3A_44 = arith.constant 0 : i32
        %dma_start3A_45 = tpu.memref_slice %arg7[%dma_start3A_44] : memref<640xf32, #tpu.memory_space<vmem>> -> memref<400xf32, #tpu.memory_space<vmem>>
        tpu.enqueue_dma source(%dma_start3A_45 : memref<400xf32, #tpu.memory_space<vmem>>) target(%dma_start3A_43 : memref<400xf32, #tpu.memory_space<hbm>>) target_semaphore(%run_scoped3A : memref<!tpu.dma_semaphore, #tpu.memory_space<semaphore_mem>>)
        %dma_wait3A_46 = arith.constant 0 : i32
        %dma_wait3A_47 = tpu.memref_slice %arg7[%dma_wait3A_46] : memref<640xf32, #tpu.memory_space<vmem>> -> memref<400xf32, #tpu.memory_space<vmem>>
        %dma_wait3A_48 = tpu.memref_slice %arg3[%add3A_39] : memref<20000xf32, #tpu.memory_space<hbm>> -> memref<400xf32, #tpu.memory_space<hbm>>
        %dma_wait3A_49 = tpu.memref_slice %arg3[%add3A_39] : memref<20000xf32, #tpu.memory_space<hbm>> -> memref<400xf32, #tpu.memory_space<hbm>>
        %dma_wait3A_50 = arith.constant 0 : i32
        %dma_wait3A_51 = tpu.memref_slice %arg7[%dma_wait3A_50] : memref<640xf32, #tpu.memory_space<vmem>> -> memref<400xf32, #tpu.memory_space<vmem>>
        tpu.wait_dma2 semaphore(%run_scoped3A : memref<!tpu.dma_semaphore, #tpu.memory_space<semaphore_mem>>) src(%dma_wait3A_51 : memref<400xf32, #tpu.memory_space<vmem>>) dst(%dma_wait3A_49 : memref<400xf32, #tpu.memory_space<hbm>>)
        tpu.yield
      }) : () -> ()
    } else {
    }
    return
  }
}

#map = affine_map<(d0, d1) -> (0)>
#map1 = affine_map<(d0, d1) -> (0, 0)>
module attributes {stable_mosaic.version = 14 : i64} {
  func.func @_sc_scatter(%arg0: i32, %arg1: i32, %arg2: memref<640000xi32, #tpu.memory_space<hbm>>, %arg3: memref<10000x128xf32, #tpu.memory_space<hbm>>, %arg4: memref<640x128xf32, #tpu.memory_space<hbm>>, %arg5: memref<20000x128xf32, #tpu.memory_space<hbm>>, %arg6: memref<10000xi32, #tpu.memory_space<vmem>>, %arg7: memref<10000xi32, #tpu.memory_space<vmem>>, %arg8: memref<80x128xf32, #tpu.memory_space<vmem>>, %arg9: memref<80x128xf32, #tpu.memory_space<vmem>>, %arg10: memref<10000x128xf32, #tpu.memory_space<vmem_shared>>, %arg11: memref<!tpu.dma_semaphore, #tpu.memory_space<semaphore_mem>>, %arg12: memref<!tpu.dma_semaphore, #tpu.memory_space<semaphore_mem>>, %arg13: memref<!tpu.dma_semaphore, #tpu.memory_space<semaphore_mem>>) attributes {dimension_semantics = [#tpu.dimension_semantics<core_parallel>, #tpu.dimension_semantics<subcore_parallel>], iteration_bounds = array<i64: 2, 16>, scalar_prefetch = 0 : i64, scratch_operands = 8 : i64, tpu.core_type = #tpu.core_type<sc_vector_subcore>, window_params = [{transform_indices = #map}, {transform_indices = #map1}, {transform_indices = #map1}, {transform_indices = #map1}]} {
    %mul3A = arith.constant 16 : i32
    %mul3A_0 = arith.muli %arg0, %mul3A : i32
    %add3A = arith.addi %mul3A_0, %arg1 : i32
    %mul3A_1 = arith.constant 10000 : i32
    %mul3A_2 = arith.muli %add3A, %mul3A_1 : i32
    %multiple_of3A = tpu.assume_multiple %mul3A_2, 8 : i32
    %dma_start3A = tpu.memref_slice %arg2[%multiple_of3A] : memref<640000xi32, #tpu.memory_space<hbm>> -> memref<10000xi32, #tpu.memory_space<hbm>>
    %dma_start3A_3 = tpu.memref_slice %arg2[%multiple_of3A] : memref<640000xi32, #tpu.memory_space<hbm>> -> memref<10000xi32, #tpu.memory_space<hbm>>
    tpu.enqueue_dma source(%dma_start3A_3 : memref<10000xi32, #tpu.memory_space<hbm>>) target(%arg6 : memref<10000xi32, #tpu.memory_space<vmem>>) target_semaphore(%arg13 : memref<!tpu.dma_semaphore, #tpu.memory_space<semaphore_mem>>)
    %dma_wait3A = tpu.memref_slice %arg2[%multiple_of3A] : memref<640000xi32, #tpu.memory_space<hbm>> -> memref<10000xi32, #tpu.memory_space<hbm>>
    %dma_wait3A_4 = tpu.memref_slice %arg2[%multiple_of3A] : memref<640000xi32, #tpu.memory_space<hbm>> -> memref<10000xi32, #tpu.memory_space<hbm>>
    tpu.wait_dma2 semaphore(%arg13 : memref<!tpu.dma_semaphore, #tpu.memory_space<semaphore_mem>>) src(%dma_wait3A_4 : memref<10000xi32, #tpu.memory_space<hbm>>) dst(%arg6 : memref<10000xi32, #tpu.memory_space<vmem>>)
    %add3A_5 = arith.constant 320000 : i32
    %add3A_6 = arith.addi %add3A_5, %multiple_of3A : i32
    %dma_start3A_7 = tpu.memref_slice %arg2[%add3A_6] : memref<640000xi32, #tpu.memory_space<hbm>> -> memref<10000xi32, #tpu.memory_space<hbm>>
    %dma_start3A_8 = tpu.memref_slice %arg2[%add3A_6] : memref<640000xi32, #tpu.memory_space<hbm>> -> memref<10000xi32, #tpu.memory_space<hbm>>
    tpu.enqueue_dma source(%dma_start3A_8 : memref<10000xi32, #tpu.memory_space<hbm>>) target(%arg7 : memref<10000xi32, #tpu.memory_space<vmem>>) target_semaphore(%arg13 : memref<!tpu.dma_semaphore, #tpu.memory_space<semaphore_mem>>)
    %lt3A = arith.constant 15 : i32
    %lt3A_9 = arith.cmpi slt, %arg1, %lt3A : i32
    %convert_element_type3A = arith.extui %lt3A_9 : i1 to i32
    %cond3A = arith.constant 0 : i32
    %cond3A_10 = arith.cmpi ne, %convert_element_type3A, %cond3A : i32
    scf.if %cond3A_10 {
      %mul3A_59 = arith.constant 640 : i32
      %mul3A_60 = arith.muli %arg1, %mul3A_59 : i32
      %multiple_of3A_61 = tpu.assume_multiple %mul3A_60, 8 : i32
      "tpu.region"() ({
        %run_scoped3A = tpu.sem_alloc : memref<!tpu.dma_semaphore, #tpu.memory_space<semaphore_mem>>
        %dma_start3A_62 = arith.constant 0 : i32
        %dma_start3A_63 = tpu.memref_slice %arg10[%multiple_of3A_61, %dma_start3A_62] : memref<10000x128xf32, #tpu.memory_space<vmem_shared>> -> memref<640x128xf32, #tpu.memory_space<vmem_shared>>
        %dma_start3A_64 = arith.constant 0 : i32
        %dma_start3A_65 = arith.constant 0 : i32
        %dma_start3A_66 = tpu.memref_slice %arg4[%dma_start3A_64, %dma_start3A_65] : memref<640x128xf32, #tpu.memory_space<hbm>> -> memref<640x128xf32, #tpu.memory_space<hbm>>
        tpu.enqueue_dma source(%dma_start3A_66 : memref<640x128xf32, #tpu.memory_space<hbm>>) target(%dma_start3A_63 : memref<640x128xf32, #tpu.memory_space<vmem_shared>>) target_semaphore(%run_scoped3A : memref<!tpu.dma_semaphore, #tpu.memory_space<semaphore_mem>>)
        %dma_wait3A_67 = arith.constant 0 : i32
        %dma_wait3A_68 = tpu.memref_slice %arg10[%multiple_of3A_61, %dma_wait3A_67] : memref<10000x128xf32, #tpu.memory_space<vmem_shared>> -> memref<640x128xf32, #tpu.memory_space<vmem_shared>>
        %dma_wait3A_69 = arith.constant 0 : i32
        %dma_wait3A_70 = arith.constant 0 : i32
        %dma_wait3A_71 = tpu.memref_slice %arg4[%dma_wait3A_69, %dma_wait3A_70] : memref<640x128xf32, #tpu.memory_space<hbm>> -> memref<640x128xf32, #tpu.memory_space<hbm>>
        tpu.wait_dma2 semaphore(%run_scoped3A : memref<!tpu.dma_semaphore, #tpu.memory_space<semaphore_mem>>) src(%dma_wait3A_71 : memref<640x128xf32, #tpu.memory_space<hbm>>) dst(%dma_wait3A_68 : memref<640x128xf32, #tpu.memory_space<vmem_shared>>)
        tpu.yield
      }) : () -> ()
    } else {
    }
    %eq3A = arith.constant 15 : i32
    %eq3A_11 = arith.cmpi eq, %arg1, %eq3A : i32
    %convert_element_type3A_12 = arith.extui %eq3A_11 : i1 to i32
    %cond3A_13 = arith.constant 0 : i32
    %cond3A_14 = arith.cmpi ne, %convert_element_type3A_12, %cond3A_13 : i32
    scf.if %cond3A_14 {
      "tpu.region"() ({
        %run_scoped3A = tpu.sem_alloc : memref<!tpu.dma_semaphore, #tpu.memory_space<semaphore_mem>>
        %dma_start3A_59 = arith.constant 9600 : i32
        %dma_start3A_60 = arith.constant 0 : i32
        %dma_start3A_61 = tpu.memref_slice %arg10[%dma_start3A_59, %dma_start3A_60] : memref<10000x128xf32, #tpu.memory_space<vmem_shared>> -> memref<400x128xf32, #tpu.memory_space<vmem_shared>>
        %dma_start3A_62 = arith.constant 0 : i32
        %dma_start3A_63 = arith.constant 0 : i32
        %dma_start3A_64 = tpu.memref_slice %arg4[%dma_start3A_62, %dma_start3A_63] : memref<640x128xf32, #tpu.memory_space<hbm>> -> memref<400x128xf32, #tpu.memory_space<hbm>>
        tpu.enqueue_dma source(%dma_start3A_64 : memref<400x128xf32, #tpu.memory_space<hbm>>) target(%dma_start3A_61 : memref<400x128xf32, #tpu.memory_space<vmem_shared>>) target_semaphore(%run_scoped3A : memref<!tpu.dma_semaphore, #tpu.memory_space<semaphore_mem>>)
        %dma_wait3A_65 = arith.constant 9600 : i32
        %dma_wait3A_66 = arith.constant 0 : i32
        %dma_wait3A_67 = tpu.memref_slice %arg10[%dma_wait3A_65, %dma_wait3A_66] : memref<10000x128xf32, #tpu.memory_space<vmem_shared>> -> memref<400x128xf32, #tpu.memory_space<vmem_shared>>
        %dma_wait3A_68 = arith.constant 0 : i32
        %dma_wait3A_69 = arith.constant 0 : i32
        %dma_wait3A_70 = tpu.memref_slice %arg4[%dma_wait3A_68, %dma_wait3A_69] : memref<640x128xf32, #tpu.memory_space<hbm>> -> memref<400x128xf32, #tpu.memory_space<hbm>>
        tpu.wait_dma2 semaphore(%run_scoped3A : memref<!tpu.dma_semaphore, #tpu.memory_space<semaphore_mem>>) src(%dma_wait3A_70 : memref<400x128xf32, #tpu.memory_space<hbm>>) dst(%dma_wait3A_67 : memref<400x128xf32, #tpu.memory_space<vmem_shared>>)
        tpu.yield
      }) : () -> ()
    } else {
    }
    %dma_wait3A_15 = tpu.memref_slice %arg2[%add3A_6] : memref<640000xi32, #tpu.memory_space<hbm>> -> memref<10000xi32, #tpu.memory_space<hbm>>
    %dma_wait3A_16 = tpu.memref_slice %arg2[%add3A_6] : memref<640000xi32, #tpu.memory_space<hbm>> -> memref<10000xi32, #tpu.memory_space<hbm>>
    tpu.wait_dma2 semaphore(%arg13 : memref<!tpu.dma_semaphore, #tpu.memory_space<semaphore_mem>>) src(%dma_wait3A_16 : memref<10000xi32, #tpu.memory_space<hbm>>) dst(%arg7 : memref<10000xi32, #tpu.memory_space<vmem>>)
    %barrier3A = arith.constant 0 : index
    tpu.barrier barrier_id(%barrier3A)
    %multiple_of3A_17 = arith.constant 0 : i32
    %multiple_of3A_18 = tpu.assume_multiple %multiple_of3A_17, 8 : i32
    %dma_start3A_19 = tpu.memref_slice %arg6[%multiple_of3A_18] : memref<10000xi32, #tpu.memory_space<vmem>> -> memref<80xi32, #tpu.memory_space<vmem>>
    %dma_start3A_20 = arith.constant 0 : i32
    %dma_start3A_21 = arith.constant 0 : i32
    %dma_start3A_22 = tpu.memref_slice %arg3[%dma_start3A_20, %dma_start3A_21] : memref<10000x128xf32, #tpu.memory_space<hbm>> -> memref<10000x128xf32, #tpu.memory_space<hbm>>
    tpu.enqueue_indirect_dma source(%dma_start3A_22 : memref<10000x128xf32, #tpu.memory_space<hbm>>) target(%arg8 : memref<80x128xf32, #tpu.memory_space<vmem>>) offsets(%dma_start3A_19 : memref<80xi32, #tpu.memory_space<vmem>>) semaphore(%arg11 : memref<!tpu.dma_semaphore, #tpu.memory_space<semaphore_mem>>)
    %multiple_of3A_23 = arith.constant 80 : i32
    %multiple_of3A_24 = tpu.assume_multiple %multiple_of3A_23, 8 : i32
    %dma_start3A_25 = tpu.memref_slice %arg6[%multiple_of3A_24] : memref<10000xi32, #tpu.memory_space<vmem>> -> memref<80xi32, #tpu.memory_space<vmem>>
    %dma_start3A_26 = arith.constant 0 : i32
    %dma_start3A_27 = arith.constant 0 : i32
    %dma_start3A_28 = tpu.memref_slice %arg3[%dma_start3A_26, %dma_start3A_27] : memref<10000x128xf32, #tpu.memory_space<hbm>> -> memref<10000x128xf32, #tpu.memory_space<hbm>>
    tpu.enqueue_indirect_dma source(%dma_start3A_28 : memref<10000x128xf32, #tpu.memory_space<hbm>>) target(%arg9 : memref<80x128xf32, #tpu.memory_space<vmem>>) offsets(%dma_start3A_25 : memref<80xi32, #tpu.memory_space<vmem>>) semaphore(%arg12 : memref<!tpu.dma_semaphore, #tpu.memory_space<semaphore_mem>>)
    %scan3A = arith.constant 0 : i32
    %scan3A_29 = arith.constant 0 : i32
    %scan3A_30 = arith.constant 62 : i32
    %scan3A_31 = arith.addi %scan3A_29, %scan3A_30 : i32
    %scan3A_32 = arith.constant 1 : i32
    scf.for %scan3A_59 = %scan3A_29 to %scan3A_31 step %scan3A_32  : i32 {
      %mul3A_60 = arith.constant 2 : i32
      %mul3A_61 = arith.muli %mul3A_60, %scan3A_59 : i32
      %dma_wait3A_62 = arith.constant 0 : i32
      %dma_wait3A_63 = arith.constant 0 : i32
      %dma_wait3A_64 = tpu.memref_slice %arg3[%dma_wait3A_62, %dma_wait3A_63] : memref<10000x128xf32, #tpu.memory_space<hbm>> -> memref<80x128xf32, #tpu.memory_space<hbm>>
      %dma_wait3A_65 = arith.constant 0 : i32
      %dma_wait3A_66 = arith.constant 0 : i32
      %dma_wait3A_67 = tpu.memref_slice %arg3[%dma_wait3A_65, %dma_wait3A_66] : memref<10000x128xf32, #tpu.memory_space<hbm>> -> memref<80x128xf32, #tpu.memory_space<hbm>>
      tpu.wait_dma2 semaphore(%arg11 : memref<!tpu.dma_semaphore, #tpu.memory_space<semaphore_mem>>) src(%dma_wait3A_67 : memref<80x128xf32, #tpu.memory_space<hbm>>) dst(%arg8 : memref<80x128xf32, #tpu.memory_space<vmem>>)
      %mul3A_68 = arith.constant 80 : i32
      %mul3A_69 = arith.muli %mul3A_61, %mul3A_68 : i32
      %multiple_of3A_70 = tpu.assume_multiple %mul3A_69, 8 : i32
      "tpu.region"() ({
        %run_scoped3A = tpu.sem_alloc : memref<!tpu.dma_semaphore, #tpu.memory_space<semaphore_mem>>
        %dma_start3A_103 = tpu.memref_slice %arg7[%multiple_of3A_70] : memref<10000xi32, #tpu.memory_space<vmem>> -> memref<80xi32, #tpu.memory_space<vmem>>
        %dma_start3A_104 = arith.constant 0 : i32
        %dma_start3A_105 = arith.constant 0 : i32
        %dma_start3A_106 = tpu.memref_slice %arg10[%dma_start3A_104, %dma_start3A_105] : memref<10000x128xf32, #tpu.memory_space<vmem_shared>> -> memref<10000x128xf32, #tpu.memory_space<vmem_shared>>
        tpu.enqueue_indirect_dma source(%arg8 : memref<80x128xf32, #tpu.memory_space<vmem>>) target(%dma_start3A_106 : memref<10000x128xf32, #tpu.memory_space<vmem_shared>>) offsets(%dma_start3A_103 : memref<80xi32, #tpu.memory_space<vmem>>) semaphore(%run_scoped3A : memref<!tpu.dma_semaphore, #tpu.memory_space<semaphore_mem>>) {add = true}
        %dma_wait3A_107 = tpu.memref_slice %arg7[%multiple_of3A_70] : memref<10000xi32, #tpu.memory_space<vmem>> -> memref<80xi32, #tpu.memory_space<vmem>>
        %dma_wait3A_108 = arith.constant 0 : i32
        %dma_wait3A_109 = arith.constant 0 : i32
        %dma_wait3A_110 = tpu.memref_slice %arg10[%dma_wait3A_108, %dma_wait3A_109] : memref<10000x128xf32, #tpu.memory_space<vmem_shared>> -> memref<10000x128xf32, #tpu.memory_space<vmem_shared>>
        tpu.wait_indirect_dma semaphore(%run_scoped3A : memref<!tpu.dma_semaphore, #tpu.memory_space<semaphore_mem>>) src(%arg8 : memref<80x128xf32, #tpu.memory_space<vmem>>) dst(%dma_wait3A_110 : memref<10000x128xf32, #tpu.memory_space<vmem_shared>>)
        tpu.yield
      }) : () -> ()
      %add3A_71 = arith.constant 2 : i32
      %add3A_72 = arith.addi %mul3A_61, %add3A_71 : i32
      %min3A = arith.constant 124 : i32
      %min3A_73 = arith.minsi %add3A_72, %min3A : i32
      %mul3A_74 = arith.constant 80 : i32
      %mul3A_75 = arith.muli %min3A_73, %mul3A_74 : i32
      %multiple_of3A_76 = tpu.assume_multiple %mul3A_75, 8 : i32
      %dma_start3A_77 = tpu.memref_slice %arg6[%multiple_of3A_76] : memref<10000xi32, #tpu.memory_space<vmem>> -> memref<80xi32, #tpu.memory_space<vmem>>
      %dma_start3A_78 = arith.constant 0 : i32
      %dma_start3A_79 = arith.constant 0 : i32
      %dma_start3A_80 = tpu.memref_slice %arg3[%dma_start3A_78, %dma_start3A_79] : memref<10000x128xf32, #tpu.memory_space<hbm>> -> memref<10000x128xf32, #tpu.memory_space<hbm>>
      tpu.enqueue_indirect_dma source(%dma_start3A_80 : memref<10000x128xf32, #tpu.memory_space<hbm>>) target(%arg8 : memref<80x128xf32, #tpu.memory_space<vmem>>) offsets(%dma_start3A_77 : memref<80xi32, #tpu.memory_space<vmem>>) semaphore(%arg11 : memref<!tpu.dma_semaphore, #tpu.memory_space<semaphore_mem>>)
      %dma_wait3A_81 = arith.constant 0 : i32
      %dma_wait3A_82 = arith.constant 0 : i32
      %dma_wait3A_83 = tpu.memref_slice %arg3[%dma_wait3A_81, %dma_wait3A_82] : memref<10000x128xf32, #tpu.memory_space<hbm>> -> memref<80x128xf32, #tpu.memory_space<hbm>>
      %dma_wait3A_84 = arith.constant 0 : i32
      %dma_wait3A_85 = arith.constant 0 : i32
      %dma_wait3A_86 = tpu.memref_slice %arg3[%dma_wait3A_84, %dma_wait3A_85] : memref<10000x128xf32, #tpu.memory_space<hbm>> -> memref<80x128xf32, #tpu.memory_space<hbm>>
      tpu.wait_dma2 semaphore(%arg12 : memref<!tpu.dma_semaphore, #tpu.memory_space<semaphore_mem>>) src(%dma_wait3A_86 : memref<80x128xf32, #tpu.memory_space<hbm>>) dst(%arg9 : memref<80x128xf32, #tpu.memory_space<vmem>>)
      %add3A_87 = arith.constant 1 : i32
      %add3A_88 = arith.addi %mul3A_61, %add3A_87 : i32
      %mul3A_89 = arith.constant 80 : i32
      %mul3A_90 = arith.muli %add3A_88, %mul3A_89 : i32
      %multiple_of3A_91 = tpu.assume_multiple %mul3A_90, 8 : i32
      "tpu.region"() ({
        %run_scoped3A = tpu.sem_alloc : memref<!tpu.dma_semaphore, #tpu.memory_space<semaphore_mem>>
        %dma_start3A_103 = tpu.memref_slice %arg7[%multiple_of3A_91] : memref<10000xi32, #tpu.memory_space<vmem>> -> memref<80xi32, #tpu.memory_space<vmem>>
        %dma_start3A_104 = arith.constant 0 : i32
        %dma_start3A_105 = arith.constant 0 : i32
        %dma_start3A_106 = tpu.memref_slice %arg10[%dma_start3A_104, %dma_start3A_105] : memref<10000x128xf32, #tpu.memory_space<vmem_shared>> -> memref<10000x128xf32, #tpu.memory_space<vmem_shared>>
        tpu.enqueue_indirect_dma source(%arg9 : memref<80x128xf32, #tpu.memory_space<vmem>>) target(%dma_start3A_106 : memref<10000x128xf32, #tpu.memory_space<vmem_shared>>) offsets(%dma_start3A_103 : memref<80xi32, #tpu.memory_space<vmem>>) semaphore(%run_scoped3A : memref<!tpu.dma_semaphore, #tpu.memory_space<semaphore_mem>>) {add = true}
        %dma_wait3A_107 = tpu.memref_slice %arg7[%multiple_of3A_91] : memref<10000xi32, #tpu.memory_space<vmem>> -> memref<80xi32, #tpu.memory_space<vmem>>
        %dma_wait3A_108 = arith.constant 0 : i32
        %dma_wait3A_109 = arith.constant 0 : i32
        %dma_wait3A_110 = tpu.memref_slice %arg10[%dma_wait3A_108, %dma_wait3A_109] : memref<10000x128xf32, #tpu.memory_space<vmem_shared>> -> memref<10000x128xf32, #tpu.memory_space<vmem_shared>>
        tpu.wait_indirect_dma semaphore(%run_scoped3A : memref<!tpu.dma_semaphore, #tpu.memory_space<semaphore_mem>>) src(%arg9 : memref<80x128xf32, #tpu.memory_space<vmem>>) dst(%dma_wait3A_110 : memref<10000x128xf32, #tpu.memory_space<vmem_shared>>)
        tpu.yield
      }) : () -> ()
      %add3A_92 = arith.constant 3 : i32
      %add3A_93 = arith.addi %mul3A_61, %add3A_92 : i32
      %min3A_94 = arith.constant 124 : i32
      %min3A_95 = arith.minsi %add3A_93, %min3A_94 : i32
      %mul3A_96 = arith.constant 80 : i32
      %mul3A_97 = arith.muli %min3A_95, %mul3A_96 : i32
      %multiple_of3A_98 = tpu.assume_multiple %mul3A_97, 8 : i32
      %dma_start3A_99 = tpu.memref_slice %arg6[%multiple_of3A_98] : memref<10000xi32, #tpu.memory_space<vmem>> -> memref<80xi32, #tpu.memory_space<vmem>>
      %dma_start3A_100 = arith.constant 0 : i32
      %dma_start3A_101 = arith.constant 0 : i32
      %dma_start3A_102 = tpu.memref_slice %arg3[%dma_start3A_100, %dma_start3A_101] : memref<10000x128xf32, #tpu.memory_space<hbm>> -> memref<10000x128xf32, #tpu.memory_space<hbm>>
      tpu.enqueue_indirect_dma source(%dma_start3A_102 : memref<10000x128xf32, #tpu.memory_space<hbm>>) target(%arg9 : memref<80x128xf32, #tpu.memory_space<vmem>>) offsets(%dma_start3A_99 : memref<80xi32, #tpu.memory_space<vmem>>) semaphore(%arg12 : memref<!tpu.dma_semaphore, #tpu.memory_space<semaphore_mem>>)
    }
    %scan3A_33 = arith.constant 62 : i32
    %dma_wait3A_34 = arith.constant 0 : i32
    %dma_wait3A_35 = arith.constant 0 : i32
    %dma_wait3A_36 = tpu.memref_slice %arg3[%dma_wait3A_34, %dma_wait3A_35] : memref<10000x128xf32, #tpu.memory_space<hbm>> -> memref<80x128xf32, #tpu.memory_space<hbm>>
    %dma_wait3A_37 = arith.constant 0 : i32
    %dma_wait3A_38 = arith.constant 0 : i32
    %dma_wait3A_39 = tpu.memref_slice %arg3[%dma_wait3A_37, %dma_wait3A_38] : memref<10000x128xf32, #tpu.memory_space<hbm>> -> memref<80x128xf32, #tpu.memory_space<hbm>>
    tpu.wait_dma2 semaphore(%arg11 : memref<!tpu.dma_semaphore, #tpu.memory_space<semaphore_mem>>) src(%dma_wait3A_39 : memref<80x128xf32, #tpu.memory_space<hbm>>) dst(%arg8 : memref<80x128xf32, #tpu.memory_space<vmem>>)
    %multiple_of3A_40 = arith.constant 9920 : i32
    %multiple_of3A_41 = tpu.assume_multiple %multiple_of3A_40, 8 : i32
    "tpu.region"() ({
      %run_scoped3A = tpu.sem_alloc : memref<!tpu.dma_semaphore, #tpu.memory_space<semaphore_mem>>
      %dma_start3A_59 = tpu.memref_slice %arg7[%multiple_of3A_41] : memref<10000xi32, #tpu.memory_space<vmem>> -> memref<80xi32, #tpu.memory_space<vmem>>
      %dma_start3A_60 = arith.constant 0 : i32
      %dma_start3A_61 = arith.constant 0 : i32
      %dma_start3A_62 = tpu.memref_slice %arg10[%dma_start3A_60, %dma_start3A_61] : memref<10000x128xf32, #tpu.memory_space<vmem_shared>> -> memref<10000x128xf32, #tpu.memory_space<vmem_shared>>
      tpu.enqueue_indirect_dma source(%arg8 : memref<80x128xf32, #tpu.memory_space<vmem>>) target(%dma_start3A_62 : memref<10000x128xf32, #tpu.memory_space<vmem_shared>>) offsets(%dma_start3A_59 : memref<80xi32, #tpu.memory_space<vmem>>) semaphore(%run_scoped3A : memref<!tpu.dma_semaphore, #tpu.memory_space<semaphore_mem>>) {add = true}
      %dma_wait3A_63 = tpu.memref_slice %arg7[%multiple_of3A_41] : memref<10000xi32, #tpu.memory_space<vmem>> -> memref<80xi32, #tpu.memory_space<vmem>>
      %dma_wait3A_64 = arith.constant 0 : i32
      %dma_wait3A_65 = arith.constant 0 : i32
      %dma_wait3A_66 = tpu.memref_slice %arg10[%dma_wait3A_64, %dma_wait3A_65] : memref<10000x128xf32, #tpu.memory_space<vmem_shared>> -> memref<10000x128xf32, #tpu.memory_space<vmem_shared>>
      tpu.wait_indirect_dma semaphore(%run_scoped3A : memref<!tpu.dma_semaphore, #tpu.memory_space<semaphore_mem>>) src(%arg8 : memref<80x128xf32, #tpu.memory_space<vmem>>) dst(%dma_wait3A_66 : memref<10000x128xf32, #tpu.memory_space<vmem_shared>>)
      tpu.yield
    }) : () -> ()
    %dma_wait3A_42 = arith.constant 0 : i32
    %dma_wait3A_43 = arith.constant 0 : i32
    %dma_wait3A_44 = tpu.memref_slice %arg3[%dma_wait3A_42, %dma_wait3A_43] : memref<10000x128xf32, #tpu.memory_space<hbm>> -> memref<80x128xf32, #tpu.memory_space<hbm>>
    %dma_wait3A_45 = arith.constant 0 : i32
    %dma_wait3A_46 = arith.constant 0 : i32
    %dma_wait3A_47 = tpu.memref_slice %arg3[%dma_wait3A_45, %dma_wait3A_46] : memref<10000x128xf32, #tpu.memory_space<hbm>> -> memref<80x128xf32, #tpu.memory_space<hbm>>
    tpu.wait_dma2 semaphore(%arg12 : memref<!tpu.dma_semaphore, #tpu.memory_space<semaphore_mem>>) src(%dma_wait3A_47 : memref<80x128xf32, #tpu.memory_space<hbm>>) dst(%arg9 : memref<80x128xf32, #tpu.memory_space<vmem>>)
    %barrier3A_48 = arith.constant 0 : index
    tpu.barrier barrier_id(%barrier3A_48)
    %lt3A_49 = arith.constant 15 : i32
    %lt3A_50 = arith.cmpi slt, %arg1, %lt3A_49 : i32
    %convert_element_type3A_51 = arith.extui %lt3A_50 : i1 to i32
    %cond3A_52 = arith.constant 0 : i32
    %cond3A_53 = arith.cmpi ne, %convert_element_type3A_51, %cond3A_52 : i32
    scf.if %cond3A_53 {
      %mul3A_59 = arith.constant 640 : i32
      %mul3A_60 = arith.muli %arg1, %mul3A_59 : i32
      %multiple_of3A_61 = tpu.assume_multiple %mul3A_60, 8 : i32
      %mul3A_62 = arith.constant 10000 : i32
      %mul3A_63 = arith.muli %arg0, %mul3A_62 : i32
      %add3A_64 = arith.addi %mul3A_63, %multiple_of3A_61 : i32
      "tpu.region"() ({
        %run_scoped3A = tpu.sem_alloc : memref<!tpu.dma_semaphore, #tpu.memory_space<semaphore_mem>>
        %dma_start3A_65 = arith.constant 0 : i32
        %dma_start3A_66 = tpu.memref_slice %arg5[%add3A_64, %dma_start3A_65] : memref<20000x128xf32, #tpu.memory_space<hbm>> -> memref<640x128xf32, #tpu.memory_space<hbm>>
        %dma_start3A_67 = arith.constant 0 : i32
        %dma_start3A_68 = tpu.memref_slice %arg10[%multiple_of3A_61, %dma_start3A_67] : memref<10000x128xf32, #tpu.memory_space<vmem_shared>> -> memref<640x128xf32, #tpu.memory_space<vmem_shared>>
        tpu.enqueue_dma source(%dma_start3A_68 : memref<640x128xf32, #tpu.memory_space<vmem_shared>>) target(%dma_start3A_66 : memref<640x128xf32, #tpu.memory_space<hbm>>) target_semaphore(%run_scoped3A : memref<!tpu.dma_semaphore, #tpu.memory_space<semaphore_mem>>)
        %dma_wait3A_69 = arith.constant 0 : i32
        %dma_wait3A_70 = tpu.memref_slice %arg5[%add3A_64, %dma_wait3A_69] : memref<20000x128xf32, #tpu.memory_space<hbm>> -> memref<640x128xf32, #tpu.memory_space<hbm>>
        %dma_wait3A_71 = arith.constant 0 : i32
        %dma_wait3A_72 = tpu.memref_slice %arg10[%multiple_of3A_61, %dma_wait3A_71] : memref<10000x128xf32, #tpu.memory_space<vmem_shared>> -> memref<640x128xf32, #tpu.memory_space<vmem_shared>>
        tpu.wait_dma2 semaphore(%run_scoped3A : memref<!tpu.dma_semaphore, #tpu.memory_space<semaphore_mem>>) src(%dma_wait3A_72 : memref<640x128xf32, #tpu.memory_space<vmem_shared>>) dst(%dma_wait3A_70 : memref<640x128xf32, #tpu.memory_space<hbm>>)
        tpu.yield
      }) : () -> ()
    } else {
    }
    %eq3A_54 = arith.constant 15 : i32
    %eq3A_55 = arith.cmpi eq, %arg1, %eq3A_54 : i32
    %convert_element_type3A_56 = arith.extui %eq3A_55 : i1 to i32
    %cond3A_57 = arith.constant 0 : i32
    %cond3A_58 = arith.cmpi ne, %convert_element_type3A_56, %cond3A_57 : i32
    scf.if %cond3A_58 {
      %mul3A_59 = arith.constant 10000 : i32
      %mul3A_60 = arith.muli %arg0, %mul3A_59 : i32
      %add3A_61 = arith.constant 9600 : i32
      %add3A_62 = arith.addi %mul3A_60, %add3A_61 : i32
      "tpu.region"() ({
        %run_scoped3A = tpu.sem_alloc : memref<!tpu.dma_semaphore, #tpu.memory_space<semaphore_mem>>
        %dma_start3A_63 = arith.constant 0 : i32
        %dma_start3A_64 = tpu.memref_slice %arg5[%add3A_62, %dma_start3A_63] : memref<20000x128xf32, #tpu.memory_space<hbm>> -> memref<400x128xf32, #tpu.memory_space<hbm>>
        %dma_start3A_65 = arith.constant 9600 : i32
        %dma_start3A_66 = arith.constant 0 : i32
        %dma_start3A_67 = tpu.memref_slice %arg10[%dma_start3A_65, %dma_start3A_66] : memref<10000x128xf32, #tpu.memory_space<vmem_shared>> -> memref<400x128xf32, #tpu.memory_space<vmem_shared>>
        tpu.enqueue_dma source(%dma_start3A_67 : memref<400x128xf32, #tpu.memory_space<vmem_shared>>) target(%dma_start3A_64 : memref<400x128xf32, #tpu.memory_space<hbm>>) target_semaphore(%run_scoped3A : memref<!tpu.dma_semaphore, #tpu.memory_space<semaphore_mem>>)
        %dma_wait3A_68 = arith.constant 0 : i32
        %dma_wait3A_69 = tpu.memref_slice %arg5[%add3A_62, %dma_wait3A_68] : memref<20000x128xf32, #tpu.memory_space<hbm>> -> memref<400x128xf32, #tpu.memory_space<hbm>>
        %dma_wait3A_70 = arith.constant 9600 : i32
        %dma_wait3A_71 = arith.constant 0 : i32
        %dma_wait3A_72 = tpu.memref_slice %arg10[%dma_wait3A_70, %dma_wait3A_71] : memref<10000x128xf32, #tpu.memory_space<vmem_shared>> -> memref<400x128xf32, #tpu.memory_space<vmem_shared>>
        tpu.wait_dma2 semaphore(%run_scoped3A : memref<!tpu.dma_semaphore, #tpu.memory_space<semaphore_mem>>) src(%dma_wait3A_72 : memref<400x128xf32, #tpu.memory_space<vmem_shared>>) dst(%dma_wait3A_69 : memref<400x128xf32, #tpu.memory_space<hbm>>)
        tpu.yield
      }) : () -> ()
    } else {
    }
    return
  }
}

#map = affine_map<(d0, d1) -> (0)>
#map1 = affine_map<(d0, d1) -> (0, 0)>
module attributes {stable_mosaic.version = 14 : i64} {
  func.func @_sc_scatter(%arg0: i32, %arg1: i32, %arg2: memref<640000xi32, #tpu.memory_space<hbm>>, %arg3: memref<10000x128xf32, #tpu.memory_space<hbm>>, %arg4: memref<640x128xf32, #tpu.memory_space<hbm>>, %arg5: memref<20000x128xf32, #tpu.memory_space<hbm>>, %arg6: memref<10000xi32, #tpu.memory_space<vmem>>, %arg7: memref<10000xi32, #tpu.memory_space<vmem>>, %arg8: memref<80x128xf32, #tpu.memory_space<vmem>>, %arg9: memref<80x128xf32, #tpu.memory_space<vmem>>, %arg10: memref<10000x128xf32, #tpu.memory_space<vmem_shared>>, %arg11: memref<!tpu.dma_semaphore, #tpu.memory_space<semaphore_mem>>, %arg12: memref<!tpu.dma_semaphore, #tpu.memory_space<semaphore_mem>>, %arg13: memref<!tpu.dma_semaphore, #tpu.memory_space<semaphore_mem>>) attributes {dimension_semantics = [#tpu.dimension_semantics<core_parallel>, #tpu.dimension_semantics<subcore_parallel>], iteration_bounds = array<i64: 2, 16>, scalar_prefetch = 0 : i64, scratch_operands = 8 : i64, tpu.core_type = #tpu.core_type<sc_vector_subcore>, window_params = [{transform_indices = #map}, {transform_indices = #map1}, {transform_indices = #map1}, {transform_indices = #map1}]} {
    %mul3A = arith.constant 16 : i32
    %mul3A_0 = arith.muli %arg0, %mul3A : i32
    %add3A = arith.addi %mul3A_0, %arg1 : i32
    %mul3A_1 = arith.constant 10000 : i32
    %mul3A_2 = arith.muli %add3A, %mul3A_1 : i32
    %multiple_of3A = tpu.assume_multiple %mul3A_2, 8 : i32
    %dma_start3A = tpu.memref_slice %arg2[%multiple_of3A] : memref<640000xi32, #tpu.memory_space<hbm>> -> memref<10000xi32, #tpu.memory_space<hbm>>
    %dma_start3A_3 = tpu.memref_slice %arg2[%multiple_of3A] : memref<640000xi32, #tpu.memory_space<hbm>> -> memref<10000xi32, #tpu.memory_space<hbm>>
    tpu.enqueue_dma source(%dma_start3A_3 : memref<10000xi32, #tpu.memory_space<hbm>>) target(%arg6 : memref<10000xi32, #tpu.memory_space<vmem>>) target_semaphore(%arg13 : memref<!tpu.dma_semaphore, #tpu.memory_space<semaphore_mem>>)
    %dma_wait3A = tpu.memref_slice %arg2[%multiple_of3A] : memref<640000xi32, #tpu.memory_space<hbm>> -> memref<10000xi32, #tpu.memory_space<hbm>>
    %dma_wait3A_4 = tpu.memref_slice %arg2[%multiple_of3A] : memref<640000xi32, #tpu.memory_space<hbm>> -> memref<10000xi32, #tpu.memory_space<hbm>>
    tpu.wait_dma2 semaphore(%arg13 : memref<!tpu.dma_semaphore, #tpu.memory_space<semaphore_mem>>) src(%dma_wait3A_4 : memref<10000xi32, #tpu.memory_space<hbm>>) dst(%arg6 : memref<10000xi32, #tpu.memory_space<vmem>>)
    %add3A_5 = arith.constant 320000 : i32
    %add3A_6 = arith.addi %add3A_5, %multiple_of3A : i32
    %dma_start3A_7 = tpu.memref_slice %arg2[%add3A_6] : memref<640000xi32, #tpu.memory_space<hbm>> -> memref<10000xi32, #tpu.memory_space<hbm>>
    %dma_start3A_8 = tpu.memref_slice %arg2[%add3A_6] : memref<640000xi32, #tpu.memory_space<hbm>> -> memref<10000xi32, #tpu.memory_space<hbm>>
    tpu.enqueue_dma source(%dma_start3A_8 : memref<10000xi32, #tpu.memory_space<hbm>>) target(%arg7 : memref<10000xi32, #tpu.memory_space<vmem>>) target_semaphore(%arg13 : memref<!tpu.dma_semaphore, #tpu.memory_space<semaphore_mem>>)
    %lt3A = arith.constant 15 : i32
    %lt3A_9 = arith.cmpi slt, %arg1, %lt3A : i32
    %convert_element_type3A = arith.extui %lt3A_9 : i1 to i32
    %cond3A = arith.constant 0 : i32
    %cond3A_10 = arith.cmpi ne, %convert_element_type3A, %cond3A : i32
    scf.if %cond3A_10 {
      %mul3A_59 = arith.constant 640 : i32
      %mul3A_60 = arith.muli %arg1, %mul3A_59 : i32
      %multiple_of3A_61 = tpu.assume_multiple %mul3A_60, 8 : i32
      "tpu.region"() ({
        %run_scoped3A = tpu.sem_alloc : memref<!tpu.dma_semaphore, #tpu.memory_space<semaphore_mem>>
        %dma_start3A_62 = arith.constant 0 : i32
        %dma_start3A_63 = tpu.memref_slice %arg10[%multiple_of3A_61, %dma_start3A_62] : memref<10000x128xf32, #tpu.memory_space<vmem_shared>> -> memref<640x128xf32, #tpu.memory_space<vmem_shared>>
        %dma_start3A_64 = arith.constant 0 : i32
        %dma_start3A_65 = arith.constant 0 : i32
        %dma_start3A_66 = tpu.memref_slice %arg4[%dma_start3A_64, %dma_start3A_65] : memref<640x128xf32, #tpu.memory_space<hbm>> -> memref<640x128xf32, #tpu.memory_space<hbm>>
        tpu.enqueue_dma source(%dma_start3A_66 : memref<640x128xf32, #tpu.memory_space<hbm>>) target(%dma_start3A_63 : memref<640x128xf32, #tpu.memory_space<vmem_shared>>) target_semaphore(%run_scoped3A : memref<!tpu.dma_semaphore, #tpu.memory_space<semaphore_mem>>)
        %dma_wait3A_67 = arith.constant 0 : i32
        %dma_wait3A_68 = tpu.memref_slice %arg10[%multiple_of3A_61, %dma_wait3A_67] : memref<10000x128xf32, #tpu.memory_space<vmem_shared>> -> memref<640x128xf32, #tpu.memory_space<vmem_shared>>
        %dma_wait3A_69 = arith.constant 0 : i32
        %dma_wait3A_70 = arith.constant 0 : i32
        %dma_wait3A_71 = tpu.memref_slice %arg4[%dma_wait3A_69, %dma_wait3A_70] : memref<640x128xf32, #tpu.memory_space<hbm>> -> memref<640x128xf32, #tpu.memory_space<hbm>>
        tpu.wait_dma2 semaphore(%run_scoped3A : memref<!tpu.dma_semaphore, #tpu.memory_space<semaphore_mem>>) src(%dma_wait3A_71 : memref<640x128xf32, #tpu.memory_space<hbm>>) dst(%dma_wait3A_68 : memref<640x128xf32, #tpu.memory_space<vmem_shared>>)
        tpu.yield
      }) : () -> ()
    } else {
    }
    %eq3A = arith.constant 15 : i32
    %eq3A_11 = arith.cmpi eq, %arg1, %eq3A : i32
    %convert_element_type3A_12 = arith.extui %eq3A_11 : i1 to i32
    %cond3A_13 = arith.constant 0 : i32
    %cond3A_14 = arith.cmpi ne, %convert_element_type3A_12, %cond3A_13 : i32
    scf.if %cond3A_14 {
      "tpu.region"() ({
        %run_scoped3A = tpu.sem_alloc : memref<!tpu.dma_semaphore, #tpu.memory_space<semaphore_mem>>
        %dma_start3A_59 = arith.constant 9600 : i32
        %dma_start3A_60 = arith.constant 0 : i32
        %dma_start3A_61 = tpu.memref_slice %arg10[%dma_start3A_59, %dma_start3A_60] : memref<10000x128xf32, #tpu.memory_space<vmem_shared>> -> memref<400x128xf32, #tpu.memory_space<vmem_shared>>
        %dma_start3A_62 = arith.constant 0 : i32
        %dma_start3A_63 = arith.constant 0 : i32
        %dma_start3A_64 = tpu.memref_slice %arg4[%dma_start3A_62, %dma_start3A_63] : memref<640x128xf32, #tpu.memory_space<hbm>> -> memref<400x128xf32, #tpu.memory_space<hbm>>
        tpu.enqueue_dma source(%dma_start3A_64 : memref<400x128xf32, #tpu.memory_space<hbm>>) target(%dma_start3A_61 : memref<400x128xf32, #tpu.memory_space<vmem_shared>>) target_semaphore(%run_scoped3A : memref<!tpu.dma_semaphore, #tpu.memory_space<semaphore_mem>>)
        %dma_wait3A_65 = arith.constant 9600 : i32
        %dma_wait3A_66 = arith.constant 0 : i32
        %dma_wait3A_67 = tpu.memref_slice %arg10[%dma_wait3A_65, %dma_wait3A_66] : memref<10000x128xf32, #tpu.memory_space<vmem_shared>> -> memref<400x128xf32, #tpu.memory_space<vmem_shared>>
        %dma_wait3A_68 = arith.constant 0 : i32
        %dma_wait3A_69 = arith.constant 0 : i32
        %dma_wait3A_70 = tpu.memref_slice %arg4[%dma_wait3A_68, %dma_wait3A_69] : memref<640x128xf32, #tpu.memory_space<hbm>> -> memref<400x128xf32, #tpu.memory_space<hbm>>
        tpu.wait_dma2 semaphore(%run_scoped3A : memref<!tpu.dma_semaphore, #tpu.memory_space<semaphore_mem>>) src(%dma_wait3A_70 : memref<400x128xf32, #tpu.memory_space<hbm>>) dst(%dma_wait3A_67 : memref<400x128xf32, #tpu.memory_space<vmem_shared>>)
        tpu.yield
      }) : () -> ()
    } else {
    }
    %dma_wait3A_15 = tpu.memref_slice %arg2[%add3A_6] : memref<640000xi32, #tpu.memory_space<hbm>> -> memref<10000xi32, #tpu.memory_space<hbm>>
    %dma_wait3A_16 = tpu.memref_slice %arg2[%add3A_6] : memref<640000xi32, #tpu.memory_space<hbm>> -> memref<10000xi32, #tpu.memory_space<hbm>>
    tpu.wait_dma2 semaphore(%arg13 : memref<!tpu.dma_semaphore, #tpu.memory_space<semaphore_mem>>) src(%dma_wait3A_16 : memref<10000xi32, #tpu.memory_space<hbm>>) dst(%arg7 : memref<10000xi32, #tpu.memory_space<vmem>>)
    %barrier3A = arith.constant 0 : index
    tpu.barrier barrier_id(%barrier3A)
    %multiple_of3A_17 = arith.constant 0 : i32
    %multiple_of3A_18 = tpu.assume_multiple %multiple_of3A_17, 8 : i32
    %dma_start3A_19 = tpu.memref_slice %arg6[%multiple_of3A_18] : memref<10000xi32, #tpu.memory_space<vmem>> -> memref<80xi32, #tpu.memory_space<vmem>>
    %dma_start3A_20 = arith.constant 0 : i32
    %dma_start3A_21 = arith.constant 0 : i32
    %dma_start3A_22 = tpu.memref_slice %arg3[%dma_start3A_20, %dma_start3A_21] : memref<10000x128xf32, #tpu.memory_space<hbm>> -> memref<10000x128xf32, #tpu.memory_space<hbm>>
    tpu.enqueue_indirect_dma source(%dma_start3A_22 : memref<10000x128xf32, #tpu.memory_space<hbm>>) target(%arg8 : memref<80x128xf32, #tpu.memory_space<vmem>>) offsets(%dma_start3A_19 : memref<80xi32, #tpu.memory_space<vmem>>) semaphore(%arg11 : memref<!tpu.dma_semaphore, #tpu.memory_space<semaphore_mem>>)
    %multiple_of3A_23 = arith.constant 80 : i32
    %multiple_of3A_24 = tpu.assume_multiple %multiple_of3A_23, 8 : i32
    %dma_start3A_25 = tpu.memref_slice %arg6[%multiple_of3A_24] : memref<10000xi32, #tpu.memory_space<vmem>> -> memref<80xi32, #tpu.memory_space<vmem>>
    %dma_start3A_26 = arith.constant 0 : i32
    %dma_start3A_27 = arith.constant 0 : i32
    %dma_start3A_28 = tpu.memref_slice %arg3[%dma_start3A_26, %dma_start3A_27] : memref<10000x128xf32, #tpu.memory_space<hbm>> -> memref<10000x128xf32, #tpu.memory_space<hbm>>
    tpu.enqueue_indirect_dma source(%dma_start3A_28 : memref<10000x128xf32, #tpu.memory_space<hbm>>) target(%arg9 : memref<80x128xf32, #tpu.memory_space<vmem>>) offsets(%dma_start3A_25 : memref<80xi32, #tpu.memory_space<vmem>>) semaphore(%arg12 : memref<!tpu.dma_semaphore, #tpu.memory_space<semaphore_mem>>)
    %scan3A = arith.constant 0 : i32
    %scan3A_29 = arith.constant 0 : i32
    %scan3A_30 = arith.constant 62 : i32
    %scan3A_31 = arith.addi %scan3A_29, %scan3A_30 : i32
    %scan3A_32 = arith.constant 1 : i32
    scf.for %scan3A_59 = %scan3A_29 to %scan3A_31 step %scan3A_32  : i32 {
      %mul3A_60 = arith.constant 2 : i32
      %mul3A_61 = arith.muli %mul3A_60, %scan3A_59 : i32
      %dma_wait3A_62 = arith.constant 0 : i32
      %dma_wait3A_63 = arith.constant 0 : i32
      %dma_wait3A_64 = tpu.memref_slice %arg3[%dma_wait3A_62, %dma_wait3A_63] : memref<10000x128xf32, #tpu.memory_space<hbm>> -> memref<80x128xf32, #tpu.memory_space<hbm>>
      %dma_wait3A_65 = arith.constant 0 : i32
      %dma_wait3A_66 = arith.constant 0 : i32
      %dma_wait3A_67 = tpu.memref_slice %arg3[%dma_wait3A_65, %dma_wait3A_66] : memref<10000x128xf32, #tpu.memory_space<hbm>> -> memref<80x128xf32, #tpu.memory_space<hbm>>
      tpu.wait_dma2 semaphore(%arg11 : memref<!tpu.dma_semaphore, #tpu.memory_space<semaphore_mem>>) src(%dma_wait3A_67 : memref<80x128xf32, #tpu.memory_space<hbm>>) dst(%arg8 : memref<80x128xf32, #tpu.memory_space<vmem>>)
      %mul3A_68 = arith.constant 80 : i32
      %mul3A_69 = arith.muli %mul3A_61, %mul3A_68 : i32
      %multiple_of3A_70 = tpu.assume_multiple %mul3A_69, 8 : i32
      "tpu.region"() ({
        %run_scoped3A = tpu.sem_alloc : memref<!tpu.dma_semaphore, #tpu.memory_space<semaphore_mem>>
        %dma_start3A_103 = tpu.memref_slice %arg7[%multiple_of3A_70] : memref<10000xi32, #tpu.memory_space<vmem>> -> memref<80xi32, #tpu.memory_space<vmem>>
        %dma_start3A_104 = arith.constant 0 : i32
        %dma_start3A_105 = arith.constant 0 : i32
        %dma_start3A_106 = tpu.memref_slice %arg10[%dma_start3A_104, %dma_start3A_105] : memref<10000x128xf32, #tpu.memory_space<vmem_shared>> -> memref<10000x128xf32, #tpu.memory_space<vmem_shared>>
        tpu.enqueue_indirect_dma source(%arg8 : memref<80x128xf32, #tpu.memory_space<vmem>>) target(%dma_start3A_106 : memref<10000x128xf32, #tpu.memory_space<vmem_shared>>) offsets(%dma_start3A_103 : memref<80xi32, #tpu.memory_space<vmem>>) semaphore(%run_scoped3A : memref<!tpu.dma_semaphore, #tpu.memory_space<semaphore_mem>>) {add = true}
        %dma_wait3A_107 = tpu.memref_slice %arg7[%multiple_of3A_70] : memref<10000xi32, #tpu.memory_space<vmem>> -> memref<80xi32, #tpu.memory_space<vmem>>
        %dma_wait3A_108 = arith.constant 0 : i32
        %dma_wait3A_109 = arith.constant 0 : i32
        %dma_wait3A_110 = tpu.memref_slice %arg10[%dma_wait3A_108, %dma_wait3A_109] : memref<10000x128xf32, #tpu.memory_space<vmem_shared>> -> memref<10000x128xf32, #tpu.memory_space<vmem_shared>>
        tpu.wait_indirect_dma semaphore(%run_scoped3A : memref<!tpu.dma_semaphore, #tpu.memory_space<semaphore_mem>>) src(%arg8 : memref<80x128xf32, #tpu.memory_space<vmem>>) dst(%dma_wait3A_110 : memref<10000x128xf32, #tpu.memory_space<vmem_shared>>)
        tpu.yield
      }) : () -> ()
      %add3A_71 = arith.constant 2 : i32
      %add3A_72 = arith.addi %mul3A_61, %add3A_71 : i32
      %min3A = arith.constant 124 : i32
      %min3A_73 = arith.minsi %add3A_72, %min3A : i32
      %mul3A_74 = arith.constant 80 : i32
      %mul3A_75 = arith.muli %min3A_73, %mul3A_74 : i32
      %multiple_of3A_76 = tpu.assume_multiple %mul3A_75, 8 : i32
      %dma_start3A_77 = tpu.memref_slice %arg6[%multiple_of3A_76] : memref<10000xi32, #tpu.memory_space<vmem>> -> memref<80xi32, #tpu.memory_space<vmem>>
      %dma_start3A_78 = arith.constant 0 : i32
      %dma_start3A_79 = arith.constant 0 : i32
      %dma_start3A_80 = tpu.memref_slice %arg3[%dma_start3A_78, %dma_start3A_79] : memref<10000x128xf32, #tpu.memory_space<hbm>> -> memref<10000x128xf32, #tpu.memory_space<hbm>>
      tpu.enqueue_indirect_dma source(%dma_start3A_80 : memref<10000x128xf32, #tpu.memory_space<hbm>>) target(%arg8 : memref<80x128xf32, #tpu.memory_space<vmem>>) offsets(%dma_start3A_77 : memref<80xi32, #tpu.memory_space<vmem>>) semaphore(%arg11 : memref<!tpu.dma_semaphore, #tpu.memory_space<semaphore_mem>>)
      %dma_wait3A_81 = arith.constant 0 : i32
      %dma_wait3A_82 = arith.constant 0 : i32
      %dma_wait3A_83 = tpu.memref_slice %arg3[%dma_wait3A_81, %dma_wait3A_82] : memref<10000x128xf32, #tpu.memory_space<hbm>> -> memref<80x128xf32, #tpu.memory_space<hbm>>
      %dma_wait3A_84 = arith.constant 0 : i32
      %dma_wait3A_85 = arith.constant 0 : i32
      %dma_wait3A_86 = tpu.memref_slice %arg3[%dma_wait3A_84, %dma_wait3A_85] : memref<10000x128xf32, #tpu.memory_space<hbm>> -> memref<80x128xf32, #tpu.memory_space<hbm>>
      tpu.wait_dma2 semaphore(%arg12 : memref<!tpu.dma_semaphore, #tpu.memory_space<semaphore_mem>>) src(%dma_wait3A_86 : memref<80x128xf32, #tpu.memory_space<hbm>>) dst(%arg9 : memref<80x128xf32, #tpu.memory_space<vmem>>)
      %add3A_87 = arith.constant 1 : i32
      %add3A_88 = arith.addi %mul3A_61, %add3A_87 : i32
      %mul3A_89 = arith.constant 80 : i32
      %mul3A_90 = arith.muli %add3A_88, %mul3A_89 : i32
      %multiple_of3A_91 = tpu.assume_multiple %mul3A_90, 8 : i32
      "tpu.region"() ({
        %run_scoped3A = tpu.sem_alloc : memref<!tpu.dma_semaphore, #tpu.memory_space<semaphore_mem>>
        %dma_start3A_103 = tpu.memref_slice %arg7[%multiple_of3A_91] : memref<10000xi32, #tpu.memory_space<vmem>> -> memref<80xi32, #tpu.memory_space<vmem>>
        %dma_start3A_104 = arith.constant 0 : i32
        %dma_start3A_105 = arith.constant 0 : i32
        %dma_start3A_106 = tpu.memref_slice %arg10[%dma_start3A_104, %dma_start3A_105] : memref<10000x128xf32, #tpu.memory_space<vmem_shared>> -> memref<10000x128xf32, #tpu.memory_space<vmem_shared>>
        tpu.enqueue_indirect_dma source(%arg9 : memref<80x128xf32, #tpu.memory_space<vmem>>) target(%dma_start3A_106 : memref<10000x128xf32, #tpu.memory_space<vmem_shared>>) offsets(%dma_start3A_103 : memref<80xi32, #tpu.memory_space<vmem>>) semaphore(%run_scoped3A : memref<!tpu.dma_semaphore, #tpu.memory_space<semaphore_mem>>) {add = true}
        %dma_wait3A_107 = tpu.memref_slice %arg7[%multiple_of3A_91] : memref<10000xi32, #tpu.memory_space<vmem>> -> memref<80xi32, #tpu.memory_space<vmem>>
        %dma_wait3A_108 = arith.constant 0 : i32
        %dma_wait3A_109 = arith.constant 0 : i32
        %dma_wait3A_110 = tpu.memref_slice %arg10[%dma_wait3A_108, %dma_wait3A_109] : memref<10000x128xf32, #tpu.memory_space<vmem_shared>> -> memref<10000x128xf32, #tpu.memory_space<vmem_shared>>
        tpu.wait_indirect_dma semaphore(%run_scoped3A : memref<!tpu.dma_semaphore, #tpu.memory_space<semaphore_mem>>) src(%arg9 : memref<80x128xf32, #tpu.memory_space<vmem>>) dst(%dma_wait3A_110 : memref<10000x128xf32, #tpu.memory_space<vmem_shared>>)
        tpu.yield
      }) : () -> ()
      %add3A_92 = arith.constant 3 : i32
      %add3A_93 = arith.addi %mul3A_61, %add3A_92 : i32
      %min3A_94 = arith.constant 124 : i32
      %min3A_95 = arith.minsi %add3A_93, %min3A_94 : i32
      %mul3A_96 = arith.constant 80 : i32
      %mul3A_97 = arith.muli %min3A_95, %mul3A_96 : i32
      %multiple_of3A_98 = tpu.assume_multiple %mul3A_97, 8 : i32
      %dma_start3A_99 = tpu.memref_slice %arg6[%multiple_of3A_98] : memref<10000xi32, #tpu.memory_space<vmem>> -> memref<80xi32, #tpu.memory_space<vmem>>
      %dma_start3A_100 = arith.constant 0 : i32
      %dma_start3A_101 = arith.constant 0 : i32
      %dma_start3A_102 = tpu.memref_slice %arg3[%dma_start3A_100, %dma_start3A_101] : memref<10000x128xf32, #tpu.memory_space<hbm>> -> memref<10000x128xf32, #tpu.memory_space<hbm>>
      tpu.enqueue_indirect_dma source(%dma_start3A_102 : memref<10000x128xf32, #tpu.memory_space<hbm>>) target(%arg9 : memref<80x128xf32, #tpu.memory_space<vmem>>) offsets(%dma_start3A_99 : memref<80xi32, #tpu.memory_space<vmem>>) semaphore(%arg12 : memref<!tpu.dma_semaphore, #tpu.memory_space<semaphore_mem>>)
    }
    %scan3A_33 = arith.constant 62 : i32
    %dma_wait3A_34 = arith.constant 0 : i32
    %dma_wait3A_35 = arith.constant 0 : i32
    %dma_wait3A_36 = tpu.memref_slice %arg3[%dma_wait3A_34, %dma_wait3A_35] : memref<10000x128xf32, #tpu.memory_space<hbm>> -> memref<80x128xf32, #tpu.memory_space<hbm>>
    %dma_wait3A_37 = arith.constant 0 : i32
    %dma_wait3A_38 = arith.constant 0 : i32
    %dma_wait3A_39 = tpu.memref_slice %arg3[%dma_wait3A_37, %dma_wait3A_38] : memref<10000x128xf32, #tpu.memory_space<hbm>> -> memref<80x128xf32, #tpu.memory_space<hbm>>
    tpu.wait_dma2 semaphore(%arg11 : memref<!tpu.dma_semaphore, #tpu.memory_space<semaphore_mem>>) src(%dma_wait3A_39 : memref<80x128xf32, #tpu.memory_space<hbm>>) dst(%arg8 : memref<80x128xf32, #tpu.memory_space<vmem>>)
    %multiple_of3A_40 = arith.constant 9920 : i32
    %multiple_of3A_41 = tpu.assume_multiple %multiple_of3A_40, 8 : i32
    "tpu.region"() ({
      %run_scoped3A = tpu.sem_alloc : memref<!tpu.dma_semaphore, #tpu.memory_space<semaphore_mem>>
      %dma_start3A_59 = tpu.memref_slice %arg7[%multiple_of3A_41] : memref<10000xi32, #tpu.memory_space<vmem>> -> memref<80xi32, #tpu.memory_space<vmem>>
      %dma_start3A_60 = arith.constant 0 : i32
      %dma_start3A_61 = arith.constant 0 : i32
      %dma_start3A_62 = tpu.memref_slice %arg10[%dma_start3A_60, %dma_start3A_61] : memref<10000x128xf32, #tpu.memory_space<vmem_shared>> -> memref<10000x128xf32, #tpu.memory_space<vmem_shared>>
      tpu.enqueue_indirect_dma source(%arg8 : memref<80x128xf32, #tpu.memory_space<vmem>>) target(%dma_start3A_62 : memref<10000x128xf32, #tpu.memory_space<vmem_shared>>) offsets(%dma_start3A_59 : memref<80xi32, #tpu.memory_space<vmem>>) semaphore(%run_scoped3A : memref<!tpu.dma_semaphore, #tpu.memory_space<semaphore_mem>>) {add = true}
      %dma_wait3A_63 = tpu.memref_slice %arg7[%multiple_of3A_41] : memref<10000xi32, #tpu.memory_space<vmem>> -> memref<80xi32, #tpu.memory_space<vmem>>
      %dma_wait3A_64 = arith.constant 0 : i32
      %dma_wait3A_65 = arith.constant 0 : i32
      %dma_wait3A_66 = tpu.memref_slice %arg10[%dma_wait3A_64, %dma_wait3A_65] : memref<10000x128xf32, #tpu.memory_space<vmem_shared>> -> memref<10000x128xf32, #tpu.memory_space<vmem_shared>>
      tpu.wait_indirect_dma semaphore(%run_scoped3A : memref<!tpu.dma_semaphore, #tpu.memory_space<semaphore_mem>>) src(%arg8 : memref<80x128xf32, #tpu.memory_space<vmem>>) dst(%dma_wait3A_66 : memref<10000x128xf32, #tpu.memory_space<vmem_shared>>)
      tpu.yield
    }) : () -> ()
    %dma_wait3A_42 = arith.constant 0 : i32
    %dma_wait3A_43 = arith.constant 0 : i32
    %dma_wait3A_44 = tpu.memref_slice %arg3[%dma_wait3A_42, %dma_wait3A_43] : memref<10000x128xf32, #tpu.memory_space<hbm>> -> memref<80x128xf32, #tpu.memory_space<hbm>>
    %dma_wait3A_45 = arith.constant 0 : i32
    %dma_wait3A_46 = arith.constant 0 : i32
    %dma_wait3A_47 = tpu.memref_slice %arg3[%dma_wait3A_45, %dma_wait3A_46] : memref<10000x128xf32, #tpu.memory_space<hbm>> -> memref<80x128xf32, #tpu.memory_space<hbm>>
    tpu.wait_dma2 semaphore(%arg12 : memref<!tpu.dma_semaphore, #tpu.memory_space<semaphore_mem>>) src(%dma_wait3A_47 : memref<80x128xf32, #tpu.memory_space<hbm>>) dst(%arg9 : memref<80x128xf32, #tpu.memory_space<vmem>>)
    %barrier3A_48 = arith.constant 0 : index
    tpu.barrier barrier_id(%barrier3A_48)
    %lt3A_49 = arith.constant 15 : i32
    %lt3A_50 = arith.cmpi slt, %arg1, %lt3A_49 : i32
    %convert_element_type3A_51 = arith.extui %lt3A_50 : i1 to i32
    %cond3A_52 = arith.constant 0 : i32
    %cond3A_53 = arith.cmpi ne, %convert_element_type3A_51, %cond3A_52 : i32
    scf.if %cond3A_53 {
      %mul3A_59 = arith.constant 640 : i32
      %mul3A_60 = arith.muli %arg1, %mul3A_59 : i32
      %multiple_of3A_61 = tpu.assume_multiple %mul3A_60, 8 : i32
      %mul3A_62 = arith.constant 10000 : i32
      %mul3A_63 = arith.muli %arg0, %mul3A_62 : i32
      %add3A_64 = arith.addi %mul3A_63, %multiple_of3A_61 : i32
      "tpu.region"() ({
        %run_scoped3A = tpu.sem_alloc : memref<!tpu.dma_semaphore, #tpu.memory_space<semaphore_mem>>
        %dma_start3A_65 = arith.constant 0 : i32
        %dma_start3A_66 = tpu.memref_slice %arg5[%add3A_64, %dma_start3A_65] : memref<20000x128xf32, #tpu.memory_space<hbm>> -> memref<640x128xf32, #tpu.memory_space<hbm>>
        %dma_start3A_67 = arith.constant 0 : i32
        %dma_start3A_68 = tpu.memref_slice %arg10[%multiple_of3A_61, %dma_start3A_67] : memref<10000x128xf32, #tpu.memory_space<vmem_shared>> -> memref<640x128xf32, #tpu.memory_space<vmem_shared>>
        tpu.enqueue_dma source(%dma_start3A_68 : memref<640x128xf32, #tpu.memory_space<vmem_shared>>) target(%dma_start3A_66 : memref<640x128xf32, #tpu.memory_space<hbm>>) target_semaphore(%run_scoped3A : memref<!tpu.dma_semaphore, #tpu.memory_space<semaphore_mem>>)
        %dma_wait3A_69 = arith.constant 0 : i32
        %dma_wait3A_70 = tpu.memref_slice %arg5[%add3A_64, %dma_wait3A_69] : memref<20000x128xf32, #tpu.memory_space<hbm>> -> memref<640x128xf32, #tpu.memory_space<hbm>>
        %dma_wait3A_71 = arith.constant 0 : i32
        %dma_wait3A_72 = tpu.memref_slice %arg10[%multiple_of3A_61, %dma_wait3A_71] : memref<10000x128xf32, #tpu.memory_space<vmem_shared>> -> memref<640x128xf32, #tpu.memory_space<vmem_shared>>
        tpu.wait_dma2 semaphore(%run_scoped3A : memref<!tpu.dma_semaphore, #tpu.memory_space<semaphore_mem>>) src(%dma_wait3A_72 : memref<640x128xf32, #tpu.memory_space<vmem_shared>>) dst(%dma_wait3A_70 : memref<640x128xf32, #tpu.memory_space<hbm>>)
        tpu.yield
      }) : () -> ()
    } else {
    }
    %eq3A_54 = arith.constant 15 : i32
    %eq3A_55 = arith.cmpi eq, %arg1, %eq3A_54 : i32
    %convert_element_type3A_56 = arith.extui %eq3A_55 : i1 to i32
    %cond3A_57 = arith.constant 0 : i32
    %cond3A_58 = arith.cmpi ne, %convert_element_type3A_56, %cond3A_57 : i32
    scf.if %cond3A_58 {
      %mul3A_59 = arith.constant 10000 : i32
      %mul3A_60 = arith.muli %arg0, %mul3A_59 : i32
      %add3A_61 = arith.constant 9600 : i32
      %add3A_62 = arith.addi %mul3A_60, %add3A_61 : i32
      "tpu.region"() ({
        %run_scoped3A = tpu.sem_alloc : memref<!tpu.dma_semaphore, #tpu.memory_space<semaphore_mem>>
        %dma_start3A_63 = arith.constant 0 : i32
        %dma_start3A_64 = tpu.memref_slice %arg5[%add3A_62, %dma_start3A_63] : memref<20000x128xf32, #tpu.memory_space<hbm>> -> memref<400x128xf32, #tpu.memory_space<hbm>>
        %dma_start3A_65 = arith.constant 9600 : i32
        %dma_start3A_66 = arith.constant 0 : i32
        %dma_start3A_67 = tpu.memref_slice %arg10[%dma_start3A_65, %dma_start3A_66] : memref<10000x128xf32, #tpu.memory_space<vmem_shared>> -> memref<400x128xf32, #tpu.memory_space<vmem_shared>>
        tpu.enqueue_dma source(%dma_start3A_67 : memref<400x128xf32, #tpu.memory_space<vmem_shared>>) target(%dma_start3A_64 : memref<400x128xf32, #tpu.memory_space<hbm>>) target_semaphore(%run_scoped3A : memref<!tpu.dma_semaphore, #tpu.memory_space<semaphore_mem>>)
        %dma_wait3A_68 = arith.constant 0 : i32
        %dma_wait3A_69 = tpu.memref_slice %arg5[%add3A_62, %dma_wait3A_68] : memref<20000x128xf32, #tpu.memory_space<hbm>> -> memref<400x128xf32, #tpu.memory_space<hbm>>
        %dma_wait3A_70 = arith.constant 9600 : i32
        %dma_wait3A_71 = arith.constant 0 : i32
        %dma_wait3A_72 = tpu.memref_slice %arg10[%dma_wait3A_70, %dma_wait3A_71] : memref<10000x128xf32, #tpu.memory_space<vmem_shared>> -> memref<400x128xf32, #tpu.memory_space<vmem_shared>>
        tpu.wait_dma2 semaphore(%run_scoped3A : memref<!tpu.dma_semaphore, #tpu.memory_space<semaphore_mem>>) src(%dma_wait3A_72 : memref<400x128xf32, #tpu.memory_space<vmem_shared>>) dst(%dma_wait3A_69 : memref<400x128xf32, #tpu.memory_space<hbm>>)
        tpu.yield
      }) : () -> ()
    } else {
    }
    return
  }
}

module attributes {stable_mosaic.version = 14 : i64} {
  func.func @_tc_a_body(%arg0: i32, %arg1: memref<2000x128xf32, #tpu.memory_space<vmem>>, %arg2: memref<128x128xf32, #tpu.memory_space<vmem>>, %arg3: memref<1x1x2000xf32, #tpu.memory_space<vmem>>, %arg4: memref<1x1x2000xf32, #tpu.memory_space<vmem>>, %arg5: memref<2000x128xf32, #tpu.memory_space<vmem>>) attributes {dimension_semantics = [#tpu.dimension_semantics<arbitrary>], iteration_bounds = array<i64: 5>, scalar_prefetch = 0 : i64, scratch_operands = 0 : i64, tpu.core_type = #tpu.core_type<tc>, window_params = [{transform_indices = @transform_0, window_bounds = array<i64: 2000, 128>}, {pipeline_mode = #tpu.pipeline_mode<synchronous>, transform_indices = @transform_1, window_bounds = array<i64: 128, 128>}, {transform_indices = @transform_2, window_bounds = array<i64: 1, 1, 2000>}, {transform_indices = @transform_3, window_bounds = array<i64: 1, 1, 2000>}, {transform_indices = @transform_4, window_bounds = array<i64: 2000, 128>}]} {
    %get3A = arith.constant 0 : index
    %get3A_0 = arith.constant 0 : index
    %get3A_1 = arith.constant 0 : index
    %get3A_2 = vector.load %arg3[%get3A, %get3A_0, %get3A_1] : memref<1x1x2000xf32, #tpu.memory_space<vmem>>, vector<1x1x2000xf32>
    %add3A = arith.constant 1.000000e+00 : f32
    %add3A_3 = vector.broadcast %add3A : f32 to vector<1x1x2000xf32>
    %add3A_4 = arith.addf %add3A_3, %get3A_2 : vector<1x1x2000xf32>
    %get3A_5 = arith.constant 0 : index
    %get3A_6 = arith.constant 0 : index
    %get3A_7 = arith.constant 0 : index
    %get3A_8 = vector.load %arg4[%get3A_5, %get3A_6, %get3A_7] : memref<1x1x2000xf32, #tpu.memory_space<vmem>>, vector<1x1x2000xf32>
    %add3A_9 = arith.addf %add3A_4, %get3A_8 : vector<1x1x2000xf32>
    %rsqrt3A = math.rsqrt %add3A_9 : vector<1x1x2000xf32>
    %reshape3A = vector.shape_cast %rsqrt3A : vector<1x1x2000xf32> to vector<2000x1xf32>
    %get3A_10 = arith.constant 0 : index
    %get3A_11 = arith.constant 0 : index
    %get3A_12 = vector.load %arg1[%get3A_10, %get3A_11] : memref<2000x128xf32, #tpu.memory_space<vmem>>, vector<2000x128xf32>
    %get3A_13 = arith.constant 0 : index
    %get3A_14 = arith.constant 0 : index
    %get3A_15 = vector.load %arg2[%get3A_13, %get3A_14] : memref<128x128xf32, #tpu.memory_space<vmem>>, vector<128x128xf32>
    %dot_general3A = arith.constant dense<0.000000e+00> : vector<2000x128xf32>
    %dot_general3A_16 = tpu.matmul %get3A_12, %get3A_15, %dot_general3A {dimension_numbers = #tpu.dot_dimension_numbers<[1], [0], [0], [1], [0, 0, 1, 1], [], []>, transpose_lhs_hint = false} : vector<2000x128xf32>, vector<128x128xf32>, vector<2000x128xf32> -> vector<2000x128xf32>
    %mul3A = vector.broadcast %reshape3A : vector<2000x1xf32> to vector<2000x128xf32>
    %mul3A_17 = arith.mulf %dot_general3A_16, %mul3A : vector<2000x128xf32>
    %swap3A = arith.constant 0 : index
    %swap3A_18 = arith.constant 0 : index
    %swap3A_19 = vector.load %arg5[%swap3A, %swap3A_18] : memref<2000x128xf32, #tpu.memory_space<vmem>>, vector<2000x128xf32>
    tpu.vector_store %arg5[%swap3A, %swap3A_18], %mul3A_17 {strides = array<i32>} : memref<2000x128xf32, #tpu.memory_space<vmem>>, vector<2000x128xf32>,
    return
  }
  func.func @transform_0(%arg0: i32) -> (i32, i32) {
    %add3A = arith.constant 0 : i32
    %add3A_0 = arith.addi %arg0, %add3A : i32
    %c0_i32 = arith.constant 0 : i32
    %c0_i32_1 = arith.constant 0 : i32
    return %add3A_0, %c0_i32 : i32, i32
  }
  func.func @transform_1(%arg0: i32) -> (i32, i32) {
    %c0_i32 = arith.constant 0 : i32
    %c0_i32_0 = arith.constant 0 : i32
    %c0_i32_1 = arith.constant 0 : i32
    return %c0_i32, %c0_i32_0 : i32, i32
  }
  func.func @transform_2(%arg0: i32) -> (i32, i32, i32) {
    %add3A = arith.constant 0 : i32
    %add3A_0 = arith.addi %arg0, %add3A : i32
    %c0_i32 = arith.constant 0 : i32
    %c0_i32_1 = arith.constant 0 : i32
    %c0_i32_2 = arith.constant 0 : i32
    return %add3A_0, %c0_i32, %c0_i32_1 : i32, i32, i32
  }
  func.func @transform_3(%arg0: i32) -> (i32, i32, i32) {
    %add3A = arith.constant 5 : i32
    %add3A_0 = arith.addi %arg0, %add3A : i32
    %c0_i32 = arith.constant 0 : i32
    %c0_i32_1 = arith.constant 0 : i32
    %c0_i32_2 = arith.constant 0 : i32
    return %add3A_0, %c0_i32, %c0_i32_1 : i32, i32, i32
  }
  func.func @transform_4(%arg0: i32) -> (i32, i32) {
    %add3A = arith.constant 0 : i32
    %add3A_0 = arith.addi %arg0, %add3A : i32
    %c0_i32 = arith.constant 0 : i32
    %c0_i32_1 = arith.constant 0 : i32
    return %add3A_0, %c0_i32 : i32, i32
  }
}

module attributes {stable_mosaic.version = 14 : i64} {
  func.func @_tc_b_body(%arg0: i32, %arg1: memref<2000x128xf32, #tpu.memory_space<vmem>>, %arg2: memref<2000x128xf32, #tpu.memory_space<vmem>>, %arg3: memref<2000x128xf32, #tpu.memory_space<vmem>>, %arg4: memref<1x1x2000xf32, #tpu.memory_space<vmem>>, %arg5: memref<1x1x2000xf32, #tpu.memory_space<vmem>>, %arg6: memref<128x128xf32, #tpu.memory_space<vmem>>, %arg7: memref<1x128xf32, #tpu.memory_space<vmem>>, %arg8: memref<2000x128xf32, #tpu.memory_space<vmem>>) attributes {dimension_semantics = [#tpu.dimension_semantics<arbitrary>], iteration_bounds = array<i64: 5>, scalar_prefetch = 0 : i64, scratch_operands = 0 : i64, tpu.core_type = #tpu.core_type<tc>, window_params = [{transform_indices = @transform_0, window_bounds = array<i64: 2000, 128>}, {transform_indices = @transform_1, window_bounds = array<i64: 2000, 128>}, {transform_indices = @transform_2, window_bounds = array<i64: 2000, 128>}, {transform_indices = @transform_3, window_bounds = array<i64: 1, 1, 2000>}, {transform_indices = @transform_4, window_bounds = array<i64: 1, 1, 2000>}, {pipeline_mode = #tpu.pipeline_mode<synchronous>, transform_indices = @transform_5, window_bounds = array<i64: 128, 128>}, {pipeline_mode = #tpu.pipeline_mode<synchronous>, transform_indices = @transform_6, window_bounds = array<i64: 1, 128>}, {transform_indices = @transform_7, window_bounds = array<i64: 2000, 128>}]} {
    %get3A = arith.constant 0 : index
    %get3A_0 = arith.constant 0 : index
    %get3A_1 = arith.constant 0 : index
    %get3A_2 = vector.load %arg4[%get3A, %get3A_0, %get3A_1] : memref<1x1x2000xf32, #tpu.memory_space<vmem>>, vector<1x1x2000xf32>
    %add3A = arith.constant 1.000000e+00 : f32
    %add3A_3 = vector.broadcast %add3A : f32 to vector<1x1x2000xf32>
    %add3A_4 = arith.addf %add3A_3, %get3A_2 : vector<1x1x2000xf32>
    %get3A_5 = arith.constant 0 : index
    %get3A_6 = arith.constant 0 : index
    %get3A_7 = arith.constant 0 : index
    %get3A_8 = vector.load %arg5[%get3A_5, %get3A_6, %get3A_7] : memref<1x1x2000xf32, #tpu.memory_space<vmem>>, vector<1x1x2000xf32>
    %add3A_9 = arith.addf %add3A_4, %get3A_8 : vector<1x1x2000xf32>
    %rsqrt3A = math.rsqrt %add3A_9 : vector<1x1x2000xf32>
    %reshape3A = vector.shape_cast %rsqrt3A : vector<1x1x2000xf32> to vector<2000x1xf32>
    %get3A_10 = arith.constant 0 : index
    %get3A_11 = arith.constant 0 : index
    %get3A_12 = vector.load %arg1[%get3A_10, %get3A_11] : memref<2000x128xf32, #tpu.memory_space<vmem>>, vector<2000x128xf32>
    %get3A_13 = arith.constant 0 : index
    %get3A_14 = arith.constant 0 : index
    %get3A_15 = vector.load %arg2[%get3A_13, %get3A_14] : memref<2000x128xf32, #tpu.memory_space<vmem>>, vector<2000x128xf32>
    %add3A_16 = arith.addf %get3A_12, %get3A_15 : vector<2000x128xf32>
    %get3A_17 = arith.constant 0 : index
    %get3A_18 = arith.constant 0 : index
    %get3A_19 = vector.load %arg3[%get3A_17, %get3A_18] : memref<2000x128xf32, #tpu.memory_space<vmem>>, vector<2000x128xf32>
    %add3A_20 = arith.addf %add3A_16, %get3A_19 : vector<2000x128xf32>
    %mul3A = vector.broadcast %reshape3A : vector<2000x1xf32> to vector<2000x128xf32>
    %mul3A_21 = arith.mulf %mul3A, %add3A_20 : vector<2000x128xf32>
    %get3A_22 = arith.constant 0 : index
    %get3A_23 = arith.constant 0 : index
    %get3A_24 = vector.load %arg7[%get3A_22, %get3A_23] : memref<1x128xf32, #tpu.memory_space<vmem>>, vector<1x128xf32>
    %add3A_25 = vector.broadcast %get3A_24 : vector<1x128xf32> to vector<2000x128xf32>
    %add3A_26 = arith.addf %mul3A_21, %add3A_25 : vector<2000x128xf32>
    %max3A = arith.constant 0.000000e+00 : f32
    %max3A_27 = vector.broadcast %max3A : f32 to vector<2000x128xf32>
    %max3A_28 = arith.maximumf %add3A_26, %max3A_27 : vector<2000x128xf32>
    %get3A_29 = arith.constant 0 : index
    %get3A_30 = arith.constant 0 : index
    %get3A_31 = vector.load %arg6[%get3A_29, %get3A_30] : memref<128x128xf32, #tpu.memory_space<vmem>>, vector<128x128xf32>
    %dot_general3A = arith.constant dense<0.000000e+00> : vector<2000x128xf32>
    %dot_general3A_32 = tpu.matmul %max3A_28, %get3A_31, %dot_general3A {dimension_numbers = #tpu.dot_dimension_numbers<[1], [0], [0], [1], [0, 0, 1, 1], [], []>, transpose_lhs_hint = false} : vector<2000x128xf32>, vector<128x128xf32>, vector<2000x128xf32> -> vector<2000x128xf32>
    %mul3A_33 = vector.broadcast %reshape3A : vector<2000x1xf32> to vector<2000x128xf32>
    %mul3A_34 = arith.mulf %dot_general3A_32, %mul3A_33 : vector<2000x128xf32>
    %swap3A = arith.constant 0 : index
    %swap3A_35 = arith.constant 0 : index
    %swap3A_36 = vector.load %arg8[%swap3A, %swap3A_35] : memref<2000x128xf32, #tpu.memory_space<vmem>>, vector<2000x128xf32>
    tpu.vector_store %arg8[%swap3A, %swap3A_35], %mul3A_34 {strides = array<i32>} : memref<2000x128xf32, #tpu.memory_space<vmem>>, vector<2000x128xf32>,
    return
  }
  func.func @transform_0(%arg0: i32) -> (i32, i32) {
    %add3A = arith.constant 0 : i32
    %add3A_0 = arith.addi %arg0, %add3A : i32
    %c0_i32 = arith.constant 0 : i32
    %c0_i32_1 = arith.constant 0 : i32
    return %add3A_0, %c0_i32 : i32, i32
  }
  func.func @transform_1(%arg0: i32) -> (i32, i32) {
    %add3A = arith.constant 5 : i32
    %add3A_0 = arith.addi %arg0, %add3A : i32
    %c0_i32 = arith.constant 0 : i32
    %c0_i32_1 = arith.constant 0 : i32
    return %add3A_0, %c0_i32 : i32, i32
  }
  func.func @transform_2(%arg0: i32) -> (i32, i32) {
    %add3A = arith.constant 0 : i32
    %add3A_0 = arith.addi %arg0, %add3A : i32
    %c0_i32 = arith.constant 0 : i32
    %c0_i32_1 = arith.constant 0 : i32
    return %add3A_0, %c0_i32 : i32, i32
  }
  func.func @transform_3(%arg0: i32) -> (i32, i32, i32) {
    %add3A = arith.constant 0 : i32
    %add3A_0 = arith.addi %arg0, %add3A : i32
    %c0_i32 = arith.constant 0 : i32
    %c0_i32_1 = arith.constant 0 : i32
    %c0_i32_2 = arith.constant 0 : i32
    return %add3A_0, %c0_i32, %c0_i32_1 : i32, i32, i32
  }
  func.func @transform_4(%arg0: i32) -> (i32, i32, i32) {
    %add3A = arith.constant 5 : i32
    %add3A_0 = arith.addi %arg0, %add3A : i32
    %c0_i32 = arith.constant 0 : i32
    %c0_i32_1 = arith.constant 0 : i32
    %c0_i32_2 = arith.constant 0 : i32
    return %add3A_0, %c0_i32, %c0_i32_1 : i32, i32, i32
  }
  func.func @transform_5(%arg0: i32) -> (i32, i32) {
    %c0_i32 = arith.constant 0 : i32
    %c0_i32_0 = arith.constant 0 : i32
    %c0_i32_1 = arith.constant 0 : i32
    return %c0_i32, %c0_i32_0 : i32, i32
  }
  func.func @transform_6(%arg0: i32) -> (i32, i32) {
    %c0_i32 = arith.constant 0 : i32
    %c0_i32_0 = arith.constant 0 : i32
    %c0_i32_1 = arith.constant 0 : i32
    return %c0_i32, %c0_i32_0 : i32, i32
  }
  func.func @transform_7(%arg0: i32) -> (i32, i32) {
    %add3A = arith.constant 0 : i32
    %add3A_0 = arith.addi %arg0, %add3A : i32
    %c0_i32 = arith.constant 0 : i32
    %c0_i32_1 = arith.constant 0 : i32
    return %add3A_0, %c0_i32 : i32, i32
  }
}

module attributes {stable_mosaic.version = 14 : i64} {
  func.func @_tc_c_body(%arg0: i32, %arg1: memref<2000x128xf32, #tpu.memory_space<vmem>>, %arg2: memref<2000x128xf32, #tpu.memory_space<vmem>>, %arg3: memref<2000x128xf32, #tpu.memory_space<vmem>>, %arg4: memref<1x1x2000xf32, #tpu.memory_space<vmem>>, %arg5: memref<1x1x2000xf32, #tpu.memory_space<vmem>>, %arg6: memref<1x128xf32, #tpu.memory_space<vmem>>, %arg7: memref<2000x128xf32, #tpu.memory_space<vmem>>) attributes {dimension_semantics = [#tpu.dimension_semantics<arbitrary>], iteration_bounds = array<i64: 5>, scalar_prefetch = 0 : i64, scratch_operands = 0 : i64, tpu.core_type = #tpu.core_type<tc>, window_params = [{transform_indices = @transform_0, window_bounds = array<i64: 2000, 128>}, {transform_indices = @transform_1, window_bounds = array<i64: 2000, 128>}, {transform_indices = @transform_2, window_bounds = array<i64: 2000, 128>}, {transform_indices = @transform_3, window_bounds = array<i64: 1, 1, 2000>}, {transform_indices = @transform_4, window_bounds = array<i64: 1, 1, 2000>}, {pipeline_mode = #tpu.pipeline_mode<synchronous>, transform_indices = @transform_5, window_bounds = array<i64: 1, 128>}, {transform_indices = @transform_6, window_bounds = array<i64: 2000, 128>}]} {
    %get3A = arith.constant 0 : index
    %get3A_0 = arith.constant 0 : index
    %get3A_1 = arith.constant 0 : index
    %get3A_2 = vector.load %arg4[%get3A, %get3A_0, %get3A_1] : memref<1x1x2000xf32, #tpu.memory_space<vmem>>, vector<1x1x2000xf32>
    %add3A = arith.constant 1.000000e+00 : f32
    %add3A_3 = vector.broadcast %add3A : f32 to vector<1x1x2000xf32>
    %add3A_4 = arith.addf %add3A_3, %get3A_2 : vector<1x1x2000xf32>
    %get3A_5 = arith.constant 0 : index
    %get3A_6 = arith.constant 0 : index
    %get3A_7 = arith.constant 0 : index
    %get3A_8 = vector.load %arg5[%get3A_5, %get3A_6, %get3A_7] : memref<1x1x2000xf32, #tpu.memory_space<vmem>>, vector<1x1x2000xf32>
    %add3A_9 = arith.addf %add3A_4, %get3A_8 : vector<1x1x2000xf32>
    %rsqrt3A = math.rsqrt %add3A_9 : vector<1x1x2000xf32>
    %reshape3A = vector.shape_cast %rsqrt3A : vector<1x1x2000xf32> to vector<2000x1xf32>
    %get3A_10 = arith.constant 0 : index
    %get3A_11 = arith.constant 0 : index
    %get3A_12 = vector.load %arg1[%get3A_10, %get3A_11] : memref<2000x128xf32, #tpu.memory_space<vmem>>, vector<2000x128xf32>
    %get3A_13 = arith.constant 0 : index
    %get3A_14 = arith.constant 0 : index
    %get3A_15 = vector.load %arg2[%get3A_13, %get3A_14] : memref<2000x128xf32, #tpu.memory_space<vmem>>, vector<2000x128xf32>
    %add3A_16 = arith.addf %get3A_12, %get3A_15 : vector<2000x128xf32>
    %get3A_17 = arith.constant 0 : index
    %get3A_18 = arith.constant 0 : index
    %get3A_19 = vector.load %arg3[%get3A_17, %get3A_18] : memref<2000x128xf32, #tpu.memory_space<vmem>>, vector<2000x128xf32>
    %add3A_20 = arith.addf %add3A_16, %get3A_19 : vector<2000x128xf32>
    %mul3A = vector.broadcast %reshape3A : vector<2000x1xf32> to vector<2000x128xf32>
    %mul3A_21 = arith.mulf %mul3A, %add3A_20 : vector<2000x128xf32>
    %get3A_22 = arith.constant 0 : index
    %get3A_23 = arith.constant 0 : index
    %get3A_24 = vector.load %arg6[%get3A_22, %get3A_23] : memref<1x128xf32, #tpu.memory_space<vmem>>, vector<1x128xf32>
    %add3A_25 = vector.broadcast %get3A_24 : vector<1x128xf32> to vector<2000x128xf32>
    %add3A_26 = arith.addf %mul3A_21, %add3A_25 : vector<2000x128xf32>
    %reduce_max3A = arith.constant dense<0xFF800000> : vector<2000xf32>
    %reduce_max3A_27 = vector.multi_reduction <maximumf>, %add3A_26, %reduce_max3A [1] : vector<2000x128xf32> to vector<2000xf32>
    %broadcast_in_dim3A = vector.shape_cast %reduce_max3A_27 : vector<2000xf32> to vector<2000x1xf32>
    %sub3A = vector.broadcast %broadcast_in_dim3A : vector<2000x1xf32> to vector<2000x128xf32>
    %sub3A_28 = arith.subf %add3A_26, %sub3A : vector<2000x128xf32>
    %exp3A = math.exp %sub3A_28 : vector<2000x128xf32>
    %reduce_sum3A = arith.constant dense<0.000000e+00> : vector<2000xf32>
    %reduce_sum3A_29 = vector.multi_reduction <add>, %exp3A, %reduce_sum3A [1] : vector<2000x128xf32> to vector<2000xf32>
    %broadcast_in_dim3A_30 = vector.shape_cast %reduce_sum3A_29 : vector<2000xf32> to vector<2000x1xf32>
    %log3A = math.log %broadcast_in_dim3A_30 : vector<2000x1xf32>
    %add3A_31 = arith.addf %log3A, %broadcast_in_dim3A : vector<2000x1xf32>
    %sub3A_32 = vector.broadcast %add3A_31 : vector<2000x1xf32> to vector<2000x128xf32>
    %sub3A_33 = arith.subf %add3A_26, %sub3A_32 : vector<2000x128xf32>
    %swap3A = arith.constant 0 : index
    %swap3A_34 = arith.constant 0 : index
    %swap3A_35 = vector.load %arg7[%swap3A, %swap3A_34] : memref<2000x128xf32, #tpu.memory_space<vmem>>, vector<2000x128xf32>
    tpu.vector_store %arg7[%swap3A, %swap3A_34], %sub3A_33 {strides = array<i32>} : memref<2000x128xf32, #tpu.memory_space<vmem>>, vector<2000x128xf32>,
    return
  }
  func.func @transform_0(%arg0: i32) -> (i32, i32) {
    %add3A = arith.constant 0 : i32
    %add3A_0 = arith.addi %arg0, %add3A : i32
    %c0_i32 = arith.constant 0 : i32
    %c0_i32_1 = arith.constant 0 : i32
    return %add3A_0, %c0_i32 : i32, i32
  }
  func.func @transform_1(%arg0: i32) -> (i32, i32) {
    %add3A = arith.constant 5 : i32
    %add3A_0 = arith.addi %arg0, %add3A : i32
    %c0_i32 = arith.constant 0 : i32
    %c0_i32_1 = arith.constant 0 : i32
    return %add3A_0, %c0_i32 : i32, i32
  }
  func.func @transform_2(%arg0: i32) -> (i32, i32) {
    %add3A = arith.constant 0 : i32
    %add3A_0 = arith.addi %arg0, %add3A : i32
    %c0_i32 = arith.constant 0 : i32
    %c0_i32_1 = arith.constant 0 : i32
    return %add3A_0, %c0_i32 : i32, i32
  }
  func.func @transform_3(%arg0: i32) -> (i32, i32, i32) {
    %add3A = arith.constant 0 : i32
    %add3A_0 = arith.addi %arg0, %add3A : i32
    %c0_i32 = arith.constant 0 : i32
    %c0_i32_1 = arith.constant 0 : i32
    %c0_i32_2 = arith.constant 0 : i32
    return %add3A_0, %c0_i32, %c0_i32_1 : i32, i32, i32
  }
  func.func @transform_4(%arg0: i32) -> (i32, i32, i32) {
    %add3A = arith.constant 5 : i32
    %add3A_0 = arith.addi %arg0, %add3A : i32
    %c0_i32 = arith.constant 0 : i32
    %c0_i32_1 = arith.constant 0 : i32
    %c0_i32_2 = arith.constant 0 : i32
    return %add3A_0, %c0_i32, %c0_i32_1 : i32, i32, i32
  }
  func.func @transform_5(%arg0: i32) -> (i32, i32) {
    %c0_i32 = arith.constant 0 : i32
    %c0_i32_0 = arith.constant 0 : i32
    %c0_i32_1 = arith.constant 0 : i32
    return %c0_i32, %c0_i32_0 : i32, i32
  }
  func.func @transform_6(%arg0: i32) -> (i32, i32) {
    %add3A = arith.constant 0 : i32
    %add3A_0 = arith.addi %arg0, %add3A : i32
    %c0_i32 = arith.constant 0 : i32
    %c0_i32_1 = arith.constant 0 : i32
    return %add3A_0, %c0_i32 : i32, i32
  }
}

</mosaic_0001>

<sc_bundles>
// kernel: kernel.11.cloned.1.call-start
scs
__scs_entry_jumppad:
0x0: {  	(pc) =	sbr.rel $0x88, $3  }
0x1: {  	(tag) =	ssettag $0x0;
	lr =	simm.s32 $0x1  }
0x2: {  	[smem:$0x3F9B] =	sst lr;
	_ =	strace $0xD0000000  }
0x3: {  	_ = 	snop  }
0x4: {  	_ = 	snop  }
0x5: {  	_ = 	snop  }
0x6: {  	_ = 	snop  }
0x7: {  	_ = 	snop  }
__scs_overlays_trampoline_lowered:
0x8: {  	[smem:$0x3FAA] =	sst s0  }
0x9: {  	[smem:$0x3FAB] =	sst s1  }
0xa: {  	[smem:$0x3FAC] =	sst s2  }
0xb: {  	[smem:$0x3FAD] =	sst s3  }
0xc: {  	[smem:$0x3FAE] =	sst s4  }
0xd: {  	[smem:$0x3FAF] =	sst s5  }
0xe: {  	[smem:$0x3FB0] =	sst s6  }
0xf: {  	[smem:$0x3FB1] =	sst s7  }
0x10: {  	[smem:$0x3FB2] =	sst s8  }
0x11: {  	[smem:$0x3FB3] =	sst s9;
	s0 =	simm.s32 @!p0 $0x0  }
0x12: {  	s1 =	sld [smem:$0x3F99];
	s0 =	simm.s32 @p0 $0x1  }
0x13: {  	[smem:$0x3FB4] =	sst s0;
	s0 =	simm.s32 @!p1 $0x0  }
0x14: {  	s2 =	sld [smem:$0x3F98];
	s0 =	simm.s32 @p1 $0x1  }
0x15: {  	[smem:$0x3FB5] =	sst s0;
	s0 =	simm.s32 @!p2 $0x0  }
0x16: {  	s3 =	sld [smem:$0x3FDB];
	s0 =	simm.s32 @p2 $0x1  }
0x17: {  	s4 =	simm.s32 $0x1BF5;
	[smem:$0x3FB7] =	sst s0  }
0x18: {  	s0 =	sld [smem:$0x3F9A];
	_ =	swait.ge [sflag:s4], $0x0  }
0x19: {  	s7 =	sld [smem:$0x3F9B]  }
0x1a: {  	s8 =	sadd.s32 $0xFFFFE003, lr  }
0x1b: {  	s9 =	sadd.s32 $0xFFFFFEF7, lr;
	s5 =	simm.s32 $0xFFFFFFFF;
	p2 =	slt.u32 s8, $0xFFFFF086  }
0x1c: {  	p1 =	slt.u32 s9, $0xF7A;
	s5 =	simm.s32 @!p2 $0x0  }
0x1d: {  	s5 =	simm.s32 @p1 $0x1;
	p0 =	seq.s32 s7, s2  }
0x1e: {  	s7 =	smul.u32 @!p0 $0xF7A, s2;
	p2 =	seq.s32 @!p0 s5, $0x0  }
0x1f: {  	s9 =	smul.u32 $0xF7A, s1;
	s8 =	simm.s32 @!p0 $0x1BF5;
	p2 =	por !p2, p0  }
0x20: {  	[sflag:s8] =	ssyncset.s32 @!p0 $0xFFFFF086;
	s6 =	sadd.s32 @!p0 s3, s7;
	s7 =	simm.s32 @!p0 $0x108  }
0x21: {  	s3 =	sadd.s32 s3, s9;
	s6 =	sadd.s32 @!p0 $0x88, s6;
	s7 =	simm.s32 @p2 $0x1082  }
0x22: {  	[simem:s7], [sflag:s8] =	dma.local @!p0 [hbm:s6], $0xF7A  }
0x23: {  	s9 =	sor.u32 $0xD0000000, s2;
	s6 =	simm.s32 $0x108;
	_ =	swait.ge @!p0 [sflag:s8], $0x0  }
0x24: {  	s3 =	sadd.s32 $0x88, s3;
	s6 =	simm.s32 @!p1 $0x1082;
	[sflag:s4] =	ssyncset.s32 $0xFFFFF086  }
0x25: {  	[simem:s6], [sflag:s4] =	dma.local [hbm:s3], $0xF7A  }
0x26: {  	[smem:$0x3F9B] =	sst s1;
	(tag) =	ssettag s2;
	_ =	strace s9  }
0x27: {  	s1 =	sld [smem:$0x3FAB]  }
0x28: {  	s2 =	sld [smem:$0x3FAC]  }
0x29: {  	s4 =	sld [smem:$0x3FAE]  }
0x2a: {  	p0 =	seq.s32 s5, $0x0;
	s5 =	sld [smem:$0x3FAF]  }
0x2b: {  	s6 =	sld [smem:$0x3FB0]  }
0x2c: {  	s7 =	sld [smem:$0x3FB1]  }
0x2d: {  	s3 =	simm.s32 $0x108;
	s8 =	sld [smem:$0x3FB2]  }
0x2e: {  	s3 =	simm.s32 @!p0 $0x1082;
	s9 =	sld [smem:$0x3FB3]  }
0x2f: {  	lr =	sadd.s32 s0, s3;
	s0 =	sld [smem:$0x3FAA]  }
0x30: {  	s3 =	sld [smem:$0x3FAD]  }
0x31: {  	[smem:$0x3FB6] =	sst s10  }
0x32: {  	s10 =	sld [smem:$0x3FB4];
	_ =	sdelay $0x3  }
0x33: {  	p0 =	seq.s32 s10, $0x1;
	s10 =	sld [smem:$0x3FB6];
	_ =	sdelay $0x3  }
0x34: {  	[smem:$0x3FB6] =	sst s10  }
0x35: {  	s10 =	sld [smem:$0x3FB5];
	_ =	sdelay $0x3  }
0x36: {  	p1 =	seq.s32 s10, $0x1;
	s10 =	sld [smem:$0x3FB6];
	_ =	sdelay $0x3  }
0x37: {  	[smem:$0x3FB6] =	sst s10  }
0x38: {  	s10 =	sld [smem:$0x3FB7]  }
0x39: {  	_ = 	snop;
	(pc) =	sbr.ind lr, $3  }
0x3a: {  	_ = 	snop  }
0x3b: {  	_ = 	snop  }
0x3c: {  	p2 =	seq.s32 s10, $0x1;
	s10 =	sld [smem:$0x3FB6]  }
0x3d: {  	_ =	shalt  }
0x3e: {  	_ =	shalt  }
0x3f: {  	_ =	shalt  }
0x40: {  	_ =	shalt  }
0x41: {  	_ =	shalt  }
0x42: {  	_ =	shalt  }
0x43: {  	_ =	shalt  }
0x44: {  	_ =	shalt  }
0x45: {  	_ =	shalt  }
0x46: {  	_ =	shalt  }
0x47: {  	_ =	shalt  }
0x48: {  	_ =	shalt  }
0x49: {  	_ =	shalt  }
0x4a: {  	_ =	shalt  }
0x4b: {  	_ =	shalt  }
0x4c: {  	_ =	shalt  }
0x4d: {  	_ =	shalt  }
0x4e: {  	_ =	shalt  }
0x4f: {  	_ =	shalt  }
0x50: {  	_ =	shalt  }
0x51: {  	_ =	shalt  }
0x52: {  	_ =	shalt  }
0x53: {  	_ =	shalt  }
0x54: {  	_ =	shalt  }
0x55: {  	_ =	shalt  }
0x56: {  	_ =	shalt  }
0x57: {  	_ =	shalt  }
0x58: {  	_ =	shalt  }
0x59: {  	_ =	shalt  }
0x5a: {  	_ =	shalt  }
0x5b: {  	_ =	shalt  }
0x5c: {  	_ =	shalt  }
0x5d: {  	_ =	shalt  }
0x5e: {  	_ =	shalt  }
0x5f: {  	_ =	shalt  }
0x60: {  	_ =	shalt  }
0x61: {  	_ =	shalt  }
0x62: {  	_ =	shalt  }
0x63: {  	_ =	shalt  }
0x64: {  	_ =	shalt  }
0x65: {  	_ =	shalt  }
0x66: {  	_ =	shalt  }
0x67: {  	_ =	shalt  }
0x68: {  	_ =	shalt  }
0x69: {  	_ =	shalt  }
0x6a: {  	_ =	shalt  }
0x6b: {  	_ =	shalt  }
0x6c: {  	_ =	shalt  }
0x6d: {  	_ =	shalt  }
0x6e: {  	_ =	shalt  }
0x6f: {  	_ =	shalt  }
0x70: {  	_ =	shalt  }
0x71: {  	_ =	shalt  }
0x72: {  	_ =	shalt  }
0x73: {  	_ =	shalt  }
0x74: {  	_ =	shalt  }
0x75: {  	_ =	shalt  }
0x76: {  	_ =	shalt  }
0x77: {  	_ =	shalt  }
0x78: {  	_ =	shalt  }
0x79: {  	_ =	shalt  }
0x7a: {  	_ =	shalt  }
0x7b: {  	_ =	shalt  }
0x7c: {  	_ =	shalt  }
0x7d: {  	_ =	shalt  }
0x7e: {  	_ =	shalt  }
0x7f: {  	_ =	shalt  }
0x80: {  	_ =	shalt  }
0x81: {  	_ =	shalt  }
0x82: {  	_ =	shalt  }
0x83: {  	_ =	shalt  }
0x84: {  	_ =	shalt  }
0x85: {  	_ =	shalt  }
0x86: {  	_ =	shalt  }
0x87: {  	_ =	shalt  }
.Lfunc_end0:
.L_simem_size_0:
called_computation.1_lowered:
.L_overlay_start_0:
0x88: {  	s2 =	sld [smem:$0x3FD9]  }
0x89: {  	s3 =	sld [smem:$0x3FFE];
	_ =	sdelay $0x1  }
0x8a: {  	s1 =	srdreg.scid  }
0x8b: {  	s0 =	sand.u32 $0x1, s1  }
0x8c: {  	s17 =	sshll.u32 s0, $0xA;
	s2 =	sadd.s32 s3, s2  }
0x8d: {  	s2 =	sadd.s32 s2, s17  }
0x8e: {  	[smem:$0x3FC2] =	sst s2  }
0x8f: {  	_ = 	snop  }
0x90: {  	s2 =	sld [smem:$0x3FD0];
	(tm) =	ssettm $0x1  }
0x91: {  	s18 =	sld [smem:$0x3FFB];
	_ =	sdelay $0x3  }
0x92: {  	_ =	strace s18  }
0x93: {  	s3 =	sld [smem:$0x3FFC];
	_ =	sdelay $0x3  }
0x94: {  	_ =	strace s3  }
0x95: {  	s3 =	sld [smem:$0x3FFD];
	_ =	sdelay $0x3  }
0x96: {  	_ =	strace s3  }
0x97: {  	_ =	strace $0x8FFFFFFF  }
0x98: {  	s19 =	sld [smem:$0x3FDB];
	_ =	sdelay $0x1  }
0x99: {  	s4 =	simm.s32 $_scs_section_size  }
0x9a: {  	s5 =	simm.s32 $_size__tile_overlayer_lowered;
	s6 =	simm.s32 $_tile_overlayer_lowered  }
0x9b: {  	s22 =	simm.s32 $0x1BFF;
	s21 =	sshll.u32 s6, $0x1;
	s3 =	sadd.s32 s4, s19  }
0x9c: {  	s7 =	simm.s32 $0x0;
	s20 =	sshll.u32 s5, $0x1;
	s5 =	sadd.s32 s21, s3  }
0x9d: {  	[timem:s7], [sflag:s22] =	dma.local [hbm:s5], s20  }
0x9e: {  	_ =	swait.ge [sflag:s22], s20  }
0x9f: {  	s4 =	ssub.s32 $0x0, s20;
	[sflag:s22] =	ssyncset.done $0x0  }
0xa0: {  	[sflag:s22] =	ssyncadd.s32 s4;
	_ =	sdelay $0x1  }
0xa1: {  	s23 =	simm.s32 $0x1B8B  }
0xa2: {  	_ =	swait.ge [sflag:s23], $0x1  }
0xa3: {  	[sflag:s23] =	ssyncset.done $0x0  }
0xa4: {  	s25 =	simm.s32 $0x1B8E;
	s24 =	sld [smem:$0x3FFE];
	[sflag:s23] =	ssyncadd.s32 $0xFFFFFFFF  }
0xa5: {  	s26 =	simm.s32 $execute0_lowered;
	[smem:$0x3FD2] =	sst s25  }
0xa6: {  	s5 =	sshll.u32 s26, $0x1;
	_ =	strace $0x80000049;
	[dreg:$0x1] =	wrdreg $0xFFFFFFFF  }
0xa7: {  	s28 =	simm.s32 $_size_execute0_lowered;
	s3 =	sadd.s32 s3, s5;
	[dreg:$0x0] =	wrdreg $0x0  }
0xa8: {  	s5 =	sshll.u32 s28, $0x1;
	[dreg:$0x2] =	wrdreg s3  }
0xa9: {  	[dreg:$0x3] =	wrdreg s5  }
0xaa: {  	[dreg:$0x4] =	wrdreg $0xC0  }
0xab: {  	_ =	task [dreg:s7], $0x5FFFF  }
0xac: {  	[dreg:$0x1] =	wrdreg $0xFFFFFFFF  }
0xad: {  	[dreg:$0x0] =	wrdreg $0x60  }
0xae: {  	[dreg:$0x2] =	wrdreg s24  }
0xaf: {  	[dreg:$0x3] =	wrdreg s2  }
0xb0: {  	[dreg:$0x4] =	wrdreg $0x9F000  }
0xb1: {  	[dreg:$0x5] =	wrdreg $0x9  }
0xb2: {  	_ =	task.clear_ibuf [dreg:s7], $0x6FFFF;
	_ =	strace $0x90000049  }
0xb3: {  	s29 =	simm.s32 $0x9;
	_ =	strace $0x8000004B  }
0xb4: {  	_ =	swait.ge [sflag:s29], $0x1  }
0xb5: {  	[sflag:s29] =	ssyncadd.s32 $0xFFFFFFFF  }
0xb6: {  	_ =	strace $0x9000004B  }
0xb7: {  	_ =	sfence  }
0xb8: {  	s30 =	sld [smem:$0x0];
	_ =	sdelay $0x2  }
0xb9: {  	s31 =	sshll.u32 s1, $0xD;
	s1 =	sshrl.u32 s1, $0x2  }
0xba: {  	s3 =	sand.u32 $0x4000, s31;
	s1 =	sadd.s32 s1, s30  }
0xbb: {  	s0 =	sor.u32 s3, s0;
	s1 =	sshll.u32 s1, $0x11  }
0xbc: {  	s0 =	sor.u32 s1, s0  }
0xbd: {  	s0 =	sadd.s32 $0x8F2B, s0  }
0xbe: {  	[sflag:s0] =	ssyncadd.remote.s32 $0x1  }
0xbf: {  	_ =	sfence.sel $0xFFFF  }
0xc0: {  	[dreg:$0x0] =	wrdreg $0xFFFFFFFF;
	(pc) =	sbr.abs _section_cstart, $3  }
0xc1: {  	[dreg:$0x1] =	wrdreg $0xFFFFFFFF  }
0xc2: {  	_ =	task.clear_ibuf [dreg:s7], $0x2FFFF;
	_ =	strace $0x9FFFFFFF  }
0xc3: {  	(tm) =	ssettm $0x7FFFFFFF  }
tec
execute0_lowered:
.L_overlay_start_1:
0x0: {  	(tag) =	ssettag $0x1  }
0x1: {  	s6 =	rddreg [dreg:$0x0]  }
0x2: {  	s2 =	rddreg [dreg:$0x1]  }
0x3: {  	s0 =	srdreg.scid;
	s3 =	rddreg [dreg:$0x2];
	s4 =	simm.s32 $0x0  }
0x4: {  	s17 =	simm.s32 $0x4F00;
	s18 =	simm.s32 $0x7700;
	s19 =	simm.s32 $0x1  }
0x5: {  	s20 =	simm.s32 $0x4;
	s21 =	simm.s32 $0x2;
	s22 =	simm.s32 $0x4DA0  }
0x6: {  	s23 =	simm.s32 $0x26C0;
	s7 =	sand.u32 $0x1, s0;
	s0 =	stileid.u32  }
0x7: {  	s24 =	simm.s32 $0x4DF0;
	s25 =	simm.s32 $0x4E40;
	s10 =	smul.u32 $0x50000, s0  }
0x8: {  	s26 =	simm.s32 $0x0;
	[smem:$0x7FF] =	sst s4;
	s12 =	smul.u32 $0x27100, s7  }
0x9: {  	s13 =	sadd.s32 $0x18A00, s6;
	s16 =	sadd.s32 $0x12C000, s3;
	s28 =	smul.u32 $0x138800, s7  }
0xa: {  	s1 =	sshll.u32 s7, $0x4;
	s9 =	ssub.s32 $0x2, s7;
	s14 =	smul.u32 $0x2800, s0  }
0xb: {  	p0 =	seq.s32 s0, $0xF;
	s5 =	sor.u32 s0, s1;
	s1 =	rddreg [dreg:$0x3]  }
0xc: {  	_ =	strace $0x8000004A;
	s11 =	sshrl.u32 s9, $0x1;
	s5 =	smul.u32 $0x2710, s5  }
0xd: {  	s11 =	ssub.s32 s9, s11;
	s10 =	sshrl.u32 s10, $0x2;
	s29 =	sshrl.u32 s28, $0x3  }
0xe: {  	s30 =	sadd.s32 s14, s12;
	s14 =	sshll.u32 @!p0 s0, $0x6;
	s12 =	simm.s32 $0x2780  }
0xf: {  	s15 =	sadd.s32 s10, s3;
	s31 =	sadd.s32 s13, s29;
	s10 =	smax.u32 s11, $0x1  }
0x10: {  	s11 =	simm.s32 $0x3;
	s14 =	sor.u32 @!p0 $0x1C04, s14;
	s5 =	sshrl.u32 s5, $0x3  }
0x11: {  	s9 =	sadd.s32 $0x25800, s31;
	s15 =	sshrl.u32 @!p0 s15, $0x3;
	s8 =	sadd.s32 s5, s6  }
0x12: {  	s5 =	sadd.s32 $0x16200, s6;
	s6 =	sadd.s32 $0x2800, s8;
	s7 =	sadd.s32 $0xC440, s8  }
0x13: {  	s8 =	sadd.s32 s13, s30;
	s13 =	sshrl.u32 @p0 s16, $0x3;
	s16 =	simm.s32 $0x50  }
.LBB2_1:
0x14: {  	[tilespmem:s4], [sflag:$0x3] =	stream.linear.gather [hbm4b:s6+s4], $0x2710, $0x38;
	[tilespmem:$0x1D780] =	vst v63  }
0x15: {  	_ =	swait.ge [sflag:s11], $0x2710  }
0x16: {  	[sflag:s11] =	ssyncset.done $0x0  }
0x17: {  	s28 =	simm.s32 @p0 $0x1FC4;
	[sflag:s11] =	ssyncadd.s32 $0xFFFFD8F0  }
0x18: {  	[tilespmem:s12], [sflag:$0x3] =	stream.linear.gather [hbm4b:s7+s4], $0x2710, $0x38;
	[tilespmem:$0x1D780] =	vst v63  }
0x19: {  	[spmem:s13], [sflag:s28] =	dma.local @p0 [hbm:s5], $0x1900  }
0x1a: {  	s28 =	simm.s32 @p0 $0x4  }
0x1b: {  	_ =	swait.ge @p0 [sflag:s28], $0x1900  }
0x1c: {  	[sflag:s28] =	ssyncset.done @p0 $0x0  }
0x1d: {  	[sflag:s28] =	ssyncadd.s32 @p0 $0xFFFFE700;
	s28 =	simm.s32 @!p0 $0x4  }
0x1e: {  	[spmem:s15], [sflag:s14] =	dma.local @!p0 [hbm:s5], $0x2800  }
0x1f: {  	_ =	swait.ge @!p0 [sflag:s28], $0x2800  }
0x20: {  	[sflag:s28] =	ssyncset.done @!p0 $0x0  }
0x21: {  	[sflag:s28] =	ssyncadd.s32 @!p0 $0xFFFFD800  }
0x22: {  	_ =	swait.ge [sflag:s11], $0x2710  }
0x23: {  	[sflag:s11] =	ssyncset.done $0x0  }
0x24: {  	[sflag:s11] =	ssyncadd.s32 $0xFFFFD8F0  }
0x25: {  	[bflag:$0x0] =	sbarrier.arrive $0xFFFF  }
0x26: {  	[tilespmem:s17], [sflag:$0x1] =	stream.indirect.gather [hbm4b:s2+s16], $0x80, s4, s16, $0xb8;
	[tilespmem:$0x1D780] =	vst v63  }
0x27: {  	_ = 	snop  }
0x28: {  	[tilespmem:s18], [sflag:$0x2] =	stream.indirect.gather [hbm4b:s2+s16], $0x80, s16, s16, $0xb8;
	[tilespmem:$0x1D780] =	vst v63  }
0x29: {  	_ =	swait.ge [sflag:s19], $0x2800  }
0x2a: {  	[sflag:s19] =	ssyncset.done $0x0  }
0x2b: {  	s28 =	simm.s32 $0x2780;
	[sflag:s19] =	ssyncadd.s32 $0xFFFFD800  }
0x2c: {  	[spmem:s3] =	stream.indirect.scatter.add.f32 [tilespmem:s17], [sflag:$0x4], $0x80, s28, s16, $0xb8;
	[tilespmem:$0x1D780] =	vst v63  }
0x2d: {  	_ =	swait.ge [sflag:s20], $0x2800  }
0x2e: {  	[sflag:s20] =	ssyncset.done $0x0  }
0x2f: {  	s28 =	simm.s32 $0xA0;
	[sflag:s20] =	ssyncadd.s32 $0xFFFFD800  }
0x30: {  	[tilespmem:s17], [sflag:$0x1] =	stream.indirect.gather [hbm4b:s2+s16], $0x80, s28, s16, $0xb8;
	[tilespmem:$0x1D780] =	vst v63  }
0x31: {  	_ =	swait.ge [sflag:s21], $0x2800  }
0x32: {  	[sflag:s21] =	ssyncset.done $0x0  }
0x33: {  	s28 =	simm.s32 $0x27D0;
	[sflag:s21] =	ssyncadd.s32 $0xFFFFD800  }
0x34: {  	[spmem:s3] =	stream.indirect.scatter.add.f32 [tilespmem:s18], [sflag:$0x4], $0x80, s28, s16, $0xb8;
	[tilespmem:$0x1D780] =	vst v63  }
0x35: {  	_ =	swait.ge [sflag:s20], $0x2800  }
0x36: {  	[sflag:s20] =	ssyncset.done $0x0  }
0x37: {  	s29 =	simm.s32 $0xF0;
	s28 =	simm.s32 $0x280;
	[sflag:s20] =	ssyncadd.s32 $0xFFFFD800  }
.LBB2_2:
0x38: {  	[tilespmem:s18], [sflag:$0x2] =	stream.indirect.gather [hbm4b:s2+s16], $0x80, s29, s16, $0xb8;
	[tilespmem:$0x1D780] =	vst v63  }
0x39: {  	s29 =	smov.u32 s28  }
0x3a: {  	p1 =	sne.s32 s28, $0x9600;
	s28 =	sadd.s32 $0x280, s28;
	_ =	swait.ge [sflag:s19], $0x2800  }
0x3b: {  	s29 =	sshra.s32 s29, $0x2;
	[sflag:s19] =	ssyncset.done $0x0  }
0x3c: {  	s30 =	sadd.s32 $0x2780, s29;
	[sflag:s19] =	ssyncadd.s32 $0xFFFFD800  }
0x3d: {  	[spmem:s3] =	stream.indirect.scatter.add.f32 [tilespmem:s17], [sflag:$0x4], $0x80, s30, s16, $0xb8;
	[tilespmem:$0x1D780] =	vst v63  }
0x3e: {  	_ =	swait.ge [sflag:s20], $0x2800  }
0x3f: {  	[sflag:s20] =	ssyncset.done $0x0  }
0x40: {  	s30 =	sadd.s32 $0xA0, s29;
	[sflag:s20] =	ssyncadd.s32 $0xFFFFD800  }
0x41: {  	[tilespmem:s17], [sflag:$0x1] =	stream.indirect.gather [hbm4b:s2+s16], $0x80, s30, s16, $0xb8;
	[tilespmem:$0x1D780] =	vst v63  }
0x42: {  	_ =	swait.ge [sflag:s21], $0x2800  }
0x43: {  	[sflag:s21] =	ssyncset.done $0x0  }
.Ltmp0:
0x44: {  	s30 =	sadd.s32 $0x27D0, s29;
	[sflag:s21] =	ssyncadd.s32 $0xFFFFD800;
	(pc) =	sbr.rel @p1 .LBB2_2-.Ltmp0, $4  }
0x45: {  	[spmem:s3] =	stream.indirect.scatter.add.f32 [tilespmem:s18], [sflag:$0x4], $0x80, s30, s16, $0xb8;
	[tilespmem:$0x1D780] =	vst v63  }
0x46: {  	_ =	swait.ge [sflag:s20], $0x2800  }
0x47: {  	[sflag:s20] =	ssyncset.done $0x0  }
0x48: {  	s29 =	sadd.s32 $0xF0, s29;
	[sflag:s20] =	ssyncadd.s32 $0xFFFFD800  }
0x49: {  	[tilespmem:s18], [sflag:$0x2] =	stream.indirect.gather [hbm4b:s2+s16], $0x80, s29, s16, $0xb8;
	[tilespmem:$0x1D780] =	vst v63  }
0x4a: {  	_ =	swait.ge [sflag:s19], $0x2800  }
0x4b: {  	[sflag:s19] =	ssyncset.done $0x0  }
0x4c: {  	[sflag:s19] =	ssyncadd.s32 $0xFFFFD800  }
0x4d: {  	[spmem:s3] =	stream.indirect.scatter.add.f32 [tilespmem:s17], [sflag:$0x4], $0x80, s22, s16, $0xb8;
	[tilespmem:$0x1D780] =	vst v63  }
0x4e: {  	_ =	swait.ge [sflag:s20], $0x2800  }
0x4f: {  	[sflag:s20] =	ssyncset.done $0x0  }
0x50: {  	[sflag:s20] =	ssyncadd.s32 $0xFFFFD800  }
0x51: {  	[tilespmem:s17], [sflag:$0x1] =	stream.indirect.gather [hbm4b:s2+s16], $0x80, s23, s16, $0xb8;
	[tilespmem:$0x1D780] =	vst v63  }
0x52: {  	_ =	swait.ge [sflag:s21], $0x2800  }
0x53: {  	[sflag:s21] =	ssyncset.done $0x0  }
0x54: {  	[sflag:s21] =	ssyncadd.s32 $0xFFFFD800  }
0x55: {  	[spmem:s3] =	stream.indirect.scatter.add.f32 [tilespmem:s18], [sflag:$0x4], $0x80, s24, s16, $0xb8;
	[tilespmem:$0x1D780] =	vst v63  }
0x56: {  	_ =	swait.ge [sflag:s20], $0x2800  }
0x57: {  	[sflag:s20] =	ssyncset.done $0x0  }
0x58: {  	[sflag:s20] =	ssyncadd.s32 $0xFFFFD800  }
0x59: {  	[tilespmem:s18], [sflag:$0x2] =	stream.indirect.gather [hbm4b:s2+s16], $0x80, s23, s16, $0xb8;
	[tilespmem:$0x1D780] =	vst v63  }
0x5a: {  	_ =	swait.ge [sflag:s19], $0x2800  }
0x5b: {  	[sflag:s19] =	ssyncset.done $0x0  }
0x5c: {  	[sflag:s19] =	ssyncadd.s32 $0xFFFFD800  }
0x5d: {  	[spmem:s3] =	stream.indirect.scatter.add.f32 [tilespmem:s17], [sflag:$0x4], $0x80, s25, s16, $0xb8;
	[tilespmem:$0x1D780] =	vst v63  }
0x5e: {  	_ =	swait.ge [sflag:s20], $0x2800  }
0x5f: {  	[sflag:s20] =	ssyncset.done $0x0  }
0x60: {  	[sflag:s20] =	ssyncadd.s32 $0xFFFFD800  }
0x61: {  	_ =	swait.ge [sflag:s21], $0x2800  }
0x62: {  	[sflag:s21] =	ssyncset.done $0x0  }
0x63: {  	[sflag:s21] =	ssyncadd.s32 $0xFFFFD800  }
0x64: {  	s28 =	simm.s32 @p0 $0x1FC4;
	[bflag:$0x0] =	sbarrier.arrive $0xFFFF  }
0x65: {  	[hbm:s9], [sflag:s28] =	dma.local @p0 [spmem:s13], $0x1900  }
0x66: {  	s28 =	simm.s32 @p0 $0x4  }
0x67: {  	s26 =	sadd.s32 $0x1, s26;
	_ =	swait.ge @p0 [sflag:s28], $0x1900  }
0x68: {  	p1 =	sne.s32 s26, s10;
	[sflag:s28] =	ssyncset.done @p0 $0x0  }
.Ltmp1:
0x69: {  	[sflag:s28] =	ssyncadd.s32 @p0 $0xFFFFE700;
	s28 =	simm.s32 @!p0 $0x4;
	(pc) =	sbr.rel @p1 .LBB2_1-.Ltmp1, $4  }
0x6a: {  	[hbm:s8], [sflag:s14] =	dma.local @!p0 [spmem:s15], $0x2800  }
0x6b: {  	_ =	swait.ge @!p0 [sflag:s28], $0x2800  }
0x6c: {  	[sflag:s28] =	ssyncset.done @!p0 $0x0  }
0x6d: {  	[sflag:s28] =	ssyncadd.s32 @!p0 $0xFFFFD800  }
0x6e: {  	_ =	sfence.sel $0x180000  }
0x6f: {  	[bflag:$0x0] =	sbarrier.arrive $0xFFFF  }
0x70: {  	p0 =	sne.s32 s0, $0x0;
	_ =	strace $0x9000004A  }
0x71: {  	s0 =	sadd.s32 @!p0 $0x100000, s1;
	[bflag:$0x2] =	sbarrier.arrive $0xFFFF  }
0x72: {  	[sflag:s0] =	ssyncadd.tile.s32 @!p0 $0x1;
	_ =	shalt  }
.Lfunc_end2:
_tile_overlayer_lowered:
.L_overlay_start_2:
0x73: {  	(tag) =	ssettag $0x2  }
0x74: {  	s0 =	rddreg [dreg:$0x0];
	s2 =	stileid.u32  }
0x75: {  	s1 =	rddreg [dreg:$0x1];
	p0 =	sne.s32 s2, $0x0  }
0x76: {  	s3 =	rddreg [dreg:$0x2];
	[bflag:$0x3] =	sbarrier.arrive $0xFFFF;
	s2 =	simm.s32 @!p0 $0x1C04  }
0x77: {  	[timem:s3], [sflag:s2] =	dma.local @!p0 [hbm:s0], s1  }
0x78: {  	s0 =	simm.s32 @!p0 $0x4  }
0x79: {  	_ =	swait.ge @!p0 [sflag:s0], s1  }
0x7a: {  	s1 =	ssub.s32 @!p0 $0x0, s1;
	[sflag:s0] =	ssyncset.done @!p0 $0x0  }
0x7b: {  	[sflag:s0] =	ssyncadd.s32 @!p0 s1  }
0x7c: {  	[bflag:$0x3] =	sbarrier.arrive $0xFFFF  }
0x7d: {  	_ =	shalt  }

// kernel: kernel.14.cloned.1.call-start
scs
__scs_entry_jumppad:
0x0: {  	(pc) =	sbr.rel $0x88, $3  }
0x1: {  	(tag) =	ssettag $0x0;
	lr =	simm.s32 $0x1  }
0x2: {  	[smem:$0x3F9B] =	sst lr;
	_ =	strace $0xD0000000  }
0x3: {  	_ = 	snop  }
0x4: {  	_ = 	snop  }
0x5: {  	_ = 	snop  }
0x6: {  	_ = 	snop  }
0x7: {  	_ = 	snop  }
__scs_overlays_trampoline_lowered:
0x8: {  	[smem:$0x3FAA] =	sst s0  }
0x9: {  	[smem:$0x3FAB] =	sst s1  }
0xa: {  	[smem:$0x3FAC] =	sst s2  }
0xb: {  	[smem:$0x3FAD] =	sst s3  }
0xc: {  	[smem:$0x3FAE] =	sst s4  }
0xd: {  	[smem:$0x3FAF] =	sst s5  }
0xe: {  	[smem:$0x3FB0] =	sst s6  }
0xf: {  	[smem:$0x3FB1] =	sst s7  }
0x10: {  	[smem:$0x3FB2] =	sst s8  }
0x11: {  	[smem:$0x3FB3] =	sst s9;
	s0 =	simm.s32 @!p0 $0x0  }
0x12: {  	s1 =	sld [smem:$0x3F99];
	s0 =	simm.s32 @p0 $0x1  }
0x13: {  	[smem:$0x3FB4] =	sst s0;
	s0 =	simm.s32 @!p1 $0x0  }
0x14: {  	s2 =	sld [smem:$0x3F98];
	s0 =	simm.s32 @p1 $0x1  }
0x15: {  	[smem:$0x3FB5] =	sst s0;
	s0 =	simm.s32 @!p2 $0x0  }
0x16: {  	s3 =	sld [smem:$0x3FDB];
	s0 =	simm.s32 @p2 $0x1  }
0x17: {  	s4 =	simm.s32 $0x1BF5;
	[smem:$0x3FB7] =	sst s0  }
0x18: {  	s0 =	sld [smem:$0x3F9A];
	_ =	swait.ge [sflag:s4], $0x0  }
0x19: {  	s7 =	sld [smem:$0x3F9B]  }
0x1a: {  	s8 =	sadd.s32 $0xFFFFE003, lr  }
0x1b: {  	s9 =	sadd.s32 $0xFFFFFEF7, lr;
	s5 =	simm.s32 $0xFFFFFFFF;
	p2 =	slt.u32 s8, $0xFFFFF086  }
0x1c: {  	p1 =	slt.u32 s9, $0xF7A;
	s5 =	simm.s32 @!p2 $0x0  }
0x1d: {  	s5 =	simm.s32 @p1 $0x1;
	p0 =	seq.s32 s7, s2  }
0x1e: {  	s7 =	smul.u32 @!p0 $0xF7A, s2;
	p2 =	seq.s32 @!p0 s5, $0x0  }
0x1f: {  	s9 =	smul.u32 $0xF7A, s1;
	s8 =	simm.s32 @!p0 $0x1BF5;
	p2 =	por !p2, p0  }
0x20: {  	[sflag:s8] =	ssyncset.s32 @!p0 $0xFFFFF086;
	s6 =	sadd.s32 @!p0 s3, s7;
	s7 =	simm.s32 @!p0 $0x108  }
0x21: {  	s3 =	sadd.s32 s3, s9;
	s6 =	sadd.s32 @!p0 $0x88, s6;
	s7 =	simm.s32 @p2 $0x1082  }
0x22: {  	[simem:s7], [sflag:s8] =	dma.local @!p0 [hbm:s6], $0xF7A  }
0x23: {  	s9 =	sor.u32 $0xD0000000, s2;
	s6 =	simm.s32 $0x108;
	_ =	swait.ge @!p0 [sflag:s8], $0x0  }
0x24: {  	s3 =	sadd.s32 $0x88, s3;
	s6 =	simm.s32 @!p1 $0x1082;
	[sflag:s4] =	ssyncset.s32 $0xFFFFF086  }
0x25: {  	[simem:s6], [sflag:s4] =	dma.local [hbm:s3], $0xF7A  }
0x26: {  	[smem:$0x3F9B] =	sst s1;
	(tag) =	ssettag s2;
	_ =	strace s9  }
0x27: {  	s1 =	sld [smem:$0x3FAB]  }
0x28: {  	s2 =	sld [smem:$0x3FAC]  }
0x29: {  	s4 =	sld [smem:$0x3FAE]  }
0x2a: {  	p0 =	seq.s32 s5, $0x0;
	s5 =	sld [smem:$0x3FAF]  }
0x2b: {  	s6 =	sld [smem:$0x3FB0]  }
0x2c: {  	s7 =	sld [smem:$0x3FB1]  }
0x2d: {  	s3 =	simm.s32 $0x108;
	s8 =	sld [smem:$0x3FB2]  }
0x2e: {  	s3 =	simm.s32 @!p0 $0x1082;
	s9 =	sld [smem:$0x3FB3]  }
0x2f: {  	lr =	sadd.s32 s0, s3;
	s0 =	sld [smem:$0x3FAA]  }
0x30: {  	s3 =	sld [smem:$0x3FAD]  }
0x31: {  	[smem:$0x3FB6] =	sst s10  }
0x32: {  	s10 =	sld [smem:$0x3FB4];
	_ =	sdelay $0x3  }
0x33: {  	p0 =	seq.s32 s10, $0x1;
	s10 =	sld [smem:$0x3FB6];
	_ =	sdelay $0x3  }
0x34: {  	[smem:$0x3FB6] =	sst s10  }
0x35: {  	s10 =	sld [smem:$0x3FB5];
	_ =	sdelay $0x3  }
0x36: {  	p1 =	seq.s32 s10, $0x1;
	s10 =	sld [smem:$0x3FB6];
	_ =	sdelay $0x3  }
0x37: {  	[smem:$0x3FB6] =	sst s10  }
0x38: {  	s10 =	sld [smem:$0x3FB7]  }
0x39: {  	_ = 	snop;
	(pc) =	sbr.ind lr, $3  }
0x3a: {  	_ = 	snop  }
0x3b: {  	_ = 	snop  }
0x3c: {  	p2 =	seq.s32 s10, $0x1;
	s10 =	sld [smem:$0x3FB6]  }
0x3d: {  	_ =	shalt  }
0x3e: {  	_ =	shalt  }
0x3f: {  	_ =	shalt  }
0x40: {  	_ =	shalt  }
0x41: {  	_ =	shalt  }
0x42: {  	_ =	shalt  }
0x43: {  	_ =	shalt  }
0x44: {  	_ =	shalt  }
0x45: {  	_ =	shalt  }
0x46: {  	_ =	shalt  }
0x47: {  	_ =	shalt  }
0x48: {  	_ =	shalt  }
0x49: {  	_ =	shalt  }
0x4a: {  	_ =	shalt  }
0x4b: {  	_ =	shalt  }
0x4c: {  	_ =	shalt  }
0x4d: {  	_ =	shalt  }
0x4e: {  	_ =	shalt  }
0x4f: {  	_ =	shalt  }
0x50: {  	_ =	shalt  }
0x51: {  	_ =	shalt  }
0x52: {  	_ =	shalt  }
0x53: {  	_ =	shalt  }
0x54: {  	_ =	shalt  }
0x55: {  	_ =	shalt  }
0x56: {  	_ =	shalt  }
0x57: {  	_ =	shalt  }
0x58: {  	_ =	shalt  }
0x59: {  	_ =	shalt  }
0x5a: {  	_ =	shalt  }
0x5b: {  	_ =	shalt  }
0x5c: {  	_ =	shalt  }
0x5d: {  	_ =	shalt  }
0x5e: {  	_ =	shalt  }
0x5f: {  	_ =	shalt  }
0x60: {  	_ =	shalt  }
0x61: {  	_ =	shalt  }
0x62: {  	_ =	shalt  }
0x63: {  	_ =	shalt  }
0x64: {  	_ =	shalt  }
0x65: {  	_ =	shalt  }
0x66: {  	_ =	shalt  }
0x67: {  	_ =	shalt  }
0x68: {  	_ =	shalt  }
0x69: {  	_ =	shalt  }
0x6a: {  	_ =	shalt  }
0x6b: {  	_ =	shalt  }
0x6c: {  	_ =	shalt  }
0x6d: {  	_ =	shalt  }
0x6e: {  	_ =	shalt  }
0x6f: {  	_ =	shalt  }
0x70: {  	_ =	shalt  }
0x71: {  	_ =	shalt  }
0x72: {  	_ =	shalt  }
0x73: {  	_ =	shalt  }
0x74: {  	_ =	shalt  }
0x75: {  	_ =	shalt  }
0x76: {  	_ =	shalt  }
0x77: {  	_ =	shalt  }
0x78: {  	_ =	shalt  }
0x79: {  	_ =	shalt  }
0x7a: {  	_ =	shalt  }
0x7b: {  	_ =	shalt  }
0x7c: {  	_ =	shalt  }
0x7d: {  	_ =	shalt  }
0x7e: {  	_ =	shalt  }
0x7f: {  	_ =	shalt  }
0x80: {  	_ =	shalt  }
0x81: {  	_ =	shalt  }
0x82: {  	_ =	shalt  }
0x83: {  	_ =	shalt  }
0x84: {  	_ =	shalt  }
0x85: {  	_ =	shalt  }
0x86: {  	_ =	shalt  }
0x87: {  	_ =	shalt  }
.Lfunc_end0:
.L_simem_size_0:
called_computation.2_lowered:
.L_overlay_start_0:
0x88: {  	s2 =	sld [smem:$0x3FD9]  }
0x89: {  	s3 =	sld [smem:$0x3FFE];
	_ =	sdelay $0x1  }
0x8a: {  	s1 =	srdreg.scid  }
0x8b: {  	s0 =	sand.u32 $0x1, s1  }
0x8c: {  	s17 =	sshll.u32 s0, $0xA;
	s2 =	sadd.s32 s3, s2  }
0x8d: {  	s2 =	sadd.s32 s2, s17  }
0x8e: {  	[smem:$0x3FC2] =	sst s2  }
0x8f: {  	_ = 	snop  }
0x90: {  	s2 =	sld [smem:$0x3FD0];
	(tm) =	ssettm $0x1  }
0x91: {  	s18 =	sld [smem:$0x3FFB];
	_ =	sdelay $0x3  }
0x92: {  	_ =	strace s18  }
0x93: {  	s3 =	sld [smem:$0x3FFC];
	_ =	sdelay $0x3  }
0x94: {  	_ =	strace s3  }
0x95: {  	s3 =	sld [smem:$0x3FFD];
	_ =	sdelay $0x3  }
0x96: {  	_ =	strace s3  }
0x97: {  	_ =	strace $0x8FFFFFFF  }
0x98: {  	s19 =	sld [smem:$0x3FDB];
	_ =	sdelay $0x1  }
0x99: {  	s4 =	simm.s32 $_scs_section_size  }
0x9a: {  	s5 =	simm.s32 $_size__tile_overlayer_lowered;
	s6 =	simm.s32 $_tile_overlayer_lowered  }
0x9b: {  	s22 =	simm.s32 $0x1BFF;
	s21 =	sshll.u32 s6, $0x1;
	s3 =	sadd.s32 s4, s19  }
0x9c: {  	s7 =	simm.s32 $0x0;
	s20 =	sshll.u32 s5, $0x1;
	s5 =	sadd.s32 s21, s3  }
0x9d: {  	[timem:s7], [sflag:s22] =	dma.local [hbm:s5], s20  }
0x9e: {  	_ =	swait.ge [sflag:s22], s20  }
0x9f: {  	s4 =	ssub.s32 $0x0, s20;
	[sflag:s22] =	ssyncset.done $0x0  }
0xa0: {  	[sflag:s22] =	ssyncadd.s32 s4;
	_ =	sdelay $0x1  }
0xa1: {  	s23 =	simm.s32 $0x1B8B  }
0xa2: {  	_ =	swait.ge [sflag:s23], $0x1  }
0xa3: {  	[sflag:s23] =	ssyncset.done $0x0  }
0xa4: {  	s25 =	simm.s32 $0x1B8E;
	s24 =	sld [smem:$0x3FFE];
	[sflag:s23] =	ssyncadd.s32 $0xFFFFFFFF  }
0xa5: {  	s26 =	simm.s32 $execute0_lowered;
	[smem:$0x3FD2] =	sst s25  }
0xa6: {  	s5 =	sshll.u32 s26, $0x1;
	_ =	strace $0x8000004C;
	[dreg:$0x1] =	wrdreg $0xFFFFFFFF  }
0xa7: {  	s28 =	simm.s32 $_size_execute0_lowered;
	s3 =	sadd.s32 s3, s5;
	[dreg:$0x0] =	wrdreg $0x0  }
0xa8: {  	s5 =	sshll.u32 s28, $0x1;
	[dreg:$0x2] =	wrdreg s3  }
0xa9: {  	[dreg:$0x3] =	wrdreg s5  }
0xaa: {  	[dreg:$0x4] =	wrdreg $0xC0  }
0xab: {  	_ =	task [dreg:s7], $0x5FFFF  }
0xac: {  	[dreg:$0x1] =	wrdreg $0xFFFFFFFF  }
0xad: {  	[dreg:$0x0] =	wrdreg $0x60  }
0xae: {  	[dreg:$0x2] =	wrdreg s24  }
0xaf: {  	[dreg:$0x3] =	wrdreg s2  }
0xb0: {  	[dreg:$0x4] =	wrdreg $0x9F000  }
0xb1: {  	[dreg:$0x5] =	wrdreg $0x9  }
0xb2: {  	_ =	task.clear_ibuf [dreg:s7], $0x6FFFF;
	_ =	strace $0x9000004C  }
0xb3: {  	s29 =	simm.s32 $0x9;
	_ =	strace $0x8000004E  }
0xb4: {  	_ =	swait.ge [sflag:s29], $0x1  }
0xb5: {  	[sflag:s29] =	ssyncadd.s32 $0xFFFFFFFF  }
0xb6: {  	_ =	strace $0x9000004E  }
0xb7: {  	_ =	sfence  }
0xb8: {  	s30 =	sld [smem:$0x0];
	_ =	sdelay $0x2  }
0xb9: {  	s31 =	sshll.u32 s1, $0xD;
	s1 =	sshrl.u32 s1, $0x2  }
0xba: {  	s3 =	sand.u32 $0x4000, s31;
	s1 =	sadd.s32 s1, s30  }
0xbb: {  	s0 =	sor.u32 s3, s0;
	s1 =	sshll.u32 s1, $0x11  }
0xbc: {  	s0 =	sor.u32 s1, s0  }
0xbd: {  	s0 =	sadd.s32 $0x8F2B, s0  }
0xbe: {  	[sflag:s0] =	ssyncadd.remote.s32 $0x1  }
0xbf: {  	_ =	sfence.sel $0xFFFF  }
0xc0: {  	[dreg:$0x0] =	wrdreg $0xFFFFFFFF;
	(pc) =	sbr.abs _section_cstart, $3  }
0xc1: {  	[dreg:$0x1] =	wrdreg $0xFFFFFFFF  }
0xc2: {  	_ =	task.clear_ibuf [dreg:s7], $0x2FFFF;
	_ =	strace $0x9FFFFFFF  }
0xc3: {  	(tm) =	ssettm $0x7FFFFFFF  }
tec
execute0_lowered:
.L_overlay_start_1:
0x0: {  	(tag) =	ssettag $0x1  }
0x1: {  	s6 =	rddreg [dreg:$0x0]  }
0x2: {  	s2 =	rddreg [dreg:$0x1]  }
0x3: {  	s0 =	srdreg.scid;
	s3 =	rddreg [dreg:$0x2];
	s4 =	simm.s32 $0x0  }
0x4: {  	s17 =	simm.s32 $0x4F00;
	s18 =	simm.s32 $0x7700;
	s19 =	simm.s32 $0x1  }
0x5: {  	s20 =	simm.s32 $0x4;
	s21 =	simm.s32 $0x2;
	s22 =	simm.s32 $0x4DA0  }
0x6: {  	s23 =	simm.s32 $0x26C0;
	s7 =	sand.u32 $0x1, s0;
	s0 =	stileid.u32  }
0x7: {  	s24 =	simm.s32 $0x4DF0;
	s25 =	simm.s32 $0x4E40;
	s10 =	smul.u32 $0x50000, s0  }
0x8: {  	s26 =	simm.s32 $0x0;
	[smem:$0x7FF] =	sst s4;
	s12 =	smul.u32 $0x27100, s7  }
0x9: {  	s13 =	sadd.s32 $0x18A00, s6;
	s16 =	sadd.s32 $0x12C000, s3;
	s28 =	smul.u32 $0x138800, s7  }
0xa: {  	s1 =	sshll.u32 s7, $0x4;
	s9 =	ssub.s32 $0x2, s7;
	s14 =	smul.u32 $0x2800, s0  }
0xb: {  	p0 =	seq.s32 s0, $0xF;
	s5 =	sor.u32 s0, s1;
	s1 =	rddreg [dreg:$0x3]  }
0xc: {  	_ =	strace $0x8000004D;
	s11 =	sshrl.u32 s9, $0x1;
	s5 =	smul.u32 $0x2710, s5  }
0xd: {  	s11 =	ssub.s32 s9, s11;
	s10 =	sshrl.u32 s10, $0x2;
	s29 =	sshrl.u32 s28, $0x3  }
0xe: {  	s30 =	sadd.s32 s14, s12;
	s14 =	sshll.u32 @!p0 s0, $0x6;
	s12 =	simm.s32 $0x2780  }
0xf: {  	s15 =	sadd.s32 s10, s3;
	s31 =	sadd.s32 s13, s29;
	s10 =	smax.u32 s11, $0x1  }
0x10: {  	s11 =	simm.s32 $0x3;
	s14 =	sor.u32 @!p0 $0x1C04, s14;
	s5 =	sshrl.u32 s5, $0x3  }
0x11: {  	s9 =	sadd.s32 $0x25800, s31;
	s15 =	sshrl.u32 @!p0 s15, $0x3;
	s8 =	sadd.s32 s5, s6  }
0x12: {  	s5 =	sadd.s32 $0x16200, s6;
	s6 =	sadd.s32 $0x2800, s8;
	s7 =	sadd.s32 $0xC440, s8  }
0x13: {  	s8 =	sadd.s32 s13, s30;
	s13 =	sshrl.u32 @p0 s16, $0x3;
	s16 =	simm.s32 $0x50  }
.LBB2_1:
0x14: {  	[tilespmem:s4], [sflag:$0x3] =	stream.linear.gather [hbm4b:s6+s4], $0x2710, $0x38;
	[tilespmem:$0x1D780] =	vst v63  }
0x15: {  	_ =	swait.ge [sflag:s11], $0x2710  }
0x16: {  	[sflag:s11] =	ssyncset.done $0x0  }
0x17: {  	s28 =	simm.s32 @p0 $0x1FC4;
	[sflag:s11] =	ssyncadd.s32 $0xFFFFD8F0  }
0x18: {  	[tilespmem:s12], [sflag:$0x3] =	stream.linear.gather [hbm4b:s7+s4], $0x2710, $0x38;
	[tilespmem:$0x1D780] =	vst v63  }
0x19: {  	[spmem:s13], [sflag:s28] =	dma.local @p0 [hbm:s5], $0x1900  }
0x1a: {  	s28 =	simm.s32 @p0 $0x4  }
0x1b: {  	_ =	swait.ge @p0 [sflag:s28], $0x1900  }
0x1c: {  	[sflag:s28] =	ssyncset.done @p0 $0x0  }
0x1d: {  	[sflag:s28] =	ssyncadd.s32 @p0 $0xFFFFE700;
	s28 =	simm.s32 @!p0 $0x4  }
0x1e: {  	[spmem:s15], [sflag:s14] =	dma.local @!p0 [hbm:s5], $0x2800  }
0x1f: {  	_ =	swait.ge @!p0 [sflag:s28], $0x2800  }
0x20: {  	[sflag:s28] =	ssyncset.done @!p0 $0x0  }
0x21: {  	[sflag:s28] =	ssyncadd.s32 @!p0 $0xFFFFD800  }
0x22: {  	_ =	swait.ge [sflag:s11], $0x2710  }
0x23: {  	[sflag:s11] =	ssyncset.done $0x0  }
0x24: {  	[sflag:s11] =	ssyncadd.s32 $0xFFFFD8F0  }
0x25: {  	[bflag:$0x0] =	sbarrier.arrive $0xFFFF  }
0x26: {  	[tilespmem:s17], [sflag:$0x1] =	stream.indirect.gather [hbm4b:s2+s16], $0x80, s4, s16, $0xb8;
	[tilespmem:$0x1D780] =	vst v63  }
0x27: {  	_ = 	snop  }
0x28: {  	[tilespmem:s18], [sflag:$0x2] =	stream.indirect.gather [hbm4b:s2+s16], $0x80, s16, s16, $0xb8;
	[tilespmem:$0x1D780] =	vst v63  }
0x29: {  	_ =	swait.ge [sflag:s19], $0x2800  }
0x2a: {  	[sflag:s19] =	ssyncset.done $0x0  }
0x2b: {  	s28 =	simm.s32 $0x2780;
	[sflag:s19] =	ssyncadd.s32 $0xFFFFD800  }
0x2c: {  	[spmem:s3] =	stream.indirect.scatter.add.f32 [tilespmem:s17], [sflag:$0x4], $0x80, s28, s16, $0xb8;
	[tilespmem:$0x1D780] =	vst v63  }
0x2d: {  	_ =	swait.ge [sflag:s20], $0x2800  }
0x2e: {  	[sflag:s20] =	ssyncset.done $0x0  }
0x2f: {  	s28 =	simm.s32 $0xA0;
	[sflag:s20] =	ssyncadd.s32 $0xFFFFD800  }
0x30: {  	[tilespmem:s17], [sflag:$0x1] =	stream.indirect.gather [hbm4b:s2+s16], $0x80, s28, s16, $0xb8;
	[tilespmem:$0x1D780] =	vst v63  }
0x31: {  	_ =	swait.ge [sflag:s21], $0x2800  }
0x32: {  	[sflag:s21] =	ssyncset.done $0x0  }
0x33: {  	s28 =	simm.s32 $0x27D0;
	[sflag:s21] =	ssyncadd.s32 $0xFFFFD800  }
0x34: {  	[spmem:s3] =	stream.indirect.scatter.add.f32 [tilespmem:s18], [sflag:$0x4], $0x80, s28, s16, $0xb8;
	[tilespmem:$0x1D780] =	vst v63  }
0x35: {  	_ =	swait.ge [sflag:s20], $0x2800  }
0x36: {  	[sflag:s20] =	ssyncset.done $0x0  }
0x37: {  	s29 =	simm.s32 $0xF0;
	s28 =	simm.s32 $0x280;
	[sflag:s20] =	ssyncadd.s32 $0xFFFFD800  }
.LBB2_2:
0x38: {  	[tilespmem:s18], [sflag:$0x2] =	stream.indirect.gather [hbm4b:s2+s16], $0x80, s29, s16, $0xb8;
	[tilespmem:$0x1D780] =	vst v63  }
0x39: {  	s29 =	smov.u32 s28  }
0x3a: {  	p1 =	sne.s32 s28, $0x9600;
	s28 =	sadd.s32 $0x280, s28;
	_ =	swait.ge [sflag:s19], $0x2800  }
0x3b: {  	s29 =	sshra.s32 s29, $0x2;
	[sflag:s19] =	ssyncset.done $0x0  }
0x3c: {  	s30 =	sadd.s32 $0x2780, s29;
	[sflag:s19] =	ssyncadd.s32 $0xFFFFD800  }
0x3d: {  	[spmem:s3] =	stream.indirect.scatter.add.f32 [tilespmem:s17], [sflag:$0x4], $0x80, s30, s16, $0xb8;
	[tilespmem:$0x1D780] =	vst v63  }
0x3e: {  	_ =	swait.ge [sflag:s20], $0x2800  }
0x3f: {  	[sflag:s20] =	ssyncset.done $0x0  }
0x40: {  	s30 =	sadd.s32 $0xA0, s29;
	[sflag:s20] =	ssyncadd.s32 $0xFFFFD800  }
0x41: {  	[tilespmem:s17], [sflag:$0x1] =	stream.indirect.gather [hbm4b:s2+s16], $0x80, s30, s16, $0xb8;
	[tilespmem:$0x1D780] =	vst v63  }
0x42: {  	_ =	swait.ge [sflag:s21], $0x2800  }
0x43: {  	[sflag:s21] =	ssyncset.done $0x0  }
.Ltmp0:
0x44: {  	s30 =	sadd.s32 $0x27D0, s29;
	[sflag:s21] =	ssyncadd.s32 $0xFFFFD800;
	(pc) =	sbr.rel @p1 .LBB2_2-.Ltmp0, $4  }
0x45: {  	[spmem:s3] =	stream.indirect.scatter.add.f32 [tilespmem:s18], [sflag:$0x4], $0x80, s30, s16, $0xb8;
	[tilespmem:$0x1D780] =	vst v63  }
0x46: {  	_ =	swait.ge [sflag:s20], $0x2800  }
0x47: {  	[sflag:s20] =	ssyncset.done $0x0  }
0x48: {  	s29 =	sadd.s32 $0xF0, s29;
	[sflag:s20] =	ssyncadd.s32 $0xFFFFD800  }
0x49: {  	[tilespmem:s18], [sflag:$0x2] =	stream.indirect.gather [hbm4b:s2+s16], $0x80, s29, s16, $0xb8;
	[tilespmem:$0x1D780] =	vst v63  }
0x4a: {  	_ =	swait.ge [sflag:s19], $0x2800  }
0x4b: {  	[sflag:s19] =	ssyncset.done $0x0  }
0x4c: {  	[sflag:s19] =	ssyncadd.s32 $0xFFFFD800  }
0x4d: {  	[spmem:s3] =	stream.indirect.scatter.add.f32 [tilespmem:s17], [sflag:$0x4], $0x80, s22, s16, $0xb8;
	[tilespmem:$0x1D780] =	vst v63  }
0x4e: {  	_ =	swait.ge [sflag:s20], $0x2800  }
0x4f: {  	[sflag:s20] =	ssyncset.done $0x0  }
0x50: {  	[sflag:s20] =	ssyncadd.s32 $0xFFFFD800  }
0x51: {  	[tilespmem:s17], [sflag:$0x1] =	stream.indirect.gather [hbm4b:s2+s16], $0x80, s23, s16, $0xb8;
	[tilespmem:$0x1D780] =	vst v63  }
0x52: {  	_ =	swait.ge [sflag:s21], $0x2800  }
0x53: {  	[sflag:s21] =	ssyncset.done $0x0  }
0x54: {  	[sflag:s21] =	ssyncadd.s32 $0xFFFFD800  }
0x55: {  	[spmem:s3] =	stream.indirect.scatter.add.f32 [tilespmem:s18], [sflag:$0x4], $0x80, s24, s16, $0xb8;
	[tilespmem:$0x1D780] =	vst v63  }
0x56: {  	_ =	swait.ge [sflag:s20], $0x2800  }
0x57: {  	[sflag:s20] =	ssyncset.done $0x0  }
0x58: {  	[sflag:s20] =	ssyncadd.s32 $0xFFFFD800  }
0x59: {  	[tilespmem:s18], [sflag:$0x2] =	stream.indirect.gather [hbm4b:s2+s16], $0x80, s23, s16, $0xb8;
	[tilespmem:$0x1D780] =	vst v63  }
0x5a: {  	_ =	swait.ge [sflag:s19], $0x2800  }
0x5b: {  	[sflag:s19] =	ssyncset.done $0x0  }
0x5c: {  	[sflag:s19] =	ssyncadd.s32 $0xFFFFD800  }
0x5d: {  	[spmem:s3] =	stream.indirect.scatter.add.f32 [tilespmem:s17], [sflag:$0x4], $0x80, s25, s16, $0xb8;
	[tilespmem:$0x1D780] =	vst v63  }
0x5e: {  	_ =	swait.ge [sflag:s20], $0x2800  }
0x5f: {  	[sflag:s20] =	ssyncset.done $0x0  }
0x60: {  	[sflag:s20] =	ssyncadd.s32 $0xFFFFD800  }
0x61: {  	_ =	swait.ge [sflag:s21], $0x2800  }
0x62: {  	[sflag:s21] =	ssyncset.done $0x0  }
0x63: {  	[sflag:s21] =	ssyncadd.s32 $0xFFFFD800  }
0x64: {  	s28 =	simm.s32 @p0 $0x1FC4;
	[bflag:$0x0] =	sbarrier.arrive $0xFFFF  }
0x65: {  	[hbm:s9], [sflag:s28] =	dma.local @p0 [spmem:s13], $0x1900  }
0x66: {  	s28 =	simm.s32 @p0 $0x4  }
0x67: {  	s26 =	sadd.s32 $0x1, s26;
	_ =	swait.ge @p0 [sflag:s28], $0x1900  }
0x68: {  	p1 =	sne.s32 s26, s10;
	[sflag:s28] =	ssyncset.done @p0 $0x0  }
.Ltmp1:
0x69: {  	[sflag:s28] =	ssyncadd.s32 @p0 $0xFFFFE700;
	s28 =	simm.s32 @!p0 $0x4;
	(pc) =	sbr.rel @p1 .LBB2_1-.Ltmp1, $4  }
0x6a: {  	[hbm:s8], [sflag:s14] =	dma.local @!p0 [spmem:s15], $0x2800  }
0x6b: {  	_ =	swait.ge @!p0 [sflag:s28], $0x2800  }
0x6c: {  	[sflag:s28] =	ssyncset.done @!p0 $0x0  }
0x6d: {  	[sflag:s28] =	ssyncadd.s32 @!p0 $0xFFFFD800  }
0x6e: {  	_ =	sfence.sel $0x180000  }
0x6f: {  	[bflag:$0x0] =	sbarrier.arrive $0xFFFF  }
0x70: {  	p0 =	sne.s32 s0, $0x0;
	_ =	strace $0x9000004D  }
0x71: {  	s0 =	sadd.s32 @!p0 $0x100000, s1;
	[bflag:$0x2] =	sbarrier.arrive $0xFFFF  }
0x72: {  	[sflag:s0] =	ssyncadd.tile.s32 @!p0 $0x1;
	_ =	shalt  }
.Lfunc_end2:
_tile_overlayer_lowered:
.L_overlay_start_2:
0x73: {  	(tag) =	ssettag $0x2  }
0x74: {  	s0 =	rddreg [dreg:$0x0];
	s2 =	stileid.u32  }
0x75: {  	s1 =	rddreg [dreg:$0x1];
	p0 =	sne.s32 s2, $0x0  }
0x76: {  	s3 =	rddreg [dreg:$0x2];
	[bflag:$0x3] =	sbarrier.arrive $0xFFFF;
	s2 =	simm.s32 @!p0 $0x1C04  }
0x77: {  	[timem:s3], [sflag:s2] =	dma.local @!p0 [hbm:s0], s1  }
0x78: {  	s0 =	simm.s32 @!p0 $0x4  }
0x79: {  	_ =	swait.ge @!p0 [sflag:s0], s1  }
0x7a: {  	s1 =	ssub.s32 @!p0 $0x0, s1;
	[sflag:s0] =	ssyncset.done @!p0 $0x0  }
0x7b: {  	[sflag:s0] =	ssyncadd.s32 @!p0 s1  }
0x7c: {  	[bflag:$0x3] =	sbarrier.arrive $0xFFFF  }
0x7d: {  	_ =	shalt  }

// kernel: kernel.8.cloned.1.call-start
scs
__scs_entry_jumppad:
0x0: {  	(pc) =	sbr.rel $0x88, $3  }
0x1: {  	(tag) =	ssettag $0x0;
	lr =	simm.s32 $0x1  }
0x2: {  	[smem:$0x3F9B] =	sst lr;
	_ =	strace $0xD0000000  }
0x3: {  	_ = 	snop  }
0x4: {  	_ = 	snop  }
0x5: {  	_ = 	snop  }
0x6: {  	_ = 	snop  }
0x7: {  	_ = 	snop  }
__scs_overlays_trampoline_lowered:
0x8: {  	[smem:$0x3FAA] =	sst s0  }
0x9: {  	[smem:$0x3FAB] =	sst s1  }
0xa: {  	[smem:$0x3FAC] =	sst s2  }
0xb: {  	[smem:$0x3FAD] =	sst s3  }
0xc: {  	[smem:$0x3FAE] =	sst s4  }
0xd: {  	[smem:$0x3FAF] =	sst s5  }
0xe: {  	[smem:$0x3FB0] =	sst s6  }
0xf: {  	[smem:$0x3FB1] =	sst s7  }
0x10: {  	[smem:$0x3FB2] =	sst s8  }
0x11: {  	[smem:$0x3FB3] =	sst s9;
	s0 =	simm.s32 @!p0 $0x0  }
0x12: {  	s1 =	sld [smem:$0x3F99];
	s0 =	simm.s32 @p0 $0x1  }
0x13: {  	[smem:$0x3FB4] =	sst s0;
	s0 =	simm.s32 @!p1 $0x0  }
0x14: {  	s2 =	sld [smem:$0x3F98];
	s0 =	simm.s32 @p1 $0x1  }
0x15: {  	[smem:$0x3FB5] =	sst s0;
	s0 =	simm.s32 @!p2 $0x0  }
0x16: {  	s3 =	sld [smem:$0x3FDB];
	s0 =	simm.s32 @p2 $0x1  }
0x17: {  	s4 =	simm.s32 $0x1BF5;
	[smem:$0x3FB7] =	sst s0  }
0x18: {  	s0 =	sld [smem:$0x3F9A];
	_ =	swait.ge [sflag:s4], $0x0  }
0x19: {  	s7 =	sld [smem:$0x3F9B]  }
0x1a: {  	s8 =	sadd.s32 $0xFFFFE003, lr  }
0x1b: {  	s9 =	sadd.s32 $0xFFFFFEF7, lr;
	s5 =	simm.s32 $0xFFFFFFFF;
	p2 =	slt.u32 s8, $0xFFFFF086  }
0x1c: {  	p1 =	slt.u32 s9, $0xF7A;
	s5 =	simm.s32 @!p2 $0x0  }
0x1d: {  	s5 =	simm.s32 @p1 $0x1;
	p0 =	seq.s32 s7, s2  }
0x1e: {  	s7 =	smul.u32 @!p0 $0xF7A, s2;
	p2 =	seq.s32 @!p0 s5, $0x0  }
0x1f: {  	s9 =	smul.u32 $0xF7A, s1;
	s8 =	simm.s32 @!p0 $0x1BF5;
	p2 =	por !p2, p0  }
0x20: {  	[sflag:s8] =	ssyncset.s32 @!p0 $0xFFFFF086;
	s6 =	sadd.s32 @!p0 s3, s7;
	s7 =	simm.s32 @!p0 $0x108  }
0x21: {  	s3 =	sadd.s32 s3, s9;
	s6 =	sadd.s32 @!p0 $0x88, s6;
	s7 =	simm.s32 @p2 $0x1082  }
0x22: {  	[simem:s7], [sflag:s8] =	dma.local @!p0 [hbm:s6], $0xF7A  }
0x23: {  	s9 =	sor.u32 $0xD0000000, s2;
	s6 =	simm.s32 $0x108;
	_ =	swait.ge @!p0 [sflag:s8], $0x0  }
0x24: {  	s3 =	sadd.s32 $0x88, s3;
	s6 =	simm.s32 @!p1 $0x1082;
	[sflag:s4] =	ssyncset.s32 $0xFFFFF086  }
0x25: {  	[simem:s6], [sflag:s4] =	dma.local [hbm:s3], $0xF7A  }
0x26: {  	[smem:$0x3F9B] =	sst s1;
	(tag) =	ssettag s2;
	_ =	strace s9  }
0x27: {  	s1 =	sld [smem:$0x3FAB]  }
0x28: {  	s2 =	sld [smem:$0x3FAC]  }
0x29: {  	s4 =	sld [smem:$0x3FAE]  }
0x2a: {  	p0 =	seq.s32 s5, $0x0;
	s5 =	sld [smem:$0x3FAF]  }
0x2b: {  	s6 =	sld [smem:$0x3FB0]  }
0x2c: {  	s7 =	sld [smem:$0x3FB1]  }
0x2d: {  	s3 =	simm.s32 $0x108;
	s8 =	sld [smem:$0x3FB2]  }
0x2e: {  	s3 =	simm.s32 @!p0 $0x1082;
	s9 =	sld [smem:$0x3FB3]  }
0x2f: {  	lr =	sadd.s32 s0, s3;
	s0 =	sld [smem:$0x3FAA]  }
0x30: {  	s3 =	sld [smem:$0x3FAD]  }
0x31: {  	[smem:$0x3FB6] =	sst s10  }
0x32: {  	s10 =	sld [smem:$0x3FB4];
	_ =	sdelay $0x3  }
0x33: {  	p0 =	seq.s32 s10, $0x1;
	s10 =	sld [smem:$0x3FB6];
	_ =	sdelay $0x3  }
0x34: {  	[smem:$0x3FB6] =	sst s10  }
0x35: {  	s10 =	sld [smem:$0x3FB5];
	_ =	sdelay $0x3  }
0x36: {  	p1 =	seq.s32 s10, $0x1;
	s10 =	sld [smem:$0x3FB6];
	_ =	sdelay $0x3  }
0x37: {  	[smem:$0x3FB6] =	sst s10  }
0x38: {  	s10 =	sld [smem:$0x3FB7]  }
0x39: {  	_ = 	snop;
	(pc) =	sbr.ind lr, $3  }
0x3a: {  	_ = 	snop  }
0x3b: {  	_ = 	snop  }
0x3c: {  	p2 =	seq.s32 s10, $0x1;
	s10 =	sld [smem:$0x3FB6]  }
0x3d: {  	_ =	shalt  }
0x3e: {  	_ =	shalt  }
0x3f: {  	_ =	shalt  }
0x40: {  	_ =	shalt  }
0x41: {  	_ =	shalt  }
0x42: {  	_ =	shalt  }
0x43: {  	_ =	shalt  }
0x44: {  	_ =	shalt  }
0x45: {  	_ =	shalt  }
0x46: {  	_ =	shalt  }
0x47: {  	_ =	shalt  }
0x48: {  	_ =	shalt  }
0x49: {  	_ =	shalt  }
0x4a: {  	_ =	shalt  }
0x4b: {  	_ =	shalt  }
0x4c: {  	_ =	shalt  }
0x4d: {  	_ =	shalt  }
0x4e: {  	_ =	shalt  }
0x4f: {  	_ =	shalt  }
0x50: {  	_ =	shalt  }
0x51: {  	_ =	shalt  }
0x52: {  	_ =	shalt  }
0x53: {  	_ =	shalt  }
0x54: {  	_ =	shalt  }
0x55: {  	_ =	shalt  }
0x56: {  	_ =	shalt  }
0x57: {  	_ =	shalt  }
0x58: {  	_ =	shalt  }
0x59: {  	_ =	shalt  }
0x5a: {  	_ =	shalt  }
0x5b: {  	_ =	shalt  }
0x5c: {  	_ =	shalt  }
0x5d: {  	_ =	shalt  }
0x5e: {  	_ =	shalt  }
0x5f: {  	_ =	shalt  }
0x60: {  	_ =	shalt  }
0x61: {  	_ =	shalt  }
0x62: {  	_ =	shalt  }
0x63: {  	_ =	shalt  }
0x64: {  	_ =	shalt  }
0x65: {  	_ =	shalt  }
0x66: {  	_ =	shalt  }
0x67: {  	_ =	shalt  }
0x68: {  	_ =	shalt  }
0x69: {  	_ =	shalt  }
0x6a: {  	_ =	shalt  }
0x6b: {  	_ =	shalt  }
0x6c: {  	_ =	shalt  }
0x6d: {  	_ =	shalt  }
0x6e: {  	_ =	shalt  }
0x6f: {  	_ =	shalt  }
0x70: {  	_ =	shalt  }
0x71: {  	_ =	shalt  }
0x72: {  	_ =	shalt  }
0x73: {  	_ =	shalt  }
0x74: {  	_ =	shalt  }
0x75: {  	_ =	shalt  }
0x76: {  	_ =	shalt  }
0x77: {  	_ =	shalt  }
0x78: {  	_ =	shalt  }
0x79: {  	_ =	shalt  }
0x7a: {  	_ =	shalt  }
0x7b: {  	_ =	shalt  }
0x7c: {  	_ =	shalt  }
0x7d: {  	_ =	shalt  }
0x7e: {  	_ =	shalt  }
0x7f: {  	_ =	shalt  }
0x80: {  	_ =	shalt  }
0x81: {  	_ =	shalt  }
0x82: {  	_ =	shalt  }
0x83: {  	_ =	shalt  }
0x84: {  	_ =	shalt  }
0x85: {  	_ =	shalt  }
0x86: {  	_ =	shalt  }
0x87: {  	_ =	shalt  }
.Lfunc_end0:
.L_simem_size_0:
called_computation_lowered:
.L_overlay_start_0:
0x88: {  	s2 =	sld [smem:$0x3FD9]  }
0x89: {  	s3 =	sld [smem:$0x3FFE];
	_ =	sdelay $0x1  }
0x8a: {  	s1 =	srdreg.scid  }
0x8b: {  	s0 =	sand.u32 $0x1, s1  }
0x8c: {  	s17 =	sshll.u32 s0, $0xA;
	s2 =	sadd.s32 s3, s2  }
0x8d: {  	s2 =	sadd.s32 s2, s17  }
0x8e: {  	[smem:$0x3FC2] =	sst s2  }
0x8f: {  	_ = 	snop  }
0x90: {  	s2 =	sld [smem:$0x3FD0];
	(tm) =	ssettm $0x1  }
0x91: {  	s18 =	sld [smem:$0x3FFB];
	_ =	sdelay $0x3  }
0x92: {  	_ =	strace s18  }
0x93: {  	s3 =	sld [smem:$0x3FFC];
	_ =	sdelay $0x3  }
0x94: {  	_ =	strace s3  }
0x95: {  	s3 =	sld [smem:$0x3FFD];
	_ =	sdelay $0x3  }
0x96: {  	_ =	strace s3  }
0x97: {  	_ =	strace $0x8FFFFFFF  }
0x98: {  	s19 =	sld [smem:$0x3FDB];
	_ =	sdelay $0x1  }
0x99: {  	s4 =	simm.s32 $_scs_section_size  }
0x9a: {  	s5 =	simm.s32 $_size__tile_overlayer_lowered;
	s6 =	simm.s32 $_tile_overlayer_lowered  }
0x9b: {  	s22 =	simm.s32 $0x1BFF;
	s21 =	sshll.u32 s6, $0x1;
	s3 =	sadd.s32 s4, s19  }
0x9c: {  	s7 =	simm.s32 $0x0;
	s20 =	sshll.u32 s5, $0x1;
	s5 =	sadd.s32 s21, s3  }
0x9d: {  	[timem:s7], [sflag:s22] =	dma.local [hbm:s5], s20  }
0x9e: {  	_ =	swait.ge [sflag:s22], s20  }
0x9f: {  	s4 =	ssub.s32 $0x0, s20;
	[sflag:s22] =	ssyncset.done $0x0  }
0xa0: {  	[sflag:s22] =	ssyncadd.s32 s4;
	_ =	sdelay $0x1  }
0xa1: {  	s23 =	simm.s32 $0x1B8B  }
0xa2: {  	_ =	swait.ge [sflag:s23], $0x1  }
0xa3: {  	[sflag:s23] =	ssyncset.done $0x0  }
0xa4: {  	s25 =	simm.s32 $0x1B8E;
	s24 =	sld [smem:$0x3FFE];
	[sflag:s23] =	ssyncadd.s32 $0xFFFFFFFF  }
0xa5: {  	s26 =	simm.s32 $execute0_lowered;
	[smem:$0x3FD2] =	sst s25  }
0xa6: {  	s5 =	sshll.u32 s26, $0x1;
	_ =	strace $0x80000046;
	[dreg:$0x1] =	wrdreg $0xFFFFFFFF  }
0xa7: {  	s28 =	simm.s32 $_size_execute0_lowered;
	s3 =	sadd.s32 s3, s5;
	[dreg:$0x0] =	wrdreg $0x0  }
0xa8: {  	s5 =	sshll.u32 s28, $0x1;
	[dreg:$0x2] =	wrdreg s3  }
0xa9: {  	[dreg:$0x3] =	wrdreg s5  }
0xaa: {  	[dreg:$0x4] =	wrdreg $0xC0  }
0xab: {  	_ =	task [dreg:s7], $0x5FFFF  }
0xac: {  	[dreg:$0x1] =	wrdreg $0xFFFFFFFF  }
0xad: {  	[dreg:$0x0] =	wrdreg $0x60  }
0xae: {  	[dreg:$0x2] =	wrdreg s24  }
0xaf: {  	[dreg:$0x3] =	wrdreg s2  }
0xb0: {  	[dreg:$0x4] =	wrdreg $0x79800  }
0xb1: {  	[dreg:$0x5] =	wrdreg $0x9  }
0xb2: {  	_ =	task.clear_ibuf [dreg:s7], $0x6FFFF;
	_ =	strace $0x90000046  }
0xb3: {  	s29 =	simm.s32 $0x9;
	_ =	strace $0x80000048  }
0xb4: {  	_ =	swait.ge [sflag:s29], $0x1  }
0xb5: {  	[sflag:s29] =	ssyncadd.s32 $0xFFFFFFFF  }
0xb6: {  	_ =	strace $0x90000048  }
0xb7: {  	_ =	sfence  }
0xb8: {  	s30 =	sld [smem:$0x0];
	_ =	sdelay $0x2  }
0xb9: {  	s31 =	sshll.u32 s1, $0xD;
	s1 =	sshrl.u32 s1, $0x2  }
0xba: {  	s3 =	sand.u32 $0x4000, s31;
	s1 =	sadd.s32 s1, s30  }
0xbb: {  	s0 =	sor.u32 s3, s0;
	s1 =	sshll.u32 s1, $0x11  }
0xbc: {  	s0 =	sor.u32 s1, s0  }
0xbd: {  	s0 =	sadd.s32 $0x8F2B, s0  }
0xbe: {  	[sflag:s0] =	ssyncadd.remote.s32 $0x1  }
0xbf: {  	_ =	sfence.sel $0xFFFF  }
0xc0: {  	[dreg:$0x0] =	wrdreg $0xFFFFFFFF;
	(pc) =	sbr.abs _section_cstart, $3  }
0xc1: {  	[dreg:$0x1] =	wrdreg $0xFFFFFFFF  }
0xc2: {  	_ =	task.clear_ibuf [dreg:s7], $0x2FFFF;
	_ =	strace $0x9FFFFFFF  }
0xc3: {  	(tm) =	ssettm $0x7FFFFFFF  }
tec
execute0_lowered:
.L_overlay_start_1:
0x0: {  	(tag) =	ssettag $0x1  }
0x1: {  	s0 =	srdreg.scid  }
0x2: {  	s1 =	rddreg [dreg:$0x0];
	s11 =	stileid.u32;
	s0 =	sand.u32 $0x1, s0  }
0x3: {  	s6 =	rddreg [dreg:$0x1];
	s8 =	smul.u32 $0x280, s11;
	s2 =	sshll.u32 s0, $0x4  }
0x4: {  	s5 =	ssub.s32 $0x2, s0;
	s0 =	smul.u32 $0x2710, s0;
	s2 =	sor.u32 s11, s2  }
0x5: {  	s7 =	rddreg [dreg:$0x2];
	s9 =	sshrl.u32 s5, $0x1;
	s3 =	smul.u32 $0x2710, s2  }
0x6: {  	s2 =	simm.s32 $0x0;
	s9 =	ssub.s32 s5, s9;
	s5 =	sadd.s32 s8, s7  }
0x7: {  	s10 =	sadd.s32 s8, s0;
	[smem:$0x7FF] =	sst s2;
	s8 =	sadd.s32 $0x2710, s5  }
0x8: {  	s23 =	sadd.s32 $0x2580, s7;
	_ =	strace $0x80000047;
	[dreg:$0x4] =	wrdreg s8  }
0x9: {  	s28 =	simm.s32 $0x6D00;
	s24 =	sadd.s32 $0x4C90, s7;
	[dreg:$0x6] =	wrdreg s23  }
0xa: {  	s29 =	simm.s32 $0x7200;
	s25 =	sadd.s32 $0x73A0, s7;
	[dreg:$0x7] =	wrdreg s24  }
0xb: {  	s30 =	simm.s32 $0x7700;
	s26 =	sadd.s32 $0x9AB0, s7;
	[dreg:$0x8] =	wrdreg s25  }
0xc: {  	s4 =	smul.u32 $0x9C40, s11;
	s31 =	sadd.s32 $0xC1C0, s7;
	[dreg:$0x9] =	wrdreg s26  }
0xd: {  	s22 =	sshrl.u32 s10, $0x3;
	s10 =	sadd.s32 $0x10FE0, s7;
	[dreg:$0xa] =	wrdreg s31  }
0xe: {  	s12 =	sadd.s32 $0x136F0, s7;
	s13 =	sadd.s32 $0x15E00, s7;
	[dreg:$0xc] =	wrdreg s10  }
0xf: {  	s14 =	sadd.s32 $0x18510, s7;
	s15 =	sadd.s32 $0x1AC20, s7;
	[dreg:$0xd] =	wrdreg s12  }
0x10: {  	s16 =	sadd.s32 $0x1D330, s7;
	s17 =	sadd.s32 $0x1FA40, s7;
	[dreg:$0xe] =	wrdreg s13  }
0x11: {  	s18 =	sadd.s32 $0x22150, s7;
	s19 =	sadd.s32 $0x24860, s7;
	[dreg:$0xf] =	wrdreg s14  }
0x12: {  	s20 =	sadd.s32 $0x26F70, s7;
	p0 =	seq.s32 s11, $0xF;
	[dreg:$0x10] =	wrdreg s15  }
0x13: {  	s21 =	sshrl.u32 s4, $0x2;
	s0 =	sshrl.u32 s0, $0x3;
	[dreg:$0x11] =	wrdreg s16  }
0x14: {  	s4 =	sadd.s32 s21, s7;
	s0 =	sadd.s32 s6, s0;
	[dreg:$0x12] =	wrdreg s17  }
0x15: {  	s21 =	sadd.s32 $0x4E20, s5;
	s11 =	sadd.s32 $0x222E0, s5;
	[dreg:$0x13] =	wrdreg s18  }
0x16: {  	s3 =	sshrl.u32 s3, $0x3;
	s8 =	sadd.s32 $0xE8D0, s7;
	[dreg:$0x14] =	wrdreg s19  }
0x17: {  	[dreg:$0x15] =	wrdreg s20;
	s0 =	sadd.s32 $0x4B0, s0;
	s25 =	smax.u32 s9, $0x1  }
0x18: {  	[dreg:$0x17] =	wrdreg s21;
	s23 =	sadd.s32 $0x9C40, s5;
	s24 =	sadd.s32 $0xC350, s5  }
0x19: {  	s26 =	sadd.s32 $0xEA60, s5;
	s31 =	sadd.s32 $0x11170, s5;
	s7 =	sadd.s32 $0x186A0, s5  }
0x1a: {  	s9 =	sadd.s32 $0x1D4C0, s5;
	s10 =	sadd.s32 $0x1FBD0, s5;
	[dreg:$0xb] =	wrdreg s8  }
0x1b: {  	s12 =	sadd.s32 $0x249F0, s5;
	s13 =	simm.s32 $0x1;
	[dreg:$0x16] =	wrdreg s0  }
0x1c: {  	s14 =	simm.s32 $0x2780;
	s15 =	simm.s32 $0x2;
	[dreg:$0x19] =	wrdreg s23  }
0x1d: {  	s16 =	simm.s32 $0x6A80;
	s17 =	simm.s32 $0x6F80;
	[dreg:$0x1a] =	wrdreg s24  }
0x1e: {  	s18 =	simm.s32 $0x7480;
	s19 =	simm.s32 $0x0;
	[dreg:$0x1b] =	wrdreg s26  }
.Ltmp0:
0x1f: {  	s1 =	sadd.s32 s1, s3;
	[dreg:$0x1c] =	wrdreg s31;
	(pc) =	sbr.rel .LBB2_1-.Ltmp0, $4  }
0x20: {  	s0 =	sadd.s32 $0x13880, s5;
	s8 =	sadd.s32 $0x1ADB0, s5;
	s23 =	simm.s32 $0x6300  }
0x21: {  	s24 =	simm.s32 $0x6580;
	s3 =	sadd.s32 $0xC440, s1;
	s1 =	sadd.s32 s6, s22  }
0x22: {  	s26 =	simm.s32 $0x6800;
	s22 =	sadd.s32 $0x7530, s5;
	[dreg:$0x5] =	wrdreg s1  }
0x23: {  	v0 =	vimm.f32 $0.0e+00;
	v1 =	vimm.f32 $1.000000000e+00;
	s6 =	sadd.s32 $0x15F90, s5;
	[dreg:$0x18] =	wrdreg s22;
	s22 =	simm.s32 $0x6080  }
.LBB2_8:
0x24: {  	v3 =	vld [tilespmem:s1+$0x0];
	_ =	sdelay $0x1  }
0x25: {  	v4 =	vld [tilespmem:s20+$0x5400];
	_ =	sdelay $0x1  }
0x26: {  	v5 =	vld [tilespmem:s20+$0x5680]  }
0x27: {  	v2 =	vadd.f32 v2, v3  }
0x28: {  	v3 =	vld [tilespmem:s20+$0x5900]  }
0x29: {  	v2 =	vadd.f32 v4, v2  }
0x2a: {  	v56 =	vld [tilespmem:s20+$0x5B80]  }
0x2b: {  	v2 =	vadd.f32 v5, v2  }
0x2c: {  	v57 =	vld [tilespmem:s20+$0x5E00]  }
0x2d: {  	v2 =	vadd.f32 v3, v2  }
0x2e: {  	v3 =	vld [tilespmem:s20+$0x6080]  }
0x2f: {  	v2 =	vadd.f32 v56, v2  }
0x30: {  	v58 =	vld [tilespmem:s20+$0x6300]  }
0x31: {  	v2 =	vadd.f32 v57, v2  }
0x32: {  	v59 =	vld [tilespmem:s20+$0x6580]  }
0x33: {  	v2 =	vadd.f32 v3, v2  }
0x34: {  	v3 =	vld [tilespmem:s20+$0x6800]  }
0x35: {  	v2 =	vadd.f32 v58, v2  }
0x36: {  	v60 =	vld [tilespmem:s20+$0x6A80]  }
0x37: {  	v2 =	vadd.f32 v59, v2  }
0x38: {  	v61 =	vld [tilespmem:s20+$0x6D00]  }
0x39: {  	v2 =	vadd.f32 v3, v2  }
0x3a: {  	v3 =	vld [tilespmem:s20+$0x6F80]  }
0x3b: {  	v2 =	vadd.f32 v60, v2  }
0x3c: {  	v62 =	vld [tilespmem:s20+$0x7200]  }
0x3d: {  	v2 =	vadd.f32 v61, v2  }
0x3e: {  	v63 =	vld [tilespmem:s20+$0x7480]  }
0x3f: {  	v2 =	vadd.f32 v3, v2;
	_ =	sdelay $0x1  }
0x40: {  	v2 =	vadd.f32 v62, v2;
	_ =	sdelay $0x1  }
0x41: {  	v2 =	vadd.f32 v63, v2  }
0x42: {  	s21 =	sadd.s32 $0x10, s31  }
0x43: {  	s31 =	rddreg [dreg:$0x5];
	[tilespmem:s21+$0x0] =	vst v2  }
0x44: {  	[hbm4b:s31+s2] =	stream.linear.scatter [tilespmem:s30], [sflag:$0x2], $0x280, $0x38;
	[tilespmem:$0xA090] =	vst v63  }
0x45: {  	_ =	swait.ge [sflag:s15], $0x280  }
0x46: {  	[sflag:s15] =	ssyncset.done $0x0  }
0x47: {  	[sflag:s15] =	ssyncadd.s32 $0xFFFFFD80  }
.LBB2_12:
0x48: {  	s19 =	sadd.s32 $0x1, s19  }
0x49: {  	p1 =	sne.s32 s19, s25  }
.Ltmp1:
0x4a: {  	_ = 	snop;
	(pc) =	sbr.rel @!p1 .LBB2_13-.Ltmp1, $1  }
0x4b: {  	_ =	sdelay $0x3  }
.LBB2_1:
0x4c: {  	[tilespmem:s2], [sflag:$0x1] =	stream.linear.gather [hbm4b:s3+s2], $0x2710, $0x38;
	[tilespmem:$0xA090] =	vst v63  }
0x4d: {  	s1 =	simm.s32 $0x40;
	s20 =	simm.s32 $0x0  }
.LBB2_2:
0x4e: {  	p1 =	sne.s32 s1, $0x9C00;
	[tilespmem:s20+$0x2780] =	vst v0;
	s20 =	smov.u32 s1;
	s1 =	sadd.s32 $0x40, s1  }
.Ltmp2:
0x4f: {  	(pc) =	sbr.rel @p1 .LBB2_2-.Ltmp2, $2  }
0x50: {  	_ =	sdelay $0x2  }
0x51: {  	s20 =	sshra.s32 s20, $0x2  }
0x52: {  	[tilespmem:s20+$0x2780] =	vst v0  }
0x53: {  	_ =	swait.ge [sflag:s13], $0x2710  }
0x54: {  	[sflag:s13] =	ssyncset.done $0x0  }
0x55: {  	s20 =	simm.s32 $0x0;
	s1 =	simm.s32 $0x40;
	[sflag:s13] =	ssyncadd.s32 $0xFFFFD8F0  }
.LBB2_4:
0x56: {  	p1 =	sne.s32 s1, $0x9C00;
	v2 =	vld [tilespmem:s20+$0x0];
	_ =	sdelay $0x3  }
.Ltmp3:
0x57: {  	(pc) =	sbr.rel @p1 .LBB2_4-.Ltmp3, $2  }
0x58: {  	_ =	sdelay $0x2  }
0x59: {  	s20 =	sshra.s32 s1, $0x2;
	s1 =	sadd.s32 $0x40, s1;
	[tilespmem:v2+s14+$0x0] =	vst.idx.add.f32.msk $0xffff, v1  }
0x5a: {  	v2 =	vld [tilespmem:s20+$0x0];
	_ =	sdelay $0x7  }
0x5b: {  	[tilespmem:v2+s14+$0x0] =	vst.idx.add.f32.msk $0xffff, v1  }
0x5c: {  	[spmem:s4] =	stream.linear.scatter [tilespmem:s14], [sflag:$0x2], $0x2710, $0x38;
	[tilespmem:$0xA090] =	vst v63  }
.Ltmp4:
0x5d: {  	_ =	swait.ge [sflag:s15], $0x2710;
	(pc) =	sbr.rel @!p0 .LBB2_6-.Ltmp4, $4  }
0x5e: {  	[sflag:s15] =	ssyncset.done $0x0  }
0x5f: {  	[sflag:s15] =	ssyncadd.s32 $0xFFFFD8F0  }
0x60: {  	[bflag:$0x0] =	sbarrier.arrive $0xFFFF  }
0x61: {  	s1 =	simm.s32 $0x4F00  }
0x62: {  	s20 =	rddreg [dreg:$0x6]  }
0x63: {  	[tilespmem:s1], [sflag:$0x2] =	stream.linear.gather [spmem:s20], $0x190, $0x38;
	[tilespmem:$0xA090] =	vst v63  }
0x64: {  	_ =	swait.ge [sflag:s15], $0x190  }
0x65: {  	[sflag:s15] =	ssyncset.done $0x0  }
0x66: {  	s21 =	simm.s32 $0x5180;
	s20 =	rddreg [dreg:$0x7];
	[sflag:s15] =	ssyncadd.s32 $0xFFFFFE70  }
0x67: {  	[tilespmem:s21], [sflag:$0x2] =	stream.linear.gather [spmem:s20], $0x190, $0x38;
	[tilespmem:$0xA090] =	vst v63  }
0x68: {  	_ =	swait.ge [sflag:s15], $0x190  }
0x69: {  	[sflag:s15] =	ssyncset.done $0x0  }
0x6a: {  	s21 =	simm.s32 $0x5400;
	s20 =	rddreg [dreg:$0x8];
	[sflag:s15] =	ssyncadd.s32 $0xFFFFFE70  }
0x6b: {  	[tilespmem:s21], [sflag:$0x2] =	stream.linear.gather [spmem:s20], $0x190, $0x38;
	[tilespmem:$0xA090] =	vst v63  }
0x6c: {  	_ =	swait.ge [sflag:s15], $0x190  }
0x6d: {  	[sflag:s15] =	ssyncset.done $0x0  }
0x6e: {  	s21 =	simm.s32 $0x5680;
	s20 =	rddreg [dreg:$0x9];
	[sflag:s15] =	ssyncadd.s32 $0xFFFFFE70  }
0x6f: {  	[tilespmem:s21], [sflag:$0x2] =	stream.linear.gather [spmem:s20], $0x190, $0x38;
	[tilespmem:$0xA090] =	vst v63  }
0x70: {  	_ =	swait.ge [sflag:s15], $0x190  }
0x71: {  	[sflag:s15] =	ssyncset.done $0x0  }
0x72: {  	s21 =	simm.s32 $0x5900;
	s20 =	rddreg [dreg:$0xa];
	[sflag:s15] =	ssyncadd.s32 $0xFFFFFE70  }
0x73: {  	[tilespmem:s21], [sflag:$0x2] =	stream.linear.gather [spmem:s20], $0x190, $0x38;
	[tilespmem:$0xA090] =	vst v63  }
0x74: {  	_ =	swait.ge [sflag:s15], $0x190  }
0x75: {  	[sflag:s15] =	ssyncset.done $0x0  }
0x76: {  	s21 =	simm.s32 $0x5B80;
	s20 =	rddreg [dreg:$0xb];
	[sflag:s15] =	ssyncadd.s32 $0xFFFFFE70  }
0x77: {  	[tilespmem:s21], [sflag:$0x2] =	stream.linear.gather [spmem:s20], $0x190, $0x38;
	[tilespmem:$0xA090] =	vst v63  }
0x78: {  	_ =	swait.ge [sflag:s15], $0x190  }
0x79: {  	[sflag:s15] =	ssyncset.done $0x0  }
0x7a: {  	s21 =	simm.s32 $0x5E00;
	s20 =	rddreg [dreg:$0xc];
	[sflag:s15] =	ssyncadd.s32 $0xFFFFFE70  }
0x7b: {  	[tilespmem:s21], [sflag:$0x2] =	stream.linear.gather [spmem:s20], $0x190, $0x38;
	[tilespmem:$0xA090] =	vst v63  }
0x7c: {  	_ =	swait.ge [sflag:s15], $0x190  }
0x7d: {  	[sflag:s15] =	ssyncset.done $0x0  }
0x7e: {  	s21 =	rddreg [dreg:$0xd];
	[sflag:s15] =	ssyncadd.s32 $0xFFFFFE70  }
0x7f: {  	[tilespmem:s22], [sflag:$0x2] =	stream.linear.gather [spmem:s21], $0x190, $0x38;
	[tilespmem:$0xA090] =	vst v63  }
0x80: {  	_ =	swait.ge [sflag:s15], $0x190  }
0x81: {  	[sflag:s15] =	ssyncset.done $0x0  }
0x82: {  	s21 =	rddreg [dreg:$0xe];
	[sflag:s15] =	ssyncadd.s32 $0xFFFFFE70  }
0x83: {  	[tilespmem:s23], [sflag:$0x2] =	stream.linear.gather [spmem:s21], $0x190, $0x38;
	[tilespmem:$0xA090] =	vst v63  }
0x84: {  	_ =	swait.ge [sflag:s15], $0x190  }
0x85: {  	[sflag:s15] =	ssyncset.done $0x0  }
0x86: {  	s21 =	rddreg [dreg:$0xf];
	[sflag:s15] =	ssyncadd.s32 $0xFFFFFE70  }
0x87: {  	[tilespmem:s24], [sflag:$0x2] =	stream.linear.gather [spmem:s21], $0x190, $0x38;
	[tilespmem:$0xA090] =	vst v63  }
0x88: {  	_ =	swait.ge [sflag:s15], $0x190  }
0x89: {  	[sflag:s15] =	ssyncset.done $0x0  }
0x8a: {  	s21 =	rddreg [dreg:$0x10];
	[sflag:s15] =	ssyncadd.s32 $0xFFFFFE70  }
0x8b: {  	[tilespmem:s26], [sflag:$0x2] =	stream.linear.gather [spmem:s21], $0x190, $0x38;
	[tilespmem:$0xA090] =	vst v63  }
0x8c: {  	_ =	swait.ge [sflag:s15], $0x190  }
0x8d: {  	[sflag:s15] =	ssyncset.done $0x0  }
0x8e: {  	s21 =	rddreg [dreg:$0x11];
	[sflag:s15] =	ssyncadd.s32 $0xFFFFFE70  }
0x8f: {  	[tilespmem:s16], [sflag:$0x2] =	stream.linear.gather [spmem:s21], $0x190, $0x38;
	[tilespmem:$0xA090] =	vst v63  }
0x90: {  	_ =	swait.ge [sflag:s15], $0x190  }
0x91: {  	[sflag:s15] =	ssyncset.done $0x0  }
0x92: {  	s21 =	rddreg [dreg:$0x12];
	[sflag:s15] =	ssyncadd.s32 $0xFFFFFE70  }
0x93: {  	[tilespmem:s28], [sflag:$0x2] =	stream.linear.gather [spmem:s21], $0x190, $0x38;
	[tilespmem:$0xA090] =	vst v63  }
0x94: {  	_ =	swait.ge [sflag:s15], $0x190  }
0x95: {  	[sflag:s15] =	ssyncset.done $0x0  }
0x96: {  	s21 =	rddreg [dreg:$0x13];
	[sflag:s15] =	ssyncadd.s32 $0xFFFFFE70  }
0x97: {  	[tilespmem:s17], [sflag:$0x2] =	stream.linear.gather [spmem:s21], $0x190, $0x38;
	[tilespmem:$0xA090] =	vst v63  }
0x98: {  	_ =	swait.ge [sflag:s15], $0x190  }
0x99: {  	[sflag:s15] =	ssyncset.done $0x0  }
0x9a: {  	s21 =	rddreg [dreg:$0x14];
	[sflag:s15] =	ssyncadd.s32 $0xFFFFFE70  }
0x9b: {  	[tilespmem:s29], [sflag:$0x2] =	stream.linear.gather [spmem:s21], $0x190, $0x38;
	[tilespmem:$0xA090] =	vst v63  }
0x9c: {  	_ =	swait.ge [sflag:s15], $0x190  }
0x9d: {  	[sflag:s15] =	ssyncset.done $0x0  }
0x9e: {  	s21 =	rddreg [dreg:$0x15];
	[sflag:s15] =	ssyncadd.s32 $0xFFFFFE70  }
0x9f: {  	[tilespmem:s18], [sflag:$0x2] =	stream.linear.gather [spmem:s21], $0x190, $0x38;
	[tilespmem:$0xA090] =	vst v63  }
0xa0: {  	_ =	swait.ge [sflag:s15], $0x190  }
0xa1: {  	s21 =	simm.s32 $0x0;
	[sflag:s15] =	ssyncset.done $0x0  }
0xa2: {  	s20 =	sand.u32 $0x1F0, s21;
	[sflag:s15] =	ssyncadd.s32 $0xFFFFFE70  }
0xa3: {  	v2 =	vld [tilespmem:s20+$0x5180]  }
0xa4: {  	v3 =	vld [tilespmem:s1+$0x0];
	_ =	sdelay $0x1  }
0xa5: {  	v4 =	vld [tilespmem:s20+$0x5400];
	_ =	sdelay $0x1  }
0xa6: {  	v5 =	vld [tilespmem:s20+$0x5680]  }
0xa7: {  	v2 =	vadd.f32 v2, v3  }
0xa8: {  	v3 =	vld [tilespmem:s20+$0x5900]  }
0xa9: {  	v2 =	vadd.f32 v4, v2  }
0xaa: {  	v56 =	vld [tilespmem:s20+$0x5B80]  }
0xab: {  	v2 =	vadd.f32 v5, v2  }
0xac: {  	v57 =	vld [tilespmem:s20+$0x5E00]  }
0xad: {  	v2 =	vadd.f32 v3, v2  }
0xae: {  	v3 =	vld [tilespmem:s20+$0x6080]  }
0xaf: {  	v2 =	vadd.f32 v56, v2  }
0xb0: {  	v58 =	vld [tilespmem:s20+$0x6300]  }
0xb1: {  	v2 =	vadd.f32 v57, v2  }
0xb2: {  	v59 =	vld [tilespmem:s20+$0x6580]  }
0xb3: {  	v2 =	vadd.f32 v3, v2  }
0xb4: {  	v3 =	vld [tilespmem:s20+$0x6800]  }
0xb5: {  	v2 =	vadd.f32 v58, v2  }
0xb6: {  	v60 =	vld [tilespmem:s20+$0x6A80]  }
0xb7: {  	v2 =	vadd.f32 v59, v2  }
0xb8: {  	v61 =	vld [tilespmem:s20+$0x6D00]  }
0xb9: {  	v2 =	vadd.f32 v3, v2  }
0xba: {  	v3 =	vld [tilespmem:s20+$0x6F80]  }
0xbb: {  	v2 =	vadd.f32 v60, v2  }
0xbc: {  	v62 =	vld [tilespmem:s20+$0x7200]  }
0xbd: {  	v2 =	vadd.f32 v61, v2  }
0xbe: {  	v63 =	vld [tilespmem:s20+$0x7480]  }
0xbf: {  	v2 =	vadd.f32 v3, v2;
	_ =	sdelay $0x1  }
0xc0: {  	v2 =	vadd.f32 v62, v2;
	_ =	sdelay $0x1  }
0xc1: {  	v2 =	vadd.f32 v63, v2  }
0xc2: {  	s31 =	simm.s32 $0x7700;
	s21 =	simm.s32 $0x10  }
0xc3: {  	s20 =	sand.u32 $0x1F0, s21;
	[tilespmem:s31+$0x0] =	vst v2  }
0xc4: {  	s1 =	simm.s32 $0x4F10;
	s21 =	simm.s32 $0x20;
	v2 =	vld [tilespmem:s20+$0x5180]  }
.LBB2_10:
0xc5: {  	p1 =	sne.s32 s21, $0x180;
	v3 =	vld [tilespmem:s1+$0x0];
	_ =	sdelay $0x1  }
0xc6: {  	v4 =	vld [tilespmem:s20+$0x5400];
	_ =	sdelay $0x1  }
0xc7: {  	v5 =	vld [tilespmem:s20+$0x5680]  }
0xc8: {  	v2 =	vadd.f32 v2, v3  }
0xc9: {  	v3 =	vld [tilespmem:s20+$0x5900]  }
0xca: {  	v2 =	vadd.f32 v4, v2  }
0xcb: {  	v4 =	vld [tilespmem:s20+$0x5B80]  }
0xcc: {  	v2 =	vadd.f32 v5, v2  }
0xcd: {  	v5 =	vld [tilespmem:s20+$0x5E00]  }
0xce: {  	v2 =	vadd.f32 v3, v2  }
0xcf: {  	v3 =	vld [tilespmem:s20+$0x6080]  }
0xd0: {  	v2 =	vadd.f32 v4, v2  }
0xd1: {  	v4 =	vld [tilespmem:s20+$0x6300]  }
0xd2: {  	v2 =	vadd.f32 v5, v2  }
0xd3: {  	v5 =	vld [tilespmem:s20+$0x6580]  }
0xd4: {  	v2 =	vadd.f32 v3, v2  }
0xd5: {  	v3 =	vld [tilespmem:s20+$0x6800]  }
0xd6: {  	v2 =	vadd.f32 v4, v2  }
0xd7: {  	v4 =	vld [tilespmem:s20+$0x6A80]  }
0xd8: {  	v2 =	vadd.f32 v5, v2  }
0xd9: {  	v5 =	vld [tilespmem:s20+$0x6D00]  }
0xda: {  	v2 =	vadd.f32 v3, v2  }
0xdb: {  	v3 =	vld [tilespmem:s20+$0x6F80]  }
0xdc: {  	v2 =	vadd.f32 v4, v2  }
0xdd: {  	v4 =	vld [tilespmem:s20+$0x7200]  }
0xde: {  	v2 =	vadd.f32 v5, v2  }
0xdf: {  	v5 =	vld [tilespmem:s20+$0x7480]  }
0xe0: {  	v2 =	vadd.f32 v3, v2;
	_ =	sdelay $0x1  }
0xe1: {  	v2 =	vadd.f32 v4, v2  }
.Ltmp5:
0xe2: {  	(pc) =	sbr.rel @p1 .LBB2_10-.Ltmp5, $4  }
0xe3: {  	v2 =	vadd.f32 v5, v2  }
0xe4: {  	s31 =	sadd.s32 $0x10, s31  }
0xe5: {  	s20 =	sand.u32 $0x1F0, s21;
	[tilespmem:s31+$0x0] =	vst v2  }
0xe6: {  	s1 =	sadd.s32 $0x10, s1;
	s21 =	sadd.s32 $0x10, s21;
	v2 =	vld [tilespmem:s20+$0x5180]  }
0xe7: {  	v3 =	vld [tilespmem:s1+$0x0];
	_ =	sdelay $0x1  }
0xe8: {  	v4 =	vld [tilespmem:s20+$0x5400];
	_ =	sdelay $0x1  }
0xe9: {  	v5 =	vld [tilespmem:s20+$0x5680]  }
0xea: {  	v2 =	vadd.f32 v2, v3  }
0xeb: {  	v3 =	vld [tilespmem:s20+$0x5900]  }
0xec: {  	v2 =	vadd.f32 v4, v2  }
0xed: {  	v56 =	vld [tilespmem:s20+$0x5B80]  }
0xee: {  	v2 =	vadd.f32 v5, v2  }
0xef: {  	v57 =	vld [tilespmem:s20+$0x5E00]  }
0xf0: {  	v2 =	vadd.f32 v3, v2  }
0xf1: {  	v3 =	vld [tilespmem:s20+$0x6080]  }
0xf2: {  	v2 =	vadd.f32 v56, v2  }
0xf3: {  	v58 =	vld [tilespmem:s20+$0x6300]  }
0xf4: {  	v2 =	vadd.f32 v57, v2  }
0xf5: {  	v59 =	vld [tilespmem:s20+$0x6580]  }
0xf6: {  	v2 =	vadd.f32 v3, v2  }
0xf7: {  	v3 =	vld [tilespmem:s20+$0x6800]  }
0xf8: {  	v2 =	vadd.f32 v58, v2  }
0xf9: {  	v60 =	vld [tilespmem:s20+$0x6A80]  }
0xfa: {  	v2 =	vadd.f32 v59, v2  }
0xfb: {  	v61 =	vld [tilespmem:s20+$0x6D00]  }
0xfc: {  	v2 =	vadd.f32 v3, v2  }
0xfd: {  	v3 =	vld [tilespmem:s20+$0x6F80]  }
0xfe: {  	v2 =	vadd.f32 v60, v2  }
0xff: {  	v62 =	vld [tilespmem:s20+$0x7200]  }
0x100: {  	v2 =	vadd.f32 v61, v2  }
0x101: {  	v63 =	vld [tilespmem:s20+$0x7480]  }
0x102: {  	v2 =	vadd.f32 v3, v2;
	_ =	sdelay $0x1  }
0x103: {  	v2 =	vadd.f32 v62, v2;
	_ =	sdelay $0x1  }
0x104: {  	v2 =	vadd.f32 v63, v2  }
0x105: {  	s21 =	sadd.s32 $0x10, s31  }
.Ltmp6:
0x106: {  	s31 =	rddreg [dreg:$0x16];
	[tilespmem:s21+$0x0] =	vst v2;
	(pc) =	sbr.rel .LBB2_12-.Ltmp6, $4  }
0x107: {  	[hbm4b:s31+s2] =	stream.linear.scatter [tilespmem:s30], [sflag:$0x2], $0x190, $0x38;
	[tilespmem:$0xA090] =	vst v63  }
0x108: {  	_ =	swait.ge [sflag:s15], $0x190  }
0x109: {  	[sflag:s15] =	ssyncset.done $0x0  }
0x10a: {  	[sflag:s15] =	ssyncadd.s32 $0xFFFFFE70  }
.LBB2_6:
0x10b: {  	[tilespmem:s1], [sflag:$0x2] =	stream.linear.gather [spmem:s5], $0x280, $0x38;
	[tilespmem:$0xA090] =	vst v63  }
0x10c: {  	_ =	swait.ge [sflag:s15], $0x280  }
0x10d: {  	[sflag:s15] =	ssyncset.done $0x0  }
0x10e: {  	s21 =	simm.s32 $0x5180;
	s20 =	rddreg [dreg:$0x4];
	[sflag:s15] =	ssyncadd.s32 $0xFFFFFD80  }
0x10f: {  	[tilespmem:s21], [sflag:$0x2] =	stream.linear.gather [spmem:s20], $0x280, $0x38;
	[tilespmem:$0xA090] =	vst v63  }
0x110: {  	_ =	swait.ge [sflag:s15], $0x280  }
0x111: {  	[sflag:s15] =	ssyncset.done $0x0  }
0x112: {  	s21 =	simm.s32 $0x5400;
	s20 =	rddreg [dreg:$0x17];
	[sflag:s15] =	ssyncadd.s32 $0xFFFFFD80  }
0x113: {  	[tilespmem:s21], [sflag:$0x2] =	stream.linear.gather [spmem:s20], $0x280, $0x38;
	[tilespmem:$0xA090] =	vst v63  }
0x114: {  	_ =	swait.ge [sflag:s15], $0x280  }
0x115: {  	[sflag:s15] =	ssyncset.done $0x0  }
0x116: {  	s21 =	simm.s32 $0x5680;
	s20 =	rddreg [dreg:$0x18];
	[sflag:s15] =	ssyncadd.s32 $0xFFFFFD80  }
0x117: {  	[tilespmem:s21], [sflag:$0x2] =	stream.linear.gather [spmem:s20], $0x280, $0x38;
	[tilespmem:$0xA090] =	vst v63  }
0x118: {  	_ =	swait.ge [sflag:s15], $0x280  }
0x119: {  	[sflag:s15] =	ssyncset.done $0x0  }
0x11a: {  	s21 =	simm.s32 $0x5900;
	s20 =	rddreg [dreg:$0x19];
	[sflag:s15] =	ssyncadd.s32 $0xFFFFFD80  }
0x11b: {  	[tilespmem:s21], [sflag:$0x2] =	stream.linear.gather [spmem:s20], $0x280, $0x38;
	[tilespmem:$0xA090] =	vst v63  }
0x11c: {  	_ =	swait.ge [sflag:s15], $0x280  }
0x11d: {  	[sflag:s15] =	ssyncset.done $0x0  }
0x11e: {  	s21 =	simm.s32 $0x5B80;
	s20 =	rddreg [dreg:$0x1a];
	[sflag:s15] =	ssyncadd.s32 $0xFFFFFD80  }
0x11f: {  	[tilespmem:s21], [sflag:$0x2] =	stream.linear.gather [spmem:s20], $0x280, $0x38;
	[tilespmem:$0xA090] =	vst v63  }
0x120: {  	_ =	swait.ge [sflag:s15], $0x280  }
0x121: {  	[sflag:s15] =	ssyncset.done $0x0  }
0x122: {  	s21 =	simm.s32 $0x5E00;
	s20 =	rddreg [dreg:$0x1b];
	[sflag:s15] =	ssyncadd.s32 $0xFFFFFD80  }
0x123: {  	[tilespmem:s21], [sflag:$0x2] =	stream.linear.gather [spmem:s20], $0x280, $0x38;
	[tilespmem:$0xA090] =	vst v63  }
0x124: {  	_ =	swait.ge [sflag:s15], $0x280  }
0x125: {  	[sflag:s15] =	ssyncset.done $0x0  }
0x126: {  	s21 =	rddreg [dreg:$0x1c];
	[sflag:s15] =	ssyncadd.s32 $0xFFFFFD80  }
0x127: {  	[tilespmem:s22], [sflag:$0x2] =	stream.linear.gather [spmem:s21], $0x280, $0x38;
	[tilespmem:$0xA090] =	vst v63  }
0x128: {  	_ =	swait.ge [sflag:s15], $0x280  }
0x129: {  	[sflag:s15] =	ssyncset.done $0x0  }
0x12a: {  	[sflag:s15] =	ssyncadd.s32 $0xFFFFFD80  }
0x12b: {  	[tilespmem:s23], [sflag:$0x2] =	stream.linear.gather [spmem:s0], $0x280, $0x38;
	[tilespmem:$0xA090] =	vst v63  }
0x12c: {  	_ =	swait.ge [sflag:s15], $0x280  }
0x12d: {  	[sflag:s15] =	ssyncset.done $0x0  }
0x12e: {  	[sflag:s15] =	ssyncadd.s32 $0xFFFFFD80  }
0x12f: {  	[tilespmem:s24], [sflag:$0x2] =	stream.linear.gather [spmem:s6], $0x280, $0x38;
	[tilespmem:$0xA090] =	vst v63  }
0x130: {  	_ =	swait.ge [sflag:s15], $0x280  }
0x131: {  	[sflag:s15] =	ssyncset.done $0x0  }
0x132: {  	[sflag:s15] =	ssyncadd.s32 $0xFFFFFD80  }
0x133: {  	[tilespmem:s26], [sflag:$0x2] =	stream.linear.gather [spmem:s7], $0x280, $0x38;
	[tilespmem:$0xA090] =	vst v63  }
0x134: {  	_ =	swait.ge [sflag:s15], $0x280  }
0x135: {  	[sflag:s15] =	ssyncset.done $0x0  }
0x136: {  	[sflag:s15] =	ssyncadd.s32 $0xFFFFFD80  }
0x137: {  	[tilespmem:s16], [sflag:$0x2] =	stream.linear.gather [spmem:s8], $0x280, $0x38;
	[tilespmem:$0xA090] =	vst v63  }
0x138: {  	_ =	swait.ge [sflag:s15], $0x280  }
0x139: {  	[sflag:s15] =	ssyncset.done $0x0  }
0x13a: {  	[sflag:s15] =	ssyncadd.s32 $0xFFFFFD80  }
0x13b: {  	[tilespmem:s28], [sflag:$0x2] =	stream.linear.gather [spmem:s9], $0x280, $0x38;
	[tilespmem:$0xA090] =	vst v63  }
0x13c: {  	_ =	swait.ge [sflag:s15], $0x280  }
0x13d: {  	[sflag:s15] =	ssyncset.done $0x0  }
0x13e: {  	[sflag:s15] =	ssyncadd.s32 $0xFFFFFD80  }
0x13f: {  	[tilespmem:s17], [sflag:$0x2] =	stream.linear.gather [spmem:s10], $0x280, $0x38;
	[tilespmem:$0xA090] =	vst v63  }
0x140: {  	_ =	swait.ge [sflag:s15], $0x280  }
0x141: {  	[sflag:s15] =	ssyncset.done $0x0  }
0x142: {  	[sflag:s15] =	ssyncadd.s32 $0xFFFFFD80  }
0x143: {  	[tilespmem:s29], [sflag:$0x2] =	stream.linear.gather [spmem:s11], $0x280, $0x38;
	[tilespmem:$0xA090] =	vst v63  }
0x144: {  	_ =	swait.ge [sflag:s15], $0x280  }
0x145: {  	[sflag:s15] =	ssyncset.done $0x0  }
0x146: {  	[sflag:s15] =	ssyncadd.s32 $0xFFFFFD80  }
0x147: {  	[tilespmem:s18], [sflag:$0x2] =	stream.linear.gather [spmem:s12], $0x280, $0x38;
	[tilespmem:$0xA090] =	vst v63  }
0x148: {  	_ =	swait.ge [sflag:s15], $0x280  }
0x149: {  	s21 =	simm.s32 $0x0;
	[sflag:s15] =	ssyncset.done $0x0  }
0x14a: {  	s20 =	sand.u32 $0x3F0, s21;
	[sflag:s15] =	ssyncadd.s32 $0xFFFFFD80  }
0x14b: {  	v2 =	vld [tilespmem:s20+$0x5180]  }
0x14c: {  	v3 =	vld [tilespmem:s1+$0x0];
	_ =	sdelay $0x1  }
0x14d: {  	v4 =	vld [tilespmem:s20+$0x5400];
	_ =	sdelay $0x1  }
0x14e: {  	v5 =	vld [tilespmem:s20+$0x5680]  }
0x14f: {  	v2 =	vadd.f32 v2, v3  }
0x150: {  	v3 =	vld [tilespmem:s20+$0x5900]  }
0x151: {  	v2 =	vadd.f32 v4, v2  }
0x152: {  	v56 =	vld [tilespmem:s20+$0x5B80]  }
0x153: {  	v2 =	vadd.f32 v5, v2  }
0x154: {  	v57 =	vld [tilespmem:s20+$0x5E00]  }
0x155: {  	v2 =	vadd.f32 v3, v2  }
0x156: {  	v3 =	vld [tilespmem:s20+$0x6080]  }
0x157: {  	v2 =	vadd.f32 v56, v2  }
0x158: {  	v58 =	vld [tilespmem:s20+$0x6300]  }
0x159: {  	v2 =	vadd.f32 v57, v2  }
0x15a: {  	v59 =	vld [tilespmem:s20+$0x6580]  }
0x15b: {  	v2 =	vadd.f32 v3, v2  }
0x15c: {  	v3 =	vld [tilespmem:s20+$0x6800]  }
0x15d: {  	v2 =	vadd.f32 v58, v2  }
0x15e: {  	v60 =	vld [tilespmem:s20+$0x6A80]  }
0x15f: {  	v2 =	vadd.f32 v59, v2  }
0x160: {  	v61 =	vld [tilespmem:s20+$0x6D00]  }
0x161: {  	v2 =	vadd.f32 v3, v2  }
0x162: {  	v3 =	vld [tilespmem:s20+$0x6F80]  }
0x163: {  	v2 =	vadd.f32 v60, v2  }
0x164: {  	v62 =	vld [tilespmem:s20+$0x7200]  }
0x165: {  	v2 =	vadd.f32 v61, v2  }
0x166: {  	v63 =	vld [tilespmem:s20+$0x7480]  }
0x167: {  	v2 =	vadd.f32 v3, v2;
	_ =	sdelay $0x1  }
0x168: {  	v2 =	vadd.f32 v62, v2;
	_ =	sdelay $0x1  }
0x169: {  	v2 =	vadd.f32 v63, v2  }
0x16a: {  	s31 =	simm.s32 $0x7700;
	s21 =	simm.s32 $0x10  }
0x16b: {  	s20 =	sand.u32 $0x3F0, s21;
	[tilespmem:s31+$0x0] =	vst v2  }
0x16c: {  	s1 =	simm.s32 $0x4F10;
	s21 =	simm.s32 $0x20;
	v2 =	vld [tilespmem:s20+$0x5180]  }
.LBB2_7:
0x16d: {  	p1 =	sne.s32 s21, $0x270;
	v3 =	vld [tilespmem:s1+$0x0];
	_ =	sdelay $0x1  }
0x16e: {  	v4 =	vld [tilespmem:s20+$0x5400];
	_ =	sdelay $0x1  }
0x16f: {  	v5 =	vld [tilespmem:s20+$0x5680]  }
0x170: {  	v2 =	vadd.f32 v2, v3  }
0x171: {  	v3 =	vld [tilespmem:s20+$0x5900]  }
0x172: {  	v2 =	vadd.f32 v4, v2  }
0x173: {  	v4 =	vld [tilespmem:s20+$0x5B80]  }
0x174: {  	v2 =	vadd.f32 v5, v2  }
0x175: {  	v5 =	vld [tilespmem:s20+$0x5E00]  }
0x176: {  	v2 =	vadd.f32 v3, v2  }
0x177: {  	v3 =	vld [tilespmem:s20+$0x6080]  }
0x178: {  	v2 =	vadd.f32 v4, v2  }
0x179: {  	v4 =	vld [tilespmem:s20+$0x6300]  }
0x17a: {  	v2 =	vadd.f32 v5, v2  }
0x17b: {  	v5 =	vld [tilespmem:s20+$0x6580]  }
0x17c: {  	v2 =	vadd.f32 v3, v2  }
0x17d: {  	v3 =	vld [tilespmem:s20+$0x6800]  }
0x17e: {  	v2 =	vadd.f32 v4, v2  }
0x17f: {  	v4 =	vld [tilespmem:s20+$0x6A80]  }
0x180: {  	v2 =	vadd.f32 v5, v2  }
0x181: {  	v5 =	vld [tilespmem:s20+$0x6D00]  }
0x182: {  	v2 =	vadd.f32 v3, v2  }
0x183: {  	v3 =	vld [tilespmem:s20+$0x6F80]  }
0x184: {  	v2 =	vadd.f32 v4, v2  }
0x185: {  	v4 =	vld [tilespmem:s20+$0x7200]  }
0x186: {  	v2 =	vadd.f32 v5, v2  }
0x187: {  	v5 =	vld [tilespmem:s20+$0x7480]  }
0x188: {  	v2 =	vadd.f32 v3, v2;
	_ =	sdelay $0x1  }
0x189: {  	v2 =	vadd.f32 v4, v2  }
.Ltmp7:
0x18a: {  	(pc) =	sbr.rel @p1 .LBB2_7-.Ltmp7, $4  }
0x18b: {  	v2 =	vadd.f32 v5, v2  }
0x18c: {  	s31 =	sadd.s32 $0x10, s31  }
0x18d: {  	s20 =	sand.u32 $0x3F0, s21;
	[tilespmem:s31+$0x0] =	vst v2  }
0x18e: {  	s1 =	sadd.s32 $0x10, s1;
	s21 =	sadd.s32 $0x10, s21;
	v2 =	vld [tilespmem:s20+$0x5180]  }
.Ltmp8:
0x18f: {  	_ = 	snop;
	(pc) =	sbr.rel .LBB2_8-.Ltmp8, $1  }
0x190: {  	_ =	sdelay $0x3  }
.LBB2_13:
0x191: {  	_ =	sfence.sel $0x180000  }
0x192: {  	[bflag:$0x0] =	sbarrier.arrive $0xFFFF  }
0x193: {  	_ =	strace $0x90000047  }
0x194: {  	s0 =	stileid.u32;
	[bflag:$0x2] =	sbarrier.arrive $0xFFFF  }
0x195: {  	p0 =	sne.s32 s0, $0x0;
	s0 =	rddreg [dreg:$0x3]  }
0x196: {  	s0 =	sadd.s32 @!p0 $0x100000, s0  }
0x197: {  	[sflag:s0] =	ssyncadd.tile.s32 @!p0 $0x1;
	_ =	shalt  }
.Lfunc_end2:
_tile_overlayer_lowered:
.L_overlay_start_2:
0x198: {  	(tag) =	ssettag $0x2  }
0x199: {  	s0 =	rddreg [dreg:$0x0];
	s2 =	stileid.u32  }
0x19a: {  	s1 =	rddreg [dreg:$0x1];
	p0 =	sne.s32 s2, $0x0  }
0x19b: {  	s3 =	rddreg [dreg:$0x2];
	[bflag:$0x3] =	sbarrier.arrive $0xFFFF;
	s2 =	simm.s32 @!p0 $0x1C02  }
0x19c: {  	[timem:s3], [sflag:s2] =	dma.local @!p0 [hbm:s0], s1  }
0x19d: {  	s0 =	simm.s32 @!p0 $0x2  }
0x19e: {  	_ =	swait.ge @!p0 [sflag:s0], s1  }
0x19f: {  	s1 =	ssub.s32 @!p0 $0x0, s1;
	[sflag:s0] =	ssyncset.done @!p0 $0x0  }
0x1a0: {  	[sflag:s0] =	ssyncadd.s32 @!p0 s1  }
0x1a1: {  	[bflag:$0x3] =	sbarrier.arrive $0xFFFF  }
0x1a2: {  	_ =	shalt  }

</sc_bundles>
